<compile_context>
chip_gen: v7x
topology: tpu7x:2x2x1
jax: 0.10.2.dev20260603
libtpu: 0.0.44.dev20260713+nightly
codegen_flags: <defaults>
</compile_context>

<pallas_src>
import functools

import jax
import jax.numpy as jnp
from jax import lax
from jax.experimental import pallas as pl
from jax.experimental.pallas import tpu as pltpu
from jax.experimental.pallas import tpu_sc as plsc

C = 4
K = 1024
HD = 512
TOK_TILE = 512
N_SLABS = 2


def _ids_kernel(x_ref, cb_ref, cbsq_ref, csq_ref, ids_ref):
    xb = x_ref[...]
    rows = []
    for c in range(C):
        xc = xb[:, c * HD:(c + 1) * HD]
        cb = cb_ref[c]
        comp_sq = csq_ref[:, c][:, None]
        cb_sq = cbsq_ref[c, :][None, :]
        cross = lax.dot_general(
            xc, cb, (((1,), (1,)), ((), ())),
            preferred_element_type=jnp.float32)
        d2 = jnp.maximum((comp_sq + cb_sq) - 2.0 * cross, 0.0)
        dist = jnp.sqrt(d2)
        m = jnp.min(dist, axis=1, keepdims=True)
        iota = lax.broadcasted_iota(jnp.int32, dist.shape, 1)
        idx = jnp.min(jnp.where(dist == m, iota, K), axis=1)
        rows.append((idx + c * K)[None, :])
    ids_ref[...] = jnp.concatenate(rows, axis=0)


def _compute_ids(x2d, codebook, cbsq, csq, slab, slab_tok):
    tiles_per_slab = slab_tok // TOK_TILE
    return pl.pallas_call(
        _ids_kernel,
        grid=(tiles_per_slab,),
        in_specs=[
            pl.BlockSpec((TOK_TILE, C * HD),
                         lambda i: (slab * tiles_per_slab + i, 0)),
            pl.BlockSpec((C, K, HD), lambda i: (0, 0, 0)),
            pl.BlockSpec((C, K), lambda i: (0, 0)),
            pl.BlockSpec((TOK_TILE, C),
                         lambda i: (slab * tiles_per_slab + i, 0)),
        ],
        out_specs=pl.BlockSpec((C, TOK_TILE), lambda i: (0, i)),
        out_shape=jax.ShapeDtypeStruct((C, slab_tok), jnp.int32),
    )(x2d, codebook, cbsq, csq)


def _make_gather(slab_tok, t_offset):
    info = plsc.get_sparse_core_info()
    nc, ns = info.num_cores, info.num_subcores
    nw = nc * ns
    tb = 16
    per_w = slab_tok // tb // nw
    tok_per_w = slab_tok // nw
    mesh = plsc.VectorSubcoreMesh(core_axis_name="c", subcore_axis_name="s")

    @functools.partial(
        pl.kernel, mesh=mesh,
        out_type=(),
        scratch_types=[
            pltpu.VMEM((C, slab_tok), jnp.int32),
            pltpu.VMEM((2, tb, C * HD), jnp.float32),
            pltpu.SemaphoreType.DMA,
            pltpu.SemaphoreType.DMA,
            pltpu.SemaphoreType.DMA,
            pltpu.SemaphoreType.DMA,
        ],
    )
    def gather_k(table_hbm, ids_hbm, out_hbm, stage_v, rows_v, g0, g1, w0, w1):
        wid = lax.axis_index("s") * nc + lax.axis_index("c")
        t_base = wid * tok_per_w
        pltpu.sync_copy(ids_hbm, stage_v)
        gsem, wsem = (g0, g1), (w0, w1)
        writes = [None, None]
        for j in range(per_w):
            p = j % 2
            if writes[p] is not None:
                writes[p].wait()
            cps = [pltpu.async_copy(
                table_hbm.at[stage_v.at[c, pl.ds(t_base + j * tb, tb)]],
                rows_v.at[p, :, pl.ds(c * HD, HD)], gsem[p]) for c in range(C)]
            for cp in cps:
                cp.wait()
            writes[p] = pltpu.async_copy(
                rows_v.at[p], out_hbm.at[pl.ds(t_offset + t_base + j * tb, tb)],
                wsem[p])
        for w in writes:
            if w is not None:
                w.wait()

    return gather_k


def kernel(x, codebook):
    B, S, D = x.shape
    n_tok = B * S
    slab_tok = n_tok // N_SLABS
    x2d = x.reshape(n_tok, D)
    table = codebook.reshape(C * K, HD)
    cbsq = jnp.sum(codebook * codebook, axis=-1)
    comp = x.reshape(B, S, C, HD).transpose(0, 2, 1, 3)
    tiny = jnp.einsum('bcsh,ckh->bcsk', comp, codebook[:, :8, :])
    comp_sq = jnp.sum(comp * comp, axis=-1) + jnp.sum(tiny) * 0.0
    csq = comp_sq.transpose(0, 2, 1).reshape(n_tok, C)
    out_ref = jax.new_ref(lax.empty((n_tok, D), jnp.float32))
    for slab in range(N_SLABS):
        ids = _compute_ids(x2d, codebook, cbsq, csq, slab, slab_tok)
        _make_gather(slab_tok, slab * slab_tok)(table, ids, out_ref)
    return out_ref[...].reshape(B, S, D)

# --- scband reference (transcript-rebuilt; emitter-appended) ---
"""Pipeline reference for scband-compositional-codebook-layer2-58394375357112 (READ-ONLY COPY).

The authoritative reference and input builder live on the scoring server;
editing this copy changes nothing except your own understanding.
"""

import jax, jax.numpy as jnp
import numpy as np


def setup_inputs(seed: int = 0) -> dict:
    key = jax.random.key(seed)
    kx, kc = jax.random.split(key)
    x = jax.random.normal(kx, (2, 2048, 2048), dtype=jnp.float32)
    # codebook parameter: (num_codebooks=4, num_codes=1024, dim//num_codebooks=512)
    codebook = jax.random.normal(kc, (4, 1024, 512), dtype=jnp.float32)
    return {"x": x, "codebook": codebook}


def reference(x, codebook):
    # CompositionalCodebookLayer2.forward with CompostionalEuclideanSnapFunction, k=1
    B, S, D = x.shape
    C, K, hd = codebook.shape
    # comp_input: (B, C, S, hd)
    comp = x.reshape(B, S, C, hd).transpose(0, 2, 1, 3)
    # torch.cdist(comp, codebook, p=2) -> (B, C, S, K), via quadratic expansion
    comp_sq = jnp.sum(comp * comp, axis=-1)[..., None]                    # (B, C, S, 1)
    cb_sq = jnp.sum(codebook * codebook, axis=-1)[None, :, None, :]       # (1, C, 1, K)
    cross = jnp.einsum('bcsh,ckh->bcsk', comp, codebook)                  # (B, C, S, K)
    d2 = jnp.maximum(comp_sq + cb_sq - 2.0 * cross, 0.0)
    dist = jnp.sqrt(d2)
    logits = -dist.transpose(0, 2, 1, 3)                                  # (B, S, C, K)
    # topk with k=1 (BaseSnapFunction.k = 1)
    _, codebook_ids = jax.lax.top_k(logits, 1)                            # (B, S, C, 1)
    # embedding lookup per codebook, concat on feature dim, mean over k
    outs = [jnp.take(codebook[i], codebook_ids[:, :, i, :], axis=0) for i in range(C)]  # each (B, S, 1, hd)
    outputs = jnp.concatenate(outs, axis=-1).sum(axis=-2) / 1.0           # (B, S, D)
    # module forward returns only the snapped output (ids used for host-side counters)
    return outputs

if __name__ == "__main__":
    import jax
    _d = setup_inputs()
    print(jax.jit(kernel)(*tuple(_d.values())))

</pallas_src>

<mosaic_0001>
#map = affine_map<(d0, d1) -> (0, 0)>
module attributes {stable_mosaic.version = 14 : i64} {
  func.func @new_body(%arg0: i32, %arg1: i32, %arg2: memref<4096x512xf32, #tpu.memory_space<hbm>>, %arg3: memref<4x2048xi32, #tpu.memory_space<hbm>>, %arg4: memref<4096x2048xf32, #tpu.memory_space<hbm>>, %arg5: memref<4096x2048xf32, #tpu.memory_space<hbm>>, %arg6: memref<4x2048xi32, #tpu.memory_space<vmem>>, %arg7: memref<2x16x2048xf32, #tpu.memory_space<vmem>>, %arg8: memref<!tpu.dma_semaphore, #tpu.memory_space<semaphore_mem>>, %arg9: memref<!tpu.dma_semaphore, #tpu.memory_space<semaphore_mem>>, %arg10: memref<!tpu.dma_semaphore, #tpu.memory_space<semaphore_mem>>, %arg11: memref<!tpu.dma_semaphore, #tpu.memory_space<semaphore_mem>>) attributes {dimension_semantics = [#tpu.dimension_semantics<core_parallel>, #tpu.dimension_semantics<subcore_parallel>], iteration_bounds = array<i64: 2, 16>, scalar_prefetch = 0 : i64, scratch_operands = 6 : i64, tpu.core_type = #tpu.core_type<sc_vector_subcore>, window_params = [{transform_indices = #map}, {transform_indices = #map}, {transform_indices = #map}, {transform_indices = #map}]} {
    %mul3A = arith.constant 2 : i32
    %mul3A_0 = arith.muli %arg1, %mul3A : i32
    %add3A = arith.addi %mul3A_0, %arg0 : i32
    %mul3A_1 = arith.constant 64 : i32
    %mul3A_2 = arith.muli %add3A, %mul3A_1 : i32
    "tpu.region"() ({
      %run_scoped3A = tpu.sem_alloc : memref<!tpu.dma_semaphore, #tpu.memory_space<semaphore_mem>>
      tpu.enqueue_dma source(%arg3 : memref<4x2048xi32, #tpu.memory_space<hbm>>) target(%arg6 : memref<4x2048xi32, #tpu.memory_space<vmem>>) target_semaphore(%run_scoped3A : memref<!tpu.dma_semaphore, #tpu.memory_space<semaphore_mem>>)
      tpu.wait_dma2 semaphore(%run_scoped3A : memref<!tpu.dma_semaphore, #tpu.memory_space<semaphore_mem>>) src(%arg3 : memref<4x2048xi32, #tpu.memory_space<hbm>>) dst(%arg6 : memref<4x2048xi32, #tpu.memory_space<vmem>>)
      tpu.yield
    }) : () -> ()
    %add3A_3 = arith.constant 0 : i32
    %add3A_4 = arith.addi %mul3A_2, %add3A_3 : i32
    %dma_start3A = arith.constant 0 : i32
    %dma_start3A_5 = arith.constant 0 : i32
    %dma_start3A_6 = arith.constant 0 : i32
    %dma_start3A_7 = arith.constant 0 : i32
    %dma_start3A_8 = tpu.memref_slice %arg7[%dma_start3A_5, %dma_start3A_6, %dma_start3A_7] : memref<2x16x2048xf32, #tpu.memory_space<vmem>> -> memref<1x16x512xf32, #tpu.memory_space<vmem>>
    %dma_start3A_9 = tpu.memref_squeeze %dma_start3A_8 : memref<1x16x512xf32, #tpu.memory_space<vmem>> -> memref<16x512xf32, #tpu.memory_space<vmem>>
    %dma_start3A_10 = tpu.memref_slice %arg6[%dma_start3A, %add3A_4] : memref<4x2048xi32, #tpu.memory_space<vmem>> -> memref<1x16xi32, #tpu.memory_space<vmem>>
    %dma_start3A_11 = tpu.memref_squeeze %dma_start3A_10 : memref<1x16xi32, #tpu.memory_space<vmem>> -> memref<16xi32, #tpu.memory_space<vmem>>
    %dma_start3A_12 = arith.constant 0 : i32
    %dma_start3A_13 = arith.constant 0 : i32
    %dma_start3A_14 = tpu.memref_slice %arg2[%dma_start3A_12, %dma_start3A_13] : memref<4096x512xf32, #tpu.memory_space<hbm>> -> memref<4096x512xf32, #tpu.memory_space<hbm>>
    tpu.enqueue_indirect_dma source(%dma_start3A_14 : memref<4096x512xf32, #tpu.memory_space<hbm>>) target(%dma_start3A_9 : memref<16x512xf32, #tpu.memory_space<vmem>>) offsets(%dma_start3A_11 : memref<16xi32, #tpu.memory_space<vmem>>) semaphore(%arg8 : memref<!tpu.dma_semaphore, #tpu.memory_space<semaphore_mem>>)
    %add3A_15 = arith.constant 0 : i32
    %add3A_16 = arith.addi %mul3A_2, %add3A_15 : i32
    %dma_start3A_17 = arith.constant 1 : i32
    %dma_start3A_18 = arith.constant 0 : i32
    %dma_start3A_19 = arith.constant 0 : i32
    %dma_start3A_20 = arith.constant 512 : i32
    %dma_start3A_21 = tpu.memref_slice %arg7[%dma_start3A_18, %dma_start3A_19, %dma_start3A_20] : memref<2x16x2048xf32, #tpu.memory_space<vmem>> -> memref<1x16x512xf32, #tpu.memory_space<vmem>>
    %dma_start3A_22 = tpu.memref_squeeze %dma_start3A_21 : memref<1x16x512xf32, #tpu.memory_space<vmem>> -> memref<16x512xf32, #tpu.memory_space<vmem>>
    %dma_start3A_23 = tpu.memref_slice %arg6[%dma_start3A_17, %add3A_16] : memref<4x2048xi32, #tpu.memory_space<vmem>> -> memref<1x16xi32, #tpu.memory_space<vmem>>
    %dma_start3A_24 = tpu.memref_squeeze %dma_start3A_23 : memref<1x16xi32, #tpu.memory_space<vmem>> -> memref<16xi32, #tpu.memory_space<vmem>>
    %dma_start3A_25 = arith.constant 0 : i32
    %dma_start3A_26 = arith.constant 0 : i32
    %dma_start3A_27 = tpu.memref_slice %arg2[%dma_start3A_25, %dma_start3A_26] : memref<4096x512xf32, #tpu.memory_space<hbm>> -> memref<4096x512xf32, #tpu.memory_space<hbm>>
    tpu.enqueue_indirect_dma source(%dma_start3A_27 : memref<4096x512xf32, #tpu.memory_space<hbm>>) target(%dma_start3A_22 : memref<16x512xf32, #tpu.memory_space<vmem>>) offsets(%dma_start3A_24 : memref<16xi32, #tpu.memory_space<vmem>>) semaphore(%arg8 : memref<!tpu.dma_semaphore, #tpu.memory_space<semaphore_mem>>)
    %add3A_28 = arith.constant 0 : i32
    %add3A_29 = arith.addi %mul3A_2, %add3A_28 : i32
    %dma_start3A_30 = arith.constant 2 : i32
    %dma_start3A_31 = arith.constant 0 : i32
    %dma_start3A_32 = arith.constant 0 : i32
    %dma_start3A_33 = arith.constant 1024 : i32
    %dma_start3A_34 = tpu.memref_slice %arg7[%dma_start3A_31, %dma_start3A_32, %dma_start3A_33] : memref<2x16x2048xf32, #tpu.memory_space<vmem>> -> memref<1x16x512xf32, #tpu.memory_space<vmem>>
    %dma_start3A_35 = tpu.memref_squeeze %dma_start3A_34 : memref<1x16x512xf32, #tpu.memory_space<vmem>> -> memref<16x512xf32, #tpu.memory_space<vmem>>
    %dma_start3A_36 = tpu.memref_slice %arg6[%dma_start3A_30, %add3A_29] : memref<4x2048xi32, #tpu.memory_space<vmem>> -> memref<1x16xi32, #tpu.memory_space<vmem>>
    %dma_start3A_37 = tpu.memref_squeeze %dma_start3A_36 : memref<1x16xi32, #tpu.memory_space<vmem>> -> memref<16xi32, #tpu.memory_space<vmem>>
    %dma_start3A_38 = arith.constant 0 : i32
    %dma_start3A_39 = arith.constant 0 : i32
    %dma_start3A_40 = tpu.memref_slice %arg2[%dma_start3A_38, %dma_start3A_39] : memref<4096x512xf32, #tpu.memory_space<hbm>> -> memref<4096x512xf32, #tpu.memory_space<hbm>>
    tpu.enqueue_indirect_dma source(%dma_start3A_40 : memref<4096x512xf32, #tpu.memory_space<hbm>>) target(%dma_start3A_35 : memref<16x512xf32, #tpu.memory_space<vmem>>) offsets(%dma_start3A_37 : memref<16xi32, #tpu.memory_space<vmem>>) semaphore(%arg8 : memref<!tpu.dma_semaphore, #tpu.memory_space<semaphore_mem>>)
    %add3A_41 = arith.constant 0 : i32
    %add3A_42 = arith.addi %mul3A_2, %add3A_41 : i32
    %dma_start3A_43 = arith.constant 3 : i32
    %dma_start3A_44 = arith.constant 0 : i32
    %dma_start3A_45 = arith.constant 0 : i32
    %dma_start3A_46 = arith.constant 1536 : i32
    %dma_start3A_47 = tpu.memref_slice %arg7[%dma_start3A_44, %dma_start3A_45, %dma_start3A_46] : memref<2x16x2048xf32, #tpu.memory_space<vmem>> -> memref<1x16x512xf32, #tpu.memory_space<vmem>>
    %dma_start3A_48 = tpu.memref_squeeze %dma_start3A_47 : memref<1x16x512xf32, #tpu.memory_space<vmem>> -> memref<16x512xf32, #tpu.memory_space<vmem>>
    %dma_start3A_49 = tpu.memref_slice %arg6[%dma_start3A_43, %add3A_42] : memref<4x2048xi32, #tpu.memory_space<vmem>> -> memref<1x16xi32, #tpu.memory_space<vmem>>
    %dma_start3A_50 = tpu.memref_squeeze %dma_start3A_49 : memref<1x16xi32, #tpu.memory_space<vmem>> -> memref<16xi32, #tpu.memory_space<vmem>>
    %dma_start3A_51 = arith.constant 0 : i32
    %dma_start3A_52 = arith.constant 0 : i32
    %dma_start3A_53 = tpu.memref_slice %arg2[%dma_start3A_51, %dma_start3A_52] : memref<4096x512xf32, #tpu.memory_space<hbm>> -> memref<4096x512xf32, #tpu.memory_space<hbm>>
    tpu.enqueue_indirect_dma source(%dma_start3A_53 : memref<4096x512xf32, #tpu.memory_space<hbm>>) target(%dma_start3A_48 : memref<16x512xf32, #tpu.memory_space<vmem>>) offsets(%dma_start3A_50 : memref<16xi32, #tpu.memory_space<vmem>>) semaphore(%arg8 : memref<!tpu.dma_semaphore, #tpu.memory_space<semaphore_mem>>)
    %dma_wait3A = arith.constant 0 : i32
    %dma_wait3A_54 = arith.constant 0 : i32
    %dma_wait3A_55 = arith.constant 0 : i32
    %dma_wait3A_56 = arith.constant 0 : i32
    %dma_wait3A_57 = tpu.memref_slice %arg7[%dma_wait3A_54, %dma_wait3A_55, %dma_wait3A_56] : memref<2x16x2048xf32, #tpu.memory_space<vmem>> -> memref<1x16x512xf32, #tpu.memory_space<vmem>>
    %dma_wait3A_58 = tpu.memref_squeeze %dma_wait3A_57 : memref<1x16x512xf32, #tpu.memory_space<vmem>> -> memref<16x512xf32, #tpu.memory_space<vmem>>
    %dma_wait3A_59 = tpu.memref_slice %arg6[%dma_wait3A, %add3A_4] : memref<4x2048xi32, #tpu.memory_space<vmem>> -> memref<1x16xi32, #tpu.memory_space<vmem>>
    %dma_wait3A_60 = tpu.memref_squeeze %dma_wait3A_59 : memref<1x16xi32, #tpu.memory_space<vmem>> -> memref<16xi32, #tpu.memory_space<vmem>>
    %dma_wait3A_61 = arith.constant 0 : i32
    %dma_wait3A_62 = arith.constant 0 : i32
    %dma_wait3A_63 = tpu.memref_slice %arg2[%dma_wait3A_61, %dma_wait3A_62] : memref<4096x512xf32, #tpu.memory_space<hbm>> -> memref<4096x512xf32, #tpu.memory_space<hbm>>
    tpu.wait_indirect_dma semaphore(%arg8 : memref<!tpu.dma_semaphore, #tpu.memory_space<semaphore_mem>>) src(%dma_wait3A_63 : memref<4096x512xf32, #tpu.memory_space<hbm>>) dst(%dma_wait3A_58 : memref<16x512xf32, #tpu.memory_space<vmem>>)
    %dma_wait3A_64 = arith.constant 1 : i32
    %dma_wait3A_65 = arith.constant 0 : i32
    %dma_wait3A_66 = arith.constant 0 : i32
    %dma_wait3A_67 = arith.constant 512 : i32
    %dma_wait3A_68 = tpu.memref_slice %arg7[%dma_wait3A_65, %dma_wait3A_66, %dma_wait3A_67] : memref<2x16x2048xf32, #tpu.memory_space<vmem>> -> memref<1x16x512xf32, #tpu.memory_space<vmem>>
    %dma_wait3A_69 = tpu.memref_squeeze %dma_wait3A_68 : memref<1x16x512xf32, #tpu.memory_space<vmem>> -> memref<16x512xf32, #tpu.memory_space<vmem>>
    %dma_wait3A_70 = tpu.memref_slice %arg6[%dma_wait3A_64, %add3A_16] : memref<4x2048xi32, #tpu.memory_space<vmem>> -> memref<1x16xi32, #tpu.memory_space<vmem>>
    %dma_wait3A_71 = tpu.memref_squeeze %dma_wait3A_70 : memref<1x16xi32, #tpu.memory_space<vmem>> -> memref<16xi32, #tpu.memory_space<vmem>>
    %dma_wait3A_72 = arith.constant 0 : i32
    %dma_wait3A_73 = arith.constant 0 : i32
    %dma_wait3A_74 = tpu.memref_slice %arg2[%dma_wait3A_72, %dma_wait3A_73] : memref<4096x512xf32, #tpu.memory_space<hbm>> -> memref<4096x512xf32, #tpu.memory_space<hbm>>
    tpu.wait_indirect_dma semaphore(%arg8 : memref<!tpu.dma_semaphore, #tpu.memory_space<semaphore_mem>>) src(%dma_wait3A_74 : memref<4096x512xf32, #tpu.memory_space<hbm>>) dst(%dma_wait3A_69 : memref<16x512xf32, #tpu.memory_space<vmem>>)
    %dma_wait3A_75 = arith.constant 2 : i32
    %dma_wait3A_76 = arith.constant 0 : i32
    %dma_wait3A_77 = arith.constant 0 : i32
    %dma_wait3A_78 = arith.constant 1024 : i32
    %dma_wait3A_79 = tpu.memref_slice %arg7[%dma_wait3A_76, %dma_wait3A_77, %dma_wait3A_78] : memref<2x16x2048xf32, #tpu.memory_space<vmem>> -> memref<1x16x512xf32, #tpu.memory_space<vmem>>
    %dma_wait3A_80 = tpu.memref_squeeze %dma_wait3A_79 : memref<1x16x512xf32, #tpu.memory_space<vmem>> -> memref<16x512xf32, #tpu.memory_space<vmem>>
    %dma_wait3A_81 = tpu.memref_slice %arg6[%dma_wait3A_75, %add3A_29] : memref<4x2048xi32, #tpu.memory_space<vmem>> -> memref<1x16xi32, #tpu.memory_space<vmem>>
    %dma_wait3A_82 = tpu.memref_squeeze %dma_wait3A_81 : memref<1x16xi32, #tpu.memory_space<vmem>> -> memref<16xi32, #tpu.memory_space<vmem>>
    %dma_wait3A_83 = arith.constant 0 : i32
    %dma_wait3A_84 = arith.constant 0 : i32
    %dma_wait3A_85 = tpu.memref_slice %arg2[%dma_wait3A_83, %dma_wait3A_84] : memref<4096x512xf32, #tpu.memory_space<hbm>> -> memref<4096x512xf32, #tpu.memory_space<hbm>>
    tpu.wait_indirect_dma semaphore(%arg8 : memref<!tpu.dma_semaphore, #tpu.memory_space<semaphore_mem>>) src(%dma_wait3A_85 : memref<4096x512xf32, #tpu.memory_space<hbm>>) dst(%dma_wait3A_80 : memref<16x512xf32, #tpu.memory_space<vmem>>)
    %dma_wait3A_86 = arith.constant 3 : i32
    %dma_wait3A_87 = arith.constant 0 : i32
    %dma_wait3A_88 = arith.constant 0 : i32
    %dma_wait3A_89 = arith.constant 1536 : i32
    %dma_wait3A_90 = tpu.memref_slice %arg7[%dma_wait3A_87, %dma_wait3A_88, %dma_wait3A_89] : memref<2x16x2048xf32, #tpu.memory_space<vmem>> -> memref<1x16x512xf32, #tpu.memory_space<vmem>>
    %dma_wait3A_91 = tpu.memref_squeeze %dma_wait3A_90 : memref<1x16x512xf32, #tpu.memory_space<vmem>> -> memref<16x512xf32, #tpu.memory_space<vmem>>
    %dma_wait3A_92 = tpu.memref_slice %arg6[%dma_wait3A_86, %add3A_42] : memref<4x2048xi32, #tpu.memory_space<vmem>> -> memref<1x16xi32, #tpu.memory_space<vmem>>
    %dma_wait3A_93 = tpu.memref_squeeze %dma_wait3A_92 : memref<1x16xi32, #tpu.memory_space<vmem>> -> memref<16xi32, #tpu.memory_space<vmem>>
    %dma_wait3A_94 = arith.constant 0 : i32
    %dma_wait3A_95 = arith.constant 0 : i32
    %dma_wait3A_96 = tpu.memref_slice %arg2[%dma_wait3A_94, %dma_wait3A_95] : memref<4096x512xf32, #tpu.memory_space<hbm>> -> memref<4096x512xf32, #tpu.memory_space<hbm>>
    tpu.wait_indirect_dma semaphore(%arg8 : memref<!tpu.dma_semaphore, #tpu.memory_space<semaphore_mem>>) src(%dma_wait3A_96 : memref<4096x512xf32, #tpu.memory_space<hbm>>) dst(%dma_wait3A_91 : memref<16x512xf32, #tpu.memory_space<vmem>>)
    %add3A_97 = arith.constant 2048 : i32
    %add3A_98 = arith.addi %add3A_97, %mul3A_2 : i32
    %add3A_99 = arith.constant 0 : i32
    %add3A_100 = arith.addi %add3A_98, %add3A_99 : i32
    %dma_start3A_101 = arith.constant 0 : i32
    %dma_start3A_102 = arith.constant 0 : i32
    %dma_start3A_103 = arith.constant 0 : i32
    %dma_start3A_104 = tpu.memref_slice %arg7[%dma_start3A_101, %dma_start3A_102, %dma_start3A_103] : memref<2x16x2048xf32, #tpu.memory_space<vmem>> -> memref<1x16x2048xf32, #tpu.memory_space<vmem>>
    %dma_start3A_105 = tpu.memref_squeeze %dma_start3A_104 : memref<1x16x2048xf32, #tpu.memory_space<vmem>> -> memref<16x2048xf32, #tpu.memory_space<vmem>>
    %dma_start3A_106 = arith.constant 0 : i32
    %dma_start3A_107 = tpu.memref_slice %arg4[%add3A_100, %dma_start3A_106] : memref<4096x2048xf32, #tpu.memory_space<hbm>> -> memref<16x2048xf32, #tpu.memory_space<hbm>>
    %dma_start3A_108 = arith.constant 0 : i32
    %dma_start3A_109 = tpu.memref_slice %arg4[%add3A_100, %dma_start3A_108] : memref<4096x2048xf32, #tpu.memory_space<hbm>> -> memref<16x2048xf32, #tpu.memory_space<hbm>>
    %dma_start3A_110 = arith.constant 0 : i32
    %dma_start3A_111 = arith.constant 0 : i32
    %dma_start3A_112 = tpu.memref_slice %arg7[%dma_start3A_101, %dma_start3A_110, %dma_start3A_111] : memref<2x16x2048xf32, #tpu.memory_space<vmem>> -> memref<1x16x2048xf32, #tpu.memory_space<vmem>>
    %dma_start3A_113 = tpu.memref_squeeze %dma_start3A_112 : memref<1x16x2048xf32, #tpu.memory_space<vmem>> -> memref<16x2048xf32, #tpu.memory_space<vmem>>
    tpu.enqueue_dma source(%dma_start3A_113 : memref<16x2048xf32, #tpu.memory_space<vmem>>) target(%dma_start3A_109 : memref<16x2048xf32, #tpu.memory_space<hbm>>) target_semaphore(%arg10 : memref<!tpu.dma_semaphore, #tpu.memory_space<semaphore_mem>>)
    %add3A_114 = arith.constant 16 : i32
    %add3A_115 = arith.addi %mul3A_2, %add3A_114 : i32
    %dma_start3A_116 = arith.constant 0 : i32
    %dma_start3A_117 = arith.constant 1 : i32
    %dma_start3A_118 = arith.constant 0 : i32
    %dma_start3A_119 = arith.constant 0 : i32
    %dma_start3A_120 = tpu.memref_slice %arg7[%dma_start3A_117, %dma_start3A_118, %dma_start3A_119] : memref<2x16x2048xf32, #tpu.memory_space<vmem>> -> memref<1x16x512xf32, #tpu.memory_space<vmem>>
    %dma_start3A_121 = tpu.memref_squeeze %dma_start3A_120 : memref<1x16x512xf32, #tpu.memory_space<vmem>> -> memref<16x512xf32, #tpu.memory_space<vmem>>
    %dma_start3A_122 = tpu.memref_slice %arg6[%dma_start3A_116, %add3A_115] : memref<4x2048xi32, #tpu.memory_space<vmem>> -> memref<1x16xi32, #tpu.memory_space<vmem>>
    %dma_start3A_123 = tpu.memref_squeeze %dma_start3A_122 : memref<1x16xi32, #tpu.memory_space<vmem>> -> memref<16xi32, #tpu.memory_space<vmem>>
    %dma_start3A_124 = arith.constant 0 : i32
    %dma_start3A_125 = arith.constant 0 : i32
    %dma_start3A_126 = tpu.memref_slice %arg2[%dma_start3A_124, %dma_start3A_125] : memref<4096x512xf32, #tpu.memory_space<hbm>> -> memref<4096x512xf32, #tpu.memory_space<hbm>>
    tpu.enqueue_indirect_dma source(%dma_start3A_126 : memref<4096x512xf32, #tpu.memory_space<hbm>>) target(%dma_start3A_121 : memref<16x512xf32, #tpu.memory_space<vmem>>) offsets(%dma_start3A_123 : memref<16xi32, #tpu.memory_space<vmem>>) semaphore(%arg9 : memref<!tpu.dma_semaphore, #tpu.memory_space<semaphore_mem>>)
    %add3A_127 = arith.constant 16 : i32
    %add3A_128 = arith.addi %mul3A_2, %add3A_127 : i32
    %dma_start3A_129 = arith.constant 1 : i32
    %dma_start3A_130 = arith.constant 1 : i32
    %dma_start3A_131 = arith.constant 0 : i32
    %dma_start3A_132 = arith.constant 512 : i32
    %dma_start3A_133 = tpu.memref_slice %arg7[%dma_start3A_130, %dma_start3A_131, %dma_start3A_132] : memref<2x16x2048xf32, #tpu.memory_space<vmem>> -> memref<1x16x512xf32, #tpu.memory_space<vmem>>
    %dma_start3A_134 = tpu.memref_squeeze %dma_start3A_133 : memref<1x16x512xf32, #tpu.memory_space<vmem>> -> memref<16x512xf32, #tpu.memory_space<vmem>>
    %dma_start3A_135 = tpu.memref_slice %arg6[%dma_start3A_129, %add3A_128] : memref<4x2048xi32, #tpu.memory_space<vmem>> -> memref<1x16xi32, #tpu.memory_space<vmem>>
    %dma_start3A_136 = tpu.memref_squeeze %dma_start3A_135 : memref<1x16xi32, #tpu.memory_space<vmem>> -> memref<16xi32, #tpu.memory_space<vmem>>
    %dma_start3A_137 = arith.constant 0 : i32
    %dma_start3A_138 = arith.constant 0 : i32
    %dma_start3A_139 = tpu.memref_slice %arg2[%dma_start3A_137, %dma_start3A_138] : memref<4096x512xf32, #tpu.memory_space<hbm>> -> memref<4096x512xf32, #tpu.memory_space<hbm>>
    tpu.enqueue_indirect_dma source(%dma_start3A_139 : memref<4096x512xf32, #tpu.memory_space<hbm>>) target(%dma_start3A_134 : memref<16x512xf32, #tpu.memory_space<vmem>>) offsets(%dma_start3A_136 : memref<16xi32, #tpu.memory_space<vmem>>) semaphore(%arg9 : memref<!tpu.dma_semaphore, #tpu.memory_space<semaphore_mem>>)
    %add3A_140 = arith.constant 16 : i32
    %add3A_141 = arith.addi %mul3A_2, %add3A_140 : i32
    %dma_start3A_142 = arith.constant 2 : i32
    %dma_start3A_143 = arith.constant 1 : i32
    %dma_start3A_144 = arith.constant 0 : i32
    %dma_start3A_145 = arith.constant 1024 : i32
    %dma_start3A_146 = tpu.memref_slice %arg7[%dma_start3A_143, %dma_start3A_144, %dma_start3A_145] : memref<2x16x2048xf32, #tpu.memory_space<vmem>> -> memref<1x16x512xf32, #tpu.memory_space<vmem>>
    %dma_start3A_147 = tpu.memref_squeeze %dma_start3A_146 : memref<1x16x512xf32, #tpu.memory_space<vmem>> -> memref<16x512xf32, #tpu.memory_space<vmem>>
    %dma_start3A_148 = tpu.memref_slice %arg6[%dma_start3A_142, %add3A_141] : memref<4x2048xi32, #tpu.memory_space<vmem>> -> memref<1x16xi32, #tpu.memory_space<vmem>>
    %dma_start3A_149 = tpu.memref_squeeze %dma_start3A_148 : memref<1x16xi32, #tpu.memory_space<vmem>> -> memref<16xi32, #tpu.memory_space<vmem>>
    %dma_start3A_150 = arith.constant 0 : i32
    %dma_start3A_151 = arith.constant 0 : i32
    %dma_start3A_152 = tpu.memref_slice %arg2[%dma_start3A_150, %dma_start3A_151] : memref<4096x512xf32, #tpu.memory_space<hbm>> -> memref<4096x512xf32, #tpu.memory_space<hbm>>
    tpu.enqueue_indirect_dma source(%dma_start3A_152 : memref<4096x512xf32, #tpu.memory_space<hbm>>) target(%dma_start3A_147 : memref<16x512xf32, #tpu.memory_space<vmem>>) offsets(%dma_start3A_149 : memref<16xi32, #tpu.memory_space<vmem>>) semaphore(%arg9 : memref<!tpu.dma_semaphore, #tpu.memory_space<semaphore_mem>>)
    %add3A_153 = arith.constant 16 : i32
    %add3A_154 = arith.addi %mul3A_2, %add3A_153 : i32
    %dma_start3A_155 = arith.constant 3 : i32
    %dma_start3A_156 = arith.constant 1 : i32
    %dma_start3A_157 = arith.constant 0 : i32
    %dma_start3A_158 = arith.constant 1536 : i32
    %dma_start3A_159 = tpu.memref_slice %arg7[%dma_start3A_156, %dma_start3A_157, %dma_start3A_158] : memref<2x16x2048xf32, #tpu.memory_space<vmem>> -> memref<1x16x512xf32, #tpu.memory_space<vmem>>
    %dma_start3A_160 = tpu.memref_squeeze %dma_start3A_159 : memref<1x16x512xf32, #tpu.memory_space<vmem>> -> memref<16x512xf32, #tpu.memory_space<vmem>>
    %dma_start3A_161 = tpu.memref_slice %arg6[%dma_start3A_155, %add3A_154] : memref<4x2048xi32, #tpu.memory_space<vmem>> -> memref<1x16xi32, #tpu.memory_space<vmem>>
    %dma_start3A_162 = tpu.memref_squeeze %dma_start3A_161 : memref<1x16xi32, #tpu.memory_space<vmem>> -> memref<16xi32, #tpu.memory_space<vmem>>
    %dma_start3A_163 = arith.constant 0 : i32
    %dma_start3A_164 = arith.constant 0 : i32
    %dma_start3A_165 = tpu.memref_slice %arg2[%dma_start3A_163, %dma_start3A_164] : memref<4096x512xf32, #tpu.memory_space<hbm>> -> memref<4096x512xf32, #tpu.memory_space<hbm>>
    tpu.enqueue_indirect_dma source(%dma_start3A_165 : memref<4096x512xf32, #tpu.memory_space<hbm>>) target(%dma_start3A_160 : memref<16x512xf32, #tpu.memory_space<vmem>>) offsets(%dma_start3A_162 : memref<16xi32, #tpu.memory_space<vmem>>) semaphore(%arg9 : memref<!tpu.dma_semaphore, #tpu.memory_space<semaphore_mem>>)
    %dma_wait3A_166 = arith.constant 0 : i32
    %dma_wait3A_167 = arith.constant 1 : i32
    %dma_wait3A_168 = arith.constant 0 : i32
    %dma_wait3A_169 = arith.constant 0 : i32
    %dma_wait3A_170 = tpu.memref_slice %arg7[%dma_wait3A_167, %dma_wait3A_168, %dma_wait3A_169] : memref<2x16x2048xf32, #tpu.memory_space<vmem>> -> memref<1x16x512xf32, #tpu.memory_space<vmem>>
    %dma_wait3A_171 = tpu.memref_squeeze %dma_wait3A_170 : memref<1x16x512xf32, #tpu.memory_space<vmem>> -> memref<16x512xf32, #tpu.memory_space<vmem>>
    %dma_wait3A_172 = tpu.memref_slice %arg6[%dma_wait3A_166, %add3A_115] : memref<4x2048xi32, #tpu.memory_space<vmem>> -> memref<1x16xi32, #tpu.memory_space<vmem>>
    %dma_wait3A_173 = tpu.memref_squeeze %dma_wait3A_172 : memref<1x16xi32, #tpu.memory_space<vmem>> -> memref<16xi32, #tpu.memory_space<vmem>>
    %dma_wait3A_174 = arith.constant 0 : i32
    %dma_wait3A_175 = arith.constant 0 : i32
    %dma_wait3A_176 = tpu.memref_slice %arg2[%dma_wait3A_174, %dma_wait3A_175] : memref<4096x512xf32, #tpu.memory_space<hbm>> -> memref<4096x512xf32, #tpu.memory_space<hbm>>
    tpu.wait_indirect_dma semaphore(%arg9 : memref<!tpu.dma_semaphore, #tpu.memory_space<semaphore_mem>>) src(%dma_wait3A_176 : memref<4096x512xf32, #tpu.memory_space<hbm>>) dst(%dma_wait3A_171 : memref<16x512xf32, #tpu.memory_space<vmem>>)
    %dma_wait3A_177 = arith.constant 1 : i32
    %dma_wait3A_178 = arith.constant 1 : i32
    %dma_wait3A_179 = arith.constant 0 : i32
    %dma_wait3A_180 = arith.constant 512 : i32
    %dma_wait3A_181 = tpu.memref_slice %arg7[%dma_wait3A_178, %dma_wait3A_179, %dma_wait3A_180] : memref<2x16x2048xf32, #tpu.memory_space<vmem>> -> memref<1x16x512xf32, #tpu.memory_space<vmem>>
    %dma_wait3A_182 = tpu.memref_squeeze %dma_wait3A_181 : memref<1x16x512xf32, #tpu.memory_space<vmem>> -> memref<16x512xf32, #tpu.memory_space<vmem>>
    %dma_wait3A_183 = tpu.memref_slice %arg6[%dma_wait3A_177, %add3A_128] : memref<4x2048xi32, #tpu.memory_space<vmem>> -> memref<1x16xi32, #tpu.memory_space<vmem>>
    %dma_wait3A_184 = tpu.memref_squeeze %dma_wait3A_183 : memref<1x16xi32, #tpu.memory_space<vmem>> -> memref<16xi32, #tpu.memory_space<vmem>>
    %dma_wait3A_185 = arith.constant 0 : i32
    %dma_wait3A_186 = arith.constant 0 : i32
    %dma_wait3A_187 = tpu.memref_slice %arg2[%dma_wait3A_185, %dma_wait3A_186] : memref<4096x512xf32, #tpu.memory_space<hbm>> -> memref<4096x512xf32, #tpu.memory_space<hbm>>
    tpu.wait_indirect_dma semaphore(%arg9 : memref<!tpu.dma_semaphore, #tpu.memory_space<semaphore_mem>>) src(%dma_wait3A_187 : memref<4096x512xf32, #tpu.memory_space<hbm>>) dst(%dma_wait3A_182 : memref<16x512xf32, #tpu.memory_space<vmem>>)
    %dma_wait3A_188 = arith.constant 2 : i32
    %dma_wait3A_189 = arith.constant 1 : i32
    %dma_wait3A_190 = arith.constant 0 : i32
    %dma_wait3A_191 = arith.constant 1024 : i32
    %dma_wait3A_192 = tpu.memref_slice %arg7[%dma_wait3A_189, %dma_wait3A_190, %dma_wait3A_191] : memref<2x16x2048xf32, #tpu.memory_space<vmem>> -> memref<1x16x512xf32, #tpu.memory_space<vmem>>
    %dma_wait3A_193 = tpu.memref_squeeze %dma_wait3A_192 : memref<1x16x512xf32, #tpu.memory_space<vmem>> -> memref<16x512xf32, #tpu.memory_space<vmem>>
    %dma_wait3A_194 = tpu.memref_slice %arg6[%dma_wait3A_188, %add3A_141] : memref<4x2048xi32, #tpu.memory_space<vmem>> -> memref<1x16xi32, #tpu.memory_space<vmem>>
    %dma_wait3A_195 = tpu.memref_squeeze %dma_wait3A_194 : memref<1x16xi32, #tpu.memory_space<vmem>> -> memref<16xi32, #tpu.memory_space<vmem>>
    %dma_wait3A_196 = arith.constant 0 : i32
    %dma_wait3A_197 = arith.constant 0 : i32
    %dma_wait3A_198 = tpu.memref_slice %arg2[%dma_wait3A_196, %dma_wait3A_197] : memref<4096x512xf32, #tpu.memory_space<hbm>> -> memref<4096x512xf32, #tpu.memory_space<hbm>>
    tpu.wait_indirect_dma semaphore(%arg9 : memref<!tpu.dma_semaphore, #tpu.memory_space<semaphore_mem>>) src(%dma_wait3A_198 : memref<4096x512xf32, #tpu.memory_space<hbm>>) dst(%dma_wait3A_193 : memref<16x512xf32, #tpu.memory_space<vmem>>)
    %dma_wait3A_199 = arith.constant 3 : i32
    %dma_wait3A_200 = arith.constant 1 : i32
    %dma_wait3A_201 = arith.constant 0 : i32
    %dma_wait3A_202 = arith.constant 1536 : i32
    %dma_wait3A_203 = tpu.memref_slice %arg7[%dma_wait3A_200, %dma_wait3A_201, %dma_wait3A_202] : memref<2x16x2048xf32, #tpu.memory_space<vmem>> -> memref<1x16x512xf32, #tpu.memory_space<vmem>>
    %dma_wait3A_204 = tpu.memref_squeeze %dma_wait3A_203 : memref<1x16x512xf32, #tpu.memory_space<vmem>> -> memref<16x512xf32, #tpu.memory_space<vmem>>
    %dma_wait3A_205 = tpu.memref_slice %arg6[%dma_wait3A_199, %add3A_154] : memref<4x2048xi32, #tpu.memory_space<vmem>> -> memref<1x16xi32, #tpu.memory_space<vmem>>
    %dma_wait3A_206 = tpu.memref_squeeze %dma_wait3A_205 : memref<1x16xi32, #tpu.memory_space<vmem>> -> memref<16xi32, #tpu.memory_space<vmem>>
    %dma_wait3A_207 = arith.constant 0 : i32
    %dma_wait3A_208 = arith.constant 0 : i32
    %dma_wait3A_209 = tpu.memref_slice %arg2[%dma_wait3A_207, %dma_wait3A_208] : memref<4096x512xf32, #tpu.memory_space<hbm>> -> memref<4096x512xf32, #tpu.memory_space<hbm>>
    tpu.wait_indirect_dma semaphore(%arg9 : memref<!tpu.dma_semaphore, #tpu.memory_space<semaphore_mem>>) src(%dma_wait3A_209 : memref<4096x512xf32, #tpu.memory_space<hbm>>) dst(%dma_wait3A_204 : memref<16x512xf32, #tpu.memory_space<vmem>>)
    %add3A_210 = arith.constant 2048 : i32
    %add3A_211 = arith.addi %add3A_210, %mul3A_2 : i32
    %add3A_212 = arith.constant 16 : i32
    %add3A_213 = arith.addi %add3A_211, %add3A_212 : i32
    %dma_start3A_214 = arith.constant 1 : i32
    %dma_start3A_215 = arith.constant 0 : i32
    %dma_start3A_216 = arith.constant 0 : i32
    %dma_start3A_217 = tpu.memref_slice %arg7[%dma_start3A_214, %dma_start3A_215, %dma_start3A_216] : memref<2x16x2048xf32, #tpu.memory_space<vmem>> -> memref<1x16x2048xf32, #tpu.memory_space<vmem>>
    %dma_start3A_218 = tpu.memref_squeeze %dma_start3A_217 : memref<1x16x2048xf32, #tpu.memory_space<vmem>> -> memref<16x2048xf32, #tpu.memory_space<vmem>>
    %dma_start3A_219 = arith.constant 0 : i32
    %dma_start3A_220 = tpu.memref_slice %arg4[%add3A_213, %dma_start3A_219] : memref<4096x2048xf32, #tpu.memory_space<hbm>> -> memref<16x2048xf32, #tpu.memory_space<hbm>>
    %dma_start3A_221 = arith.constant 0 : i32
    %dma_start3A_222 = tpu.memref_slice %arg4[%add3A_213, %dma_start3A_221] : memref<4096x2048xf32, #tpu.memory_space<hbm>> -> memref<16x2048xf32, #tpu.memory_space<hbm>>
    %dma_start3A_223 = arith.constant 0 : i32
    %dma_start3A_224 = arith.constant 0 : i32
    %dma_start3A_225 = tpu.memref_slice %arg7[%dma_start3A_214, %dma_start3A_223, %dma_start3A_224] : memref<2x16x2048xf32, #tpu.memory_space<vmem>> -> memref<1x16x2048xf32, #tpu.memory_space<vmem>>
    %dma_start3A_226 = tpu.memref_squeeze %dma_start3A_225 : memref<1x16x2048xf32, #tpu.memory_space<vmem>> -> memref<16x2048xf32, #tpu.memory_space<vmem>>
    tpu.enqueue_dma source(%dma_start3A_226 : memref<16x2048xf32, #tpu.memory_space<vmem>>) target(%dma_start3A_222 : memref<16x2048xf32, #tpu.memory_space<hbm>>) target_semaphore(%arg11 : memref<!tpu.dma_semaphore, #tpu.memory_space<semaphore_mem>>)
    %dma_wait3A_227 = arith.constant 0 : i32
    %dma_wait3A_228 = arith.constant 0 : i32
    %dma_wait3A_229 = arith.constant 0 : i32
    %dma_wait3A_230 = tpu.memref_slice %arg7[%dma_wait3A_227, %dma_wait3A_228, %dma_wait3A_229] : memref<2x16x2048xf32, #tpu.memory_space<vmem>> -> memref<1x16x2048xf32, #tpu.memory_space<vmem>>
    %dma_wait3A_231 = tpu.memref_squeeze %dma_wait3A_230 : memref<1x16x2048xf32, #tpu.memory_space<vmem>> -> memref<16x2048xf32, #tpu.memory_space<vmem>>
    %dma_wait3A_232 = arith.constant 0 : i32
    %dma_wait3A_233 = tpu.memref_slice %arg4[%add3A_100, %dma_wait3A_232] : memref<4096x2048xf32, #tpu.memory_space<hbm>> -> memref<16x2048xf32, #tpu.memory_space<hbm>>
    %dma_wait3A_234 = arith.constant 0 : i32
    %dma_wait3A_235 = tpu.memref_slice %arg4[%add3A_100, %dma_wait3A_234] : memref<4096x2048xf32, #tpu.memory_space<hbm>> -> memref<16x2048xf32, #tpu.memory_space<hbm>>
    %dma_wait3A_236 = arith.constant 0 : i32
    %dma_wait3A_237 = arith.constant 0 : i32
    %dma_wait3A_238 = tpu.memref_slice %arg7[%dma_wait3A_227, %dma_wait3A_236, %dma_wait3A_237] : memref<2x16x2048xf32, #tpu.memory_space<vmem>> -> memref<1x16x2048xf32, #tpu.memory_space<vmem>>
    %dma_wait3A_239 = tpu.memref_squeeze %dma_wait3A_238 : memref<1x16x2048xf32, #tpu.memory_space<vmem>> -> memref<16x2048xf32, #tpu.memory_space<vmem>>
    tpu.wait_dma2 semaphore(%arg10 : memref<!tpu.dma_semaphore, #tpu.memory_space<semaphore_mem>>) src(%dma_wait3A_239 : memref<16x2048xf32, #tpu.memory_space<vmem>>) dst(%dma_wait3A_235 : memref<16x2048xf32, #tpu.memory_space<hbm>>)
    %add3A_240 = arith.constant 32 : i32
    %add3A_241 = arith.addi %mul3A_2, %add3A_240 : i32
    %dma_start3A_242 = arith.constant 0 : i32
    %dma_start3A_243 = arith.constant 0 : i32
    %dma_start3A_244 = arith.constant 0 : i32
    %dma_start3A_245 = arith.constant 0 : i32
    %dma_start3A_246 = tpu.memref_slice %arg7[%dma_start3A_243, %dma_start3A_244, %dma_start3A_245] : memref<2x16x2048xf32, #tpu.memory_space<vmem>> -> memref<1x16x512xf32, #tpu.memory_space<vmem>>
    %dma_start3A_247 = tpu.memref_squeeze %dma_start3A_246 : memref<1x16x512xf32, #tpu.memory_space<vmem>> -> memref<16x512xf32, #tpu.memory_space<vmem>>
    %dma_start3A_248 = tpu.memref_slice %arg6[%dma_start3A_242, %add3A_241] : memref<4x2048xi32, #tpu.memory_space<vmem>> -> memref<1x16xi32, #tpu.memory_space<vmem>>
    %dma_start3A_249 = tpu.memref_squeeze %dma_start3A_248 : memref<1x16xi32, #tpu.memory_space<vmem>> -> memref<16xi32, #tpu.memory_space<vmem>>
    %dma_start3A_250 = arith.constant 0 : i32
    %dma_start3A_251 = arith.constant 0 : i32
    %dma_start3A_252 = tpu.memref_slice %arg2[%dma_start3A_250, %dma_start3A_251] : memref<4096x512xf32, #tpu.memory_space<hbm>> -> memref<4096x512xf32, #tpu.memory_space<hbm>>
    tpu.enqueue_indirect_dma source(%dma_start3A_252 : memref<4096x512xf32, #tpu.memory_space<hbm>>) target(%dma_start3A_247 : memref<16x512xf32, #tpu.memory_space<vmem>>) offsets(%dma_start3A_249 : memref<16xi32, #tpu.memory_space<vmem>>) semaphore(%arg8 : memref<!tpu.dma_semaphore, #tpu.memory_space<semaphore_mem>>)
    %add3A_253 = arith.constant 32 : i32
    %add3A_254 = arith.addi %mul3A_2, %add3A_253 : i32
    %dma_start3A_255 = arith.constant 1 : i32
    %dma_start3A_256 = arith.constant 0 : i32
    %dma_start3A_257 = arith.constant 0 : i32
    %dma_start3A_258 = arith.constant 512 : i32
    %dma_start3A_259 = tpu.memref_slice %arg7[%dma_start3A_256, %dma_start3A_257, %dma_start3A_258] : memref<2x16x2048xf32, #tpu.memory_space<vmem>> -> memref<1x16x512xf32, #tpu.memory_space<vmem>>
    %dma_start3A_260 = tpu.memref_squeeze %dma_start3A_259 : memref<1x16x512xf32, #tpu.memory_space<vmem>> -> memref<16x512xf32, #tpu.memory_space<vmem>>
    %dma_start3A_261 = tpu.memref_slice %arg6[%dma_start3A_255, %add3A_254] : memref<4x2048xi32, #tpu.memory_space<vmem>> -> memref<1x16xi32, #tpu.memory_space<vmem>>
    %dma_start3A_262 = tpu.memref_squeeze %dma_start3A_261 : memref<1x16xi32, #tpu.memory_space<vmem>> -> memref<16xi32, #tpu.memory_space<vmem>>
    %dma_start3A_263 = arith.constant 0 : i32
    %dma_start3A_264 = arith.constant 0 : i32
    %dma_start3A_265 = tpu.memref_slice %arg2[%dma_start3A_263, %dma_start3A_264] : memref<4096x512xf32, #tpu.memory_space<hbm>> -> memref<4096x512xf32, #tpu.memory_space<hbm>>
    tpu.enqueue_indirect_dma source(%dma_start3A_265 : memref<4096x512xf32, #tpu.memory_space<hbm>>) target(%dma_start3A_260 : memref<16x512xf32, #tpu.memory_space<vmem>>) offsets(%dma_start3A_262 : memref<16xi32, #tpu.memory_space<vmem>>) semaphore(%arg8 : memref<!tpu.dma_semaphore, #tpu.memory_space<semaphore_mem>>)
    %add3A_266 = arith.constant 32 : i32
    %add3A_267 = arith.addi %mul3A_2, %add3A_266 : i32
    %dma_start3A_268 = arith.constant 2 : i32
    %dma_start3A_269 = arith.constant 0 : i32
    %dma_start3A_270 = arith.constant 0 : i32
    %dma_start3A_271 = arith.constant 1024 : i32
    %dma_start3A_272 = tpu.memref_slice %arg7[%dma_start3A_269, %dma_start3A_270, %dma_start3A_271] : memref<2x16x2048xf32, #tpu.memory_space<vmem>> -> memref<1x16x512xf32, #tpu.memory_space<vmem>>
    %dma_start3A_273 = tpu.memref_squeeze %dma_start3A_272 : memref<1x16x512xf32, #tpu.memory_space<vmem>> -> memref<16x512xf32, #tpu.memory_space<vmem>>
    %dma_start3A_274 = tpu.memref_slice %arg6[%dma_start3A_268, %add3A_267] : memref<4x2048xi32, #tpu.memory_space<vmem>> -> memref<1x16xi32, #tpu.memory_space<vmem>>
    %dma_start3A_275 = tpu.memref_squeeze %dma_start3A_274 : memref<1x16xi32, #tpu.memory_space<vmem>> -> memref<16xi32, #tpu.memory_space<vmem>>
    %dma_start3A_276 = arith.constant 0 : i32
    %dma_start3A_277 = arith.constant 0 : i32
    %dma_start3A_278 = tpu.memref_slice %arg2[%dma_start3A_276, %dma_start3A_277] : memref<4096x512xf32, #tpu.memory_space<hbm>> -> memref<4096x512xf32, #tpu.memory_space<hbm>>
    tpu.enqueue_indirect_dma source(%dma_start3A_278 : memref<4096x512xf32, #tpu.memory_space<hbm>>) target(%dma_start3A_273 : memref<16x512xf32, #tpu.memory_space<vmem>>) offsets(%dma_start3A_275 : memref<16xi32, #tpu.memory_space<vmem>>) semaphore(%arg8 : memref<!tpu.dma_semaphore, #tpu.memory_space<semaphore_mem>>)
    %add3A_279 = arith.constant 32 : i32
    %add3A_280 = arith.addi %mul3A_2, %add3A_279 : i32
    %dma_start3A_281 = arith.constant 3 : i32
    %dma_start3A_282 = arith.constant 0 : i32
    %dma_start3A_283 = arith.constant 0 : i32
    %dma_start3A_284 = arith.constant 1536 : i32
    %dma_start3A_285 = tpu.memref_slice %arg7[%dma_start3A_282, %dma_start3A_283, %dma_start3A_284] : memref<2x16x2048xf32, #tpu.memory_space<vmem>> -> memref<1x16x512xf32, #tpu.memory_space<vmem>>
    %dma_start3A_286 = tpu.memref_squeeze %dma_start3A_285 : memref<1x16x512xf32, #tpu.memory_space<vmem>> -> memref<16x512xf32, #tpu.memory_space<vmem>>
    %dma_start3A_287 = tpu.memref_slice %arg6[%dma_start3A_281, %add3A_280] : memref<4x2048xi32, #tpu.memory_space<vmem>> -> memref<1x16xi32, #tpu.memory_space<vmem>>
    %dma_start3A_288 = tpu.memref_squeeze %dma_start3A_287 : memref<1x16xi32, #tpu.memory_space<vmem>> -> memref<16xi32, #tpu.memory_space<vmem>>
    %dma_start3A_289 = arith.constant 0 : i32
    %dma_start3A_290 = arith.constant 0 : i32
    %dma_start3A_291 = tpu.memref_slice %arg2[%dma_start3A_289, %dma_start3A_290] : memref<4096x512xf32, #tpu.memory_space<hbm>> -> memref<4096x512xf32, #tpu.memory_space<hbm>>
    tpu.enqueue_indirect_dma source(%dma_start3A_291 : memref<4096x512xf32, #tpu.memory_space<hbm>>) target(%dma_start3A_286 : memref<16x512xf32, #tpu.memory_space<vmem>>) offsets(%dma_start3A_288 : memref<16xi32, #tpu.memory_space<vmem>>) semaphore(%arg8 : memref<!tpu.dma_semaphore, #tpu.memory_space<semaphore_mem>>)
    %dma_wait3A_292 = arith.constant 0 : i32
    %dma_wait3A_293 = arith.constant 0 : i32
    %dma_wait3A_294 = arith.constant 0 : i32
    %dma_wait3A_295 = arith.constant 0 : i32
    %dma_wait3A_296 = tpu.memref_slice %arg7[%dma_wait3A_293, %dma_wait3A_294, %dma_wait3A_295] : memref<2x16x2048xf32, #tpu.memory_space<vmem>> -> memref<1x16x512xf32, #tpu.memory_space<vmem>>
    %dma_wait3A_297 = tpu.memref_squeeze %dma_wait3A_296 : memref<1x16x512xf32, #tpu.memory_space<vmem>> -> memref<16x512xf32, #tpu.memory_space<vmem>>
    %dma_wait3A_298 = tpu.memref_slice %arg6[%dma_wait3A_292, %add3A_241] : memref<4x2048xi32, #tpu.memory_space<vmem>> -> memref<1x16xi32, #tpu.memory_space<vmem>>
    %dma_wait3A_299 = tpu.memref_squeeze %dma_wait3A_298 : memref<1x16xi32, #tpu.memory_space<vmem>> -> memref<16xi32, #tpu.memory_space<vmem>>
    %dma_wait3A_300 = arith.constant 0 : i32
    %dma_wait3A_301 = arith.constant 0 : i32
    %dma_wait3A_302 = tpu.memref_slice %arg2[%dma_wait3A_300, %dma_wait3A_301] : memref<4096x512xf32, #tpu.memory_space<hbm>> -> memref<4096x512xf32, #tpu.memory_space<hbm>>
    tpu.wait_indirect_dma semaphore(%arg8 : memref<!tpu.dma_semaphore, #tpu.memory_space<semaphore_mem>>) src(%dma_wait3A_302 : memref<4096x512xf32, #tpu.memory_space<hbm>>) dst(%dma_wait3A_297 : memref<16x512xf32, #tpu.memory_space<vmem>>)
    %dma_wait3A_303 = arith.constant 1 : i32
    %dma_wait3A_304 = arith.constant 0 : i32
    %dma_wait3A_305 = arith.constant 0 : i32
    %dma_wait3A_306 = arith.constant 512 : i32
    %dma_wait3A_307 = tpu.memref_slice %arg7[%dma_wait3A_304, %dma_wait3A_305, %dma_wait3A_306] : memref<2x16x2048xf32, #tpu.memory_space<vmem>> -> memref<1x16x512xf32, #tpu.memory_space<vmem>>
    %dma_wait3A_308 = tpu.memref_squeeze %dma_wait3A_307 : memref<1x16x512xf32, #tpu.memory_space<vmem>> -> memref<16x512xf32, #tpu.memory_space<vmem>>
    %dma_wait3A_309 = tpu.memref_slice %arg6[%dma_wait3A_303, %add3A_254] : memref<4x2048xi32, #tpu.memory_space<vmem>> -> memref<1x16xi32, #tpu.memory_space<vmem>>
    %dma_wait3A_310 = tpu.memref_squeeze %dma_wait3A_309 : memref<1x16xi32, #tpu.memory_space<vmem>> -> memref<16xi32, #tpu.memory_space<vmem>>
    %dma_wait3A_311 = arith.constant 0 : i32
    %dma_wait3A_312 = arith.constant 0 : i32
    %dma_wait3A_313 = tpu.memref_slice %arg2[%dma_wait3A_311, %dma_wait3A_312] : memref<4096x512xf32, #tpu.memory_space<hbm>> -> memref<4096x512xf32, #tpu.memory_space<hbm>>
    tpu.wait_indirect_dma semaphore(%arg8 : memref<!tpu.dma_semaphore, #tpu.memory_space<semaphore_mem>>) src(%dma_wait3A_313 : memref<4096x512xf32, #tpu.memory_space<hbm>>) dst(%dma_wait3A_308 : memref<16x512xf32, #tpu.memory_space<vmem>>)
    %dma_wait3A_314 = arith.constant 2 : i32
    %dma_wait3A_315 = arith.constant 0 : i32
    %dma_wait3A_316 = arith.constant 0 : i32
    %dma_wait3A_317 = arith.constant 1024 : i32
    %dma_wait3A_318 = tpu.memref_slice %arg7[%dma_wait3A_315, %dma_wait3A_316, %dma_wait3A_317] : memref<2x16x2048xf32, #tpu.memory_space<vmem>> -> memref<1x16x512xf32, #tpu.memory_space<vmem>>
    %dma_wait3A_319 = tpu.memref_squeeze %dma_wait3A_318 : memref<1x16x512xf32, #tpu.memory_space<vmem>> -> memref<16x512xf32, #tpu.memory_space<vmem>>
    %dma_wait3A_320 = tpu.memref_slice %arg6[%dma_wait3A_314, %add3A_267] : memref<4x2048xi32, #tpu.memory_space<vmem>> -> memref<1x16xi32, #tpu.memory_space<vmem>>
    %dma_wait3A_321 = tpu.memref_squeeze %dma_wait3A_320 : memref<1x16xi32, #tpu.memory_space<vmem>> -> memref<16xi32, #tpu.memory_space<vmem>>
    %dma_wait3A_322 = arith.constant 0 : i32
    %dma_wait3A_323 = arith.constant 0 : i32
    %dma_wait3A_324 = tpu.memref_slice %arg2[%dma_wait3A_322, %dma_wait3A_323] : memref<4096x512xf32, #tpu.memory_space<hbm>> -> memref<4096x512xf32, #tpu.memory_space<hbm>>
    tpu.wait_indirect_dma semaphore(%arg8 : memref<!tpu.dma_semaphore, #tpu.memory_space<semaphore_mem>>) src(%dma_wait3A_324 : memref<4096x512xf32, #tpu.memory_space<hbm>>) dst(%dma_wait3A_319 : memref<16x512xf32, #tpu.memory_space<vmem>>)
    %dma_wait3A_325 = arith.constant 3 : i32
    %dma_wait3A_326 = arith.constant 0 : i32
    %dma_wait3A_327 = arith.constant 0 : i32
    %dma_wait3A_328 = arith.constant 1536 : i32
    %dma_wait3A_329 = tpu.memref_slice %arg7[%dma_wait3A_326, %dma_wait3A_327, %dma_wait3A_328] : memref<2x16x2048xf32, #tpu.memory_space<vmem>> -> memref<1x16x512xf32, #tpu.memory_space<vmem>>
    %dma_wait3A_330 = tpu.memref_squeeze %dma_wait3A_329 : memref<1x16x512xf32, #tpu.memory_space<vmem>> -> memref<16x512xf32, #tpu.memory_space<vmem>>
    %dma_wait3A_331 = tpu.memref_slice %arg6[%dma_wait3A_325, %add3A_280] : memref<4x2048xi32, #tpu.memory_space<vmem>> -> memref<1x16xi32, #tpu.memory_space<vmem>>
    %dma_wait3A_332 = tpu.memref_squeeze %dma_wait3A_331 : memref<1x16xi32, #tpu.memory_space<vmem>> -> memref<16xi32, #tpu.memory_space<vmem>>
    %dma_wait3A_333 = arith.constant 0 : i32
    %dma_wait3A_334 = arith.constant 0 : i32
    %dma_wait3A_335 = tpu.memref_slice %arg2[%dma_wait3A_333, %dma_wait3A_334] : memref<4096x512xf32, #tpu.memory_space<hbm>> -> memref<4096x512xf32, #tpu.memory_space<hbm>>
    tpu.wait_indirect_dma semaphore(%arg8 : memref<!tpu.dma_semaphore, #tpu.memory_space<semaphore_mem>>) src(%dma_wait3A_335 : memref<4096x512xf32, #tpu.memory_space<hbm>>) dst(%dma_wait3A_330 : memref<16x512xf32, #tpu.memory_space<vmem>>)
    %add3A_336 = arith.constant 2048 : i32
    %add3A_337 = arith.addi %add3A_336, %mul3A_2 : i32
    %add3A_338 = arith.constant 32 : i32
    %add3A_339 = arith.addi %add3A_337, %add3A_338 : i32
    %dma_start3A_340 = arith.constant 0 : i32
    %dma_start3A_341 = arith.constant 0 : i32
    %dma_start3A_342 = arith.constant 0 : i32
    %dma_start3A_343 = tpu.memref_slice %arg7[%dma_start3A_340, %dma_start3A_341, %dma_start3A_342] : memref<2x16x2048xf32, #tpu.memory_space<vmem>> -> memref<1x16x2048xf32, #tpu.memory_space<vmem>>
    %dma_start3A_344 = tpu.memref_squeeze %dma_start3A_343 : memref<1x16x2048xf32, #tpu.memory_space<vmem>> -> memref<16x2048xf32, #tpu.memory_space<vmem>>
    %dma_start3A_345 = arith.constant 0 : i32
    %dma_start3A_346 = tpu.memref_slice %arg4[%add3A_339, %dma_start3A_345] : memref<4096x2048xf32, #tpu.memory_space<hbm>> -> memref<16x2048xf32, #tpu.memory_space<hbm>>
    %dma_start3A_347 = arith.constant 0 : i32
    %dma_start3A_348 = tpu.memref_slice %arg4[%add3A_339, %dma_start3A_347] : memref<4096x2048xf32, #tpu.memory_space<hbm>> -> memref<16x2048xf32, #tpu.memory_space<hbm>>
    %dma_start3A_349 = arith.constant 0 : i32
    %dma_start3A_350 = arith.constant 0 : i32
    %dma_start3A_351 = tpu.memref_slice %arg7[%dma_start3A_340, %dma_start3A_349, %dma_start3A_350] : memref<2x16x2048xf32, #tpu.memory_space<vmem>> -> memref<1x16x2048xf32, #tpu.memory_space<vmem>>
    %dma_start3A_352 = tpu.memref_squeeze %dma_start3A_351 : memref<1x16x2048xf32, #tpu.memory_space<vmem>> -> memref<16x2048xf32, #tpu.memory_space<vmem>>
    tpu.enqueue_dma source(%dma_start3A_352 : memref<16x2048xf32, #tpu.memory_space<vmem>>) target(%dma_start3A_348 : memref<16x2048xf32, #tpu.memory_space<hbm>>) target_semaphore(%arg10 : memref<!tpu.dma_semaphore, #tpu.memory_space<semaphore_mem>>)
    %dma_wait3A_353 = arith.constant 1 : i32
    %dma_wait3A_354 = arith.constant 0 : i32
    %dma_wait3A_355 = arith.constant 0 : i32
    %dma_wait3A_356 = tpu.memref_slice %arg7[%dma_wait3A_353, %dma_wait3A_354, %dma_wait3A_355] : memref<2x16x2048xf32, #tpu.memory_space<vmem>> -> memref<1x16x2048xf32, #tpu.memory_space<vmem>>
    %dma_wait3A_357 = tpu.memref_squeeze %dma_wait3A_356 : memref<1x16x2048xf32, #tpu.memory_space<vmem>> -> memref<16x2048xf32, #tpu.memory_space<vmem>>
    %dma_wait3A_358 = arith.constant 0 : i32
    %dma_wait3A_359 = tpu.memref_slice %arg4[%add3A_213, %dma_wait3A_358] : memref<4096x2048xf32, #tpu.memory_space<hbm>> -> memref<16x2048xf32, #tpu.memory_space<hbm>>
    %dma_wait3A_360 = arith.constant 0 : i32
    %dma_wait3A_361 = tpu.memref_slice %arg4[%add3A_213, %dma_wait3A_360] : memref<4096x2048xf32, #tpu.memory_space<hbm>> -> memref<16x2048xf32, #tpu.memory_space<hbm>>
    %dma_wait3A_362 = arith.constant 0 : i32
    %dma_wait3A_363 = arith.constant 0 : i32
    %dma_wait3A_364 = tpu.memref_slice %arg7[%dma_wait3A_353, %dma_wait3A_362, %dma_wait3A_363] : memref<2x16x2048xf32, #tpu.memory_space<vmem>> -> memref<1x16x2048xf32, #tpu.memory_space<vmem>>
    %dma_wait3A_365 = tpu.memref_squeeze %dma_wait3A_364 : memref<1x16x2048xf32, #tpu.memory_space<vmem>> -> memref<16x2048xf32, #tpu.memory_space<vmem>>
    tpu.wait_dma2 semaphore(%arg11 : memref<!tpu.dma_semaphore, #tpu.memory_space<semaphore_mem>>) src(%dma_wait3A_365 : memref<16x2048xf32, #tpu.memory_space<vmem>>) dst(%dma_wait3A_361 : memref<16x2048xf32, #tpu.memory_space<hbm>>)
    %add3A_366 = arith.constant 48 : i32
    %add3A_367 = arith.addi %mul3A_2, %add3A_366 : i32
    %dma_start3A_368 = arith.constant 0 : i32
    %dma_start3A_369 = arith.constant 1 : i32
    %dma_start3A_370 = arith.constant 0 : i32
    %dma_start3A_371 = arith.constant 0 : i32
    %dma_start3A_372 = tpu.memref_slice %arg7[%dma_start3A_369, %dma_start3A_370, %dma_start3A_371] : memref<2x16x2048xf32, #tpu.memory_space<vmem>> -> memref<1x16x512xf32, #tpu.memory_space<vmem>>
    %dma_start3A_373 = tpu.memref_squeeze %dma_start3A_372 : memref<1x16x512xf32, #tpu.memory_space<vmem>> -> memref<16x512xf32, #tpu.memory_space<vmem>>
    %dma_start3A_374 = tpu.memref_slice %arg6[%dma_start3A_368, %add3A_367] : memref<4x2048xi32, #tpu.memory_space<vmem>> -> memref<1x16xi32, #tpu.memory_space<vmem>>
    %dma_start3A_375 = tpu.memref_squeeze %dma_start3A_374 : memref<1x16xi32, #tpu.memory_space<vmem>> -> memref<16xi32, #tpu.memory_space<vmem>>
    %dma_start3A_376 = arith.constant 0 : i32
    %dma_start3A_377 = arith.constant 0 : i32
    %dma_start3A_378 = tpu.memref_slice %arg2[%dma_start3A_376, %dma_start3A_377] : memref<4096x512xf32, #tpu.memory_space<hbm>> -> memref<4096x512xf32, #tpu.memory_space<hbm>>
    tpu.enqueue_indirect_dma source(%dma_start3A_378 : memref<4096x512xf32, #tpu.memory_space<hbm>>) target(%dma_start3A_373 : memref<16x512xf32, #tpu.memory_space<vmem>>) offsets(%dma_start3A_375 : memref<16xi32, #tpu.memory_space<vmem>>) semaphore(%arg9 : memref<!tpu.dma_semaphore, #tpu.memory_space<semaphore_mem>>)
    %add3A_379 = arith.constant 48 : i32
    %add3A_380 = arith.addi %mul3A_2, %add3A_379 : i32
    %dma_start3A_381 = arith.constant 1 : i32
    %dma_start3A_382 = arith.constant 1 : i32
    %dma_start3A_383 = arith.constant 0 : i32
    %dma_start3A_384 = arith.constant 512 : i32
    %dma_start3A_385 = tpu.memref_slice %arg7[%dma_start3A_382, %dma_start3A_383, %dma_start3A_384] : memref<2x16x2048xf32, #tpu.memory_space<vmem>> -> memref<1x16x512xf32, #tpu.memory_space<vmem>>
    %dma_start3A_386 = tpu.memref_squeeze %dma_start3A_385 : memref<1x16x512xf32, #tpu.memory_space<vmem>> -> memref<16x512xf32, #tpu.memory_space<vmem>>
    %dma_start3A_387 = tpu.memref_slice %arg6[%dma_start3A_381, %add3A_380] : memref<4x2048xi32, #tpu.memory_space<vmem>> -> memref<1x16xi32, #tpu.memory_space<vmem>>
    %dma_start3A_388 = tpu.memref_squeeze %dma_start3A_387 : memref<1x16xi32, #tpu.memory_space<vmem>> -> memref<16xi32, #tpu.memory_space<vmem>>
    %dma_start3A_389 = arith.constant 0 : i32
    %dma_start3A_390 = arith.constant 0 : i32
    %dma_start3A_391 = tpu.memref_slice %arg2[%dma_start3A_389, %dma_start3A_390] : memref<4096x512xf32, #tpu.memory_space<hbm>> -> memref<4096x512xf32, #tpu.memory_space<hbm>>
    tpu.enqueue_indirect_dma source(%dma_start3A_391 : memref<4096x512xf32, #tpu.memory_space<hbm>>) target(%dma_start3A_386 : memref<16x512xf32, #tpu.memory_space<vmem>>) offsets(%dma_start3A_388 : memref<16xi32, #tpu.memory_space<vmem>>) semaphore(%arg9 : memref<!tpu.dma_semaphore, #tpu.memory_space<semaphore_mem>>)
    %add3A_392 = arith.constant 48 : i32
    %add3A_393 = arith.addi %mul3A_2, %add3A_392 : i32
    %dma_start3A_394 = arith.constant 2 : i32
    %dma_start3A_395 = arith.constant 1 : i32
    %dma_start3A_396 = arith.constant 0 : i32
    %dma_start3A_397 = arith.constant 1024 : i32
    %dma_start3A_398 = tpu.memref_slice %arg7[%dma_start3A_395, %dma_start3A_396, %dma_start3A_397] : memref<2x16x2048xf32, #tpu.memory_space<vmem>> -> memref<1x16x512xf32, #tpu.memory_space<vmem>>
    %dma_start3A_399 = tpu.memref_squeeze %dma_start3A_398 : memref<1x16x512xf32, #tpu.memory_space<vmem>> -> memref<16x512xf32, #tpu.memory_space<vmem>>
    %dma_start3A_400 = tpu.memref_slice %arg6[%dma_start3A_394, %add3A_393] : memref<4x2048xi32, #tpu.memory_space<vmem>> -> memref<1x16xi32, #tpu.memory_space<vmem>>
    %dma_start3A_401 = tpu.memref_squeeze %dma_start3A_400 : memref<1x16xi32, #tpu.memory_space<vmem>> -> memref<16xi32, #tpu.memory_space<vmem>>
    %dma_start3A_402 = arith.constant 0 : i32
    %dma_start3A_403 = arith.constant 0 : i32
    %dma_start3A_404 = tpu.memref_slice %arg2[%dma_start3A_402, %dma_start3A_403] : memref<4096x512xf32, #tpu.memory_space<hbm>> -> memref<4096x512xf32, #tpu.memory_space<hbm>>
    tpu.enqueue_indirect_dma source(%dma_start3A_404 : memref<4096x512xf32, #tpu.memory_space<hbm>>) target(%dma_start3A_399 : memref<16x512xf32, #tpu.memory_space<vmem>>) offsets(%dma_start3A_401 : memref<16xi32, #tpu.memory_space<vmem>>) semaphore(%arg9 : memref<!tpu.dma_semaphore, #tpu.memory_space<semaphore_mem>>)
    %add3A_405 = arith.constant 48 : i32
    %add3A_406 = arith.addi %mul3A_2, %add3A_405 : i32
    %dma_start3A_407 = arith.constant 3 : i32
    %dma_start3A_408 = arith.constant 1 : i32
    %dma_start3A_409 = arith.constant 0 : i32
    %dma_start3A_410 = arith.constant 1536 : i32
    %dma_start3A_411 = tpu.memref_slice %arg7[%dma_start3A_408, %dma_start3A_409, %dma_start3A_410] : memref<2x16x2048xf32, #tpu.memory_space<vmem>> -> memref<1x16x512xf32, #tpu.memory_space<vmem>>
    %dma_start3A_412 = tpu.memref_squeeze %dma_start3A_411 : memref<1x16x512xf32, #tpu.memory_space<vmem>> -> memref<16x512xf32, #tpu.memory_space<vmem>>
    %dma_start3A_413 = tpu.memref_slice %arg6[%dma_start3A_407, %add3A_406] : memref<4x2048xi32, #tpu.memory_space<vmem>> -> memref<1x16xi32, #tpu.memory_space<vmem>>
    %dma_start3A_414 = tpu.memref_squeeze %dma_start3A_413 : memref<1x16xi32, #tpu.memory_space<vmem>> -> memref<16xi32, #tpu.memory_space<vmem>>
    %dma_start3A_415 = arith.constant 0 : i32
    %dma_start3A_416 = arith.constant 0 : i32
    %dma_start3A_417 = tpu.memref_slice %arg2[%dma_start3A_415, %dma_start3A_416] : memref<4096x512xf32, #tpu.memory_space<hbm>> -> memref<4096x512xf32, #tpu.memory_space<hbm>>
    tpu.enqueue_indirect_dma source(%dma_start3A_417 : memref<4096x512xf32, #tpu.memory_space<hbm>>) target(%dma_start3A_412 : memref<16x512xf32, #tpu.memory_space<vmem>>) offsets(%dma_start3A_414 : memref<16xi32, #tpu.memory_space<vmem>>) semaphore(%arg9 : memref<!tpu.dma_semaphore, #tpu.memory_space<semaphore_mem>>)
    %dma_wait3A_418 = arith.constant 0 : i32
    %dma_wait3A_419 = arith.constant 1 : i32
    %dma_wait3A_420 = arith.constant 0 : i32
    %dma_wait3A_421 = arith.constant 0 : i32
    %dma_wait3A_422 = tpu.memref_slice %arg7[%dma_wait3A_419, %dma_wait3A_420, %dma_wait3A_421] : memref<2x16x2048xf32, #tpu.memory_space<vmem>> -> memref<1x16x512xf32, #tpu.memory_space<vmem>>
    %dma_wait3A_423 = tpu.memref_squeeze %dma_wait3A_422 : memref<1x16x512xf32, #tpu.memory_space<vmem>> -> memref<16x512xf32, #tpu.memory_space<vmem>>
    %dma_wait3A_424 = tpu.memref_slice %arg6[%dma_wait3A_418, %add3A_367] : memref<4x2048xi32, #tpu.memory_space<vmem>> -> memref<1x16xi32, #tpu.memory_space<vmem>>
    %dma_wait3A_425 = tpu.memref_squeeze %dma_wait3A_424 : memref<1x16xi32, #tpu.memory_space<vmem>> -> memref<16xi32, #tpu.memory_space<vmem>>
    %dma_wait3A_426 = arith.constant 0 : i32
    %dma_wait3A_427 = arith.constant 0 : i32
    %dma_wait3A_428 = tpu.memref_slice %arg2[%dma_wait3A_426, %dma_wait3A_427] : memref<4096x512xf32, #tpu.memory_space<hbm>> -> memref<4096x512xf32, #tpu.memory_space<hbm>>
    tpu.wait_indirect_dma semaphore(%arg9 : memref<!tpu.dma_semaphore, #tpu.memory_space<semaphore_mem>>) src(%dma_wait3A_428 : memref<4096x512xf32, #tpu.memory_space<hbm>>) dst(%dma_wait3A_423 : memref<16x512xf32, #tpu.memory_space<vmem>>)
    %dma_wait3A_429 = arith.constant 1 : i32
    %dma_wait3A_430 = arith.constant 1 : i32
    %dma_wait3A_431 = arith.constant 0 : i32
    %dma_wait3A_432 = arith.constant 512 : i32
    %dma_wait3A_433 = tpu.memref_slice %arg7[%dma_wait3A_430, %dma_wait3A_431, %dma_wait3A_432] : memref<2x16x2048xf32, #tpu.memory_space<vmem>> -> memref<1x16x512xf32, #tpu.memory_space<vmem>>
    %dma_wait3A_434 = tpu.memref_squeeze %dma_wait3A_433 : memref<1x16x512xf32, #tpu.memory_space<vmem>> -> memref<16x512xf32, #tpu.memory_space<vmem>>
    %dma_wait3A_435 = tpu.memref_slice %arg6[%dma_wait3A_429, %add3A_380] : memref<4x2048xi32, #tpu.memory_space<vmem>> -> memref<1x16xi32, #tpu.memory_space<vmem>>
    %dma_wait3A_436 = tpu.memref_squeeze %dma_wait3A_435 : memref<1x16xi32, #tpu.memory_space<vmem>> -> memref<16xi32, #tpu.memory_space<vmem>>
    %dma_wait3A_437 = arith.constant 0 : i32
    %dma_wait3A_438 = arith.constant 0 : i32
    %dma_wait3A_439 = tpu.memref_slice %arg2[%dma_wait3A_437, %dma_wait3A_438] : memref<4096x512xf32, #tpu.memory_space<hbm>> -> memref<4096x512xf32, #tpu.memory_space<hbm>>
    tpu.wait_indirect_dma semaphore(%arg9 : memref<!tpu.dma_semaphore, #tpu.memory_space<semaphore_mem>>) src(%dma_wait3A_439 : memref<4096x512xf32, #tpu.memory_space<hbm>>) dst(%dma_wait3A_434 : memref<16x512xf32, #tpu.memory_space<vmem>>)
    %dma_wait3A_440 = arith.constant 2 : i32
    %dma_wait3A_441 = arith.constant 1 : i32
    %dma_wait3A_442 = arith.constant 0 : i32
    %dma_wait3A_443 = arith.constant 1024 : i32
    %dma_wait3A_444 = tpu.memref_slice %arg7[%dma_wait3A_441, %dma_wait3A_442, %dma_wait3A_443] : memref<2x16x2048xf32, #tpu.memory_space<vmem>> -> memref<1x16x512xf32, #tpu.memory_space<vmem>>
    %dma_wait3A_445 = tpu.memref_squeeze %dma_wait3A_444 : memref<1x16x512xf32, #tpu.memory_space<vmem>> -> memref<16x512xf32, #tpu.memory_space<vmem>>
    %dma_wait3A_446 = tpu.memref_slice %arg6[%dma_wait3A_440, %add3A_393] : memref<4x2048xi32, #tpu.memory_space<vmem>> -> memref<1x16xi32, #tpu.memory_space<vmem>>
    %dma_wait3A_447 = tpu.memref_squeeze %dma_wait3A_446 : memref<1x16xi32, #tpu.memory_space<vmem>> -> memref<16xi32, #tpu.memory_space<vmem>>
    %dma_wait3A_448 = arith.constant 0 : i32
    %dma_wait3A_449 = arith.constant 0 : i32
    %dma_wait3A_450 = tpu.memref_slice %arg2[%dma_wait3A_448, %dma_wait3A_449] : memref<4096x512xf32, #tpu.memory_space<hbm>> -> memref<4096x512xf32, #tpu.memory_space<hbm>>
    tpu.wait_indirect_dma semaphore(%arg9 : memref<!tpu.dma_semaphore, #tpu.memory_space<semaphore_mem>>) src(%dma_wait3A_450 : memref<4096x512xf32, #tpu.memory_space<hbm>>) dst(%dma_wait3A_445 : memref<16x512xf32, #tpu.memory_space<vmem>>)
    %dma_wait3A_451 = arith.constant 3 : i32
    %dma_wait3A_452 = arith.constant 1 : i32
    %dma_wait3A_453 = arith.constant 0 : i32
    %dma_wait3A_454 = arith.constant 1536 : i32
    %dma_wait3A_455 = tpu.memref_slice %arg7[%dma_wait3A_452, %dma_wait3A_453, %dma_wait3A_454] : memref<2x16x2048xf32, #tpu.memory_space<vmem>> -> memref<1x16x512xf32, #tpu.memory_space<vmem>>
    %dma_wait3A_456 = tpu.memref_squeeze %dma_wait3A_455 : memref<1x16x512xf32, #tpu.memory_space<vmem>> -> memref<16x512xf32, #tpu.memory_space<vmem>>
    %dma_wait3A_457 = tpu.memref_slice %arg6[%dma_wait3A_451, %add3A_406] : memref<4x2048xi32, #tpu.memory_space<vmem>> -> memref<1x16xi32, #tpu.memory_space<vmem>>
    %dma_wait3A_458 = tpu.memref_squeeze %dma_wait3A_457 : memref<1x16xi32, #tpu.memory_space<vmem>> -> memref<16xi32, #tpu.memory_space<vmem>>
    %dma_wait3A_459 = arith.constant 0 : i32
    %dma_wait3A_460 = arith.constant 0 : i32
    %dma_wait3A_461 = tpu.memref_slice %arg2[%dma_wait3A_459, %dma_wait3A_460] : memref<4096x512xf32, #tpu.memory_space<hbm>> -> memref<4096x512xf32, #tpu.memory_space<hbm>>
    tpu.wait_indirect_dma semaphore(%arg9 : memref<!tpu.dma_semaphore, #tpu.memory_space<semaphore_mem>>) src(%dma_wait3A_461 : memref<4096x512xf32, #tpu.memory_space<hbm>>) dst(%dma_wait3A_456 : memref<16x512xf32, #tpu.memory_space<vmem>>)
    %add3A_462 = arith.constant 2048 : i32
    %add3A_463 = arith.addi %add3A_462, %mul3A_2 : i32
    %add3A_464 = arith.constant 48 : i32
    %add3A_465 = arith.addi %add3A_463, %add3A_464 : i32
    %dma_start3A_466 = arith.constant 1 : i32
    %dma_start3A_467 = arith.constant 0 : i32
    %dma_start3A_468 = arith.constant 0 : i32
    %dma_start3A_469 = tpu.memref_slice %arg7[%dma_start3A_466, %dma_start3A_467, %dma_start3A_468] : memref<2x16x2048xf32, #tpu.memory_space<vmem>> -> memref<1x16x2048xf32, #tpu.memory_space<vmem>>
    %dma_start3A_470 = tpu.memref_squeeze %dma_start3A_469 : memref<1x16x2048xf32, #tpu.memory_space<vmem>> -> memref<16x2048xf32, #tpu.memory_space<vmem>>
    %dma_start3A_471 = arith.constant 0 : i32
    %dma_start3A_472 = tpu.memref_slice %arg4[%add3A_465, %dma_start3A_471] : memref<4096x2048xf32, #tpu.memory_space<hbm>> -> memref<16x2048xf32, #tpu.memory_space<hbm>>
    %dma_start3A_473 = arith.constant 0 : i32
    %dma_start3A_474 = tpu.memref_slice %arg4[%add3A_465, %dma_start3A_473] : memref<4096x2048xf32, #tpu.memory_space<hbm>> -> memref<16x2048xf32, #tpu.memory_space<hbm>>
    %dma_start3A_475 = arith.constant 0 : i32
    %dma_start3A_476 = arith.constant 0 : i32
    %dma_start3A_477 = tpu.memref_slice %arg7[%dma_start3A_466, %dma_start3A_475, %dma_start3A_476] : memref<2x16x2048xf32, #tpu.memory_space<vmem>> -> memref<1x16x2048xf32, #tpu.memory_space<vmem>>
    %dma_start3A_478 = tpu.memref_squeeze %dma_start3A_477 : memref<1x16x2048xf32, #tpu.memory_space<vmem>> -> memref<16x2048xf32, #tpu.memory_space<vmem>>
    tpu.enqueue_dma source(%dma_start3A_478 : memref<16x2048xf32, #tpu.memory_space<vmem>>) target(%dma_start3A_474 : memref<16x2048xf32, #tpu.memory_space<hbm>>) target_semaphore(%arg11 : memref<!tpu.dma_semaphore, #tpu.memory_space<semaphore_mem>>)
    %dma_wait3A_479 = arith.constant 0 : i32
    %dma_wait3A_480 = arith.constant 0 : i32
    %dma_wait3A_481 = arith.constant 0 : i32
    %dma_wait3A_482 = tpu.memref_slice %arg7[%dma_wait3A_479, %dma_wait3A_480, %dma_wait3A_481] : memref<2x16x2048xf32, #tpu.memory_space<vmem>> -> memref<1x16x2048xf32, #tpu.memory_space<vmem>>
    %dma_wait3A_483 = tpu.memref_squeeze %dma_wait3A_482 : memref<1x16x2048xf32, #tpu.memory_space<vmem>> -> memref<16x2048xf32, #tpu.memory_space<vmem>>
    %dma_wait3A_484 = arith.constant 0 : i32
    %dma_wait3A_485 = tpu.memref_slice %arg4[%add3A_339, %dma_wait3A_484] : memref<4096x2048xf32, #tpu.memory_space<hbm>> -> memref<16x2048xf32, #tpu.memory_space<hbm>>
    %dma_wait3A_486 = arith.constant 0 : i32
    %dma_wait3A_487 = tpu.memref_slice %arg4[%add3A_339, %dma_wait3A_486] : memref<4096x2048xf32, #tpu.memory_space<hbm>> -> memref<16x2048xf32, #tpu.memory_space<hbm>>
    %dma_wait3A_488 = arith.constant 0 : i32
    %dma_wait3A_489 = arith.constant 0 : i32
    %dma_wait3A_490 = tpu.memref_slice %arg7[%dma_wait3A_479, %dma_wait3A_488, %dma_wait3A_489] : memref<2x16x2048xf32, #tpu.memory_space<vmem>> -> memref<1x16x2048xf32, #tpu.memory_space<vmem>>
    %dma_wait3A_491 = tpu.memref_squeeze %dma_wait3A_490 : memref<1x16x2048xf32, #tpu.memory_space<vmem>> -> memref<16x2048xf32, #tpu.memory_space<vmem>>
    tpu.wait_dma2 semaphore(%arg10 : memref<!tpu.dma_semaphore, #tpu.memory_space<semaphore_mem>>) src(%dma_wait3A_491 : memref<16x2048xf32, #tpu.memory_space<vmem>>) dst(%dma_wait3A_487 : memref<16x2048xf32, #tpu.memory_space<hbm>>)
    %dma_wait3A_492 = arith.constant 1 : i32
    %dma_wait3A_493 = arith.constant 0 : i32
    %dma_wait3A_494 = arith.constant 0 : i32
    %dma_wait3A_495 = tpu.memref_slice %arg7[%dma_wait3A_492, %dma_wait3A_493, %dma_wait3A_494] : memref<2x16x2048xf32, #tpu.memory_space<vmem>> -> memref<1x16x2048xf32, #tpu.memory_space<vmem>>
    %dma_wait3A_496 = tpu.memref_squeeze %dma_wait3A_495 : memref<1x16x2048xf32, #tpu.memory_space<vmem>> -> memref<16x2048xf32, #tpu.memory_space<vmem>>
    %dma_wait3A_497 = arith.constant 0 : i32
    %dma_wait3A_498 = tpu.memref_slice %arg4[%add3A_465, %dma_wait3A_497] : memref<4096x2048xf32, #tpu.memory_space<hbm>> -> memref<16x2048xf32, #tpu.memory_space<hbm>>
    %dma_wait3A_499 = arith.constant 0 : i32
    %dma_wait3A_500 = tpu.memref_slice %arg4[%add3A_465, %dma_wait3A_499] : memref<4096x2048xf32, #tpu.memory_space<hbm>> -> memref<16x2048xf32, #tpu.memory_space<hbm>>
    %dma_wait3A_501 = arith.constant 0 : i32
    %dma_wait3A_502 = arith.constant 0 : i32
    %dma_wait3A_503 = tpu.memref_slice %arg7[%dma_wait3A_492, %dma_wait3A_501, %dma_wait3A_502] : memref<2x16x2048xf32, #tpu.memory_space<vmem>> -> memref<1x16x2048xf32, #tpu.memory_space<vmem>>
    %dma_wait3A_504 = tpu.memref_squeeze %dma_wait3A_503 : memref<1x16x2048xf32, #tpu.memory_space<vmem>> -> memref<16x2048xf32, #tpu.memory_space<vmem>>
    tpu.wait_dma2 semaphore(%arg11 : memref<!tpu.dma_semaphore, #tpu.memory_space<semaphore_mem>>) src(%dma_wait3A_504 : memref<16x2048xf32, #tpu.memory_space<vmem>>) dst(%dma_wait3A_500 : memref<16x2048xf32, #tpu.memory_space<hbm>>)
    return
  }
}

#map = affine_map<(d0, d1) -> (0, 0)>
module attributes {stable_mosaic.version = 14 : i64} {
  func.func @new_body(%arg0: i32, %arg1: i32, %arg2: memref<4096x512xf32, #tpu.memory_space<hbm>>, %arg3: memref<4x2048xi32, #tpu.memory_space<hbm>>, %arg4: memref<4096x2048xf32, #tpu.memory_space<hbm>>, %arg5: memref<4096x2048xf32, #tpu.memory_space<hbm>>, %arg6: memref<4x2048xi32, #tpu.memory_space<vmem>>, %arg7: memref<2x16x2048xf32, #tpu.memory_space<vmem>>, %arg8: memref<!tpu.dma_semaphore, #tpu.memory_space<semaphore_mem>>, %arg9: memref<!tpu.dma_semaphore, #tpu.memory_space<semaphore_mem>>, %arg10: memref<!tpu.dma_semaphore, #tpu.memory_space<semaphore_mem>>, %arg11: memref<!tpu.dma_semaphore, #tpu.memory_space<semaphore_mem>>) attributes {dimension_semantics = [#tpu.dimension_semantics<core_parallel>, #tpu.dimension_semantics<subcore_parallel>], iteration_bounds = array<i64: 2, 16>, scalar_prefetch = 0 : i64, scratch_operands = 6 : i64, tpu.core_type = #tpu.core_type<sc_vector_subcore>, window_params = [{transform_indices = #map}, {transform_indices = #map}, {transform_indices = #map}, {transform_indices = #map}]} {
    %mul3A = arith.constant 2 : i32
    %mul3A_0 = arith.muli %arg1, %mul3A : i32
    %add3A = arith.addi %mul3A_0, %arg0 : i32
    %mul3A_1 = arith.constant 64 : i32
    %mul3A_2 = arith.muli %add3A, %mul3A_1 : i32
    "tpu.region"() ({
      %run_scoped3A = tpu.sem_alloc : memref<!tpu.dma_semaphore, #tpu.memory_space<semaphore_mem>>
      tpu.enqueue_dma source(%arg3 : memref<4x2048xi32, #tpu.memory_space<hbm>>) target(%arg6 : memref<4x2048xi32, #tpu.memory_space<vmem>>) target_semaphore(%run_scoped3A : memref<!tpu.dma_semaphore, #tpu.memory_space<semaphore_mem>>)
      tpu.wait_dma2 semaphore(%run_scoped3A : memref<!tpu.dma_semaphore, #tpu.memory_space<semaphore_mem>>) src(%arg3 : memref<4x2048xi32, #tpu.memory_space<hbm>>) dst(%arg6 : memref<4x2048xi32, #tpu.memory_space<vmem>>)
      tpu.yield
    }) : () -> ()
    %add3A_3 = arith.constant 0 : i32
    %add3A_4 = arith.addi %mul3A_2, %add3A_3 : i32
    %dma_start3A = arith.constant 0 : i32
    %dma_start3A_5 = arith.constant 0 : i32
    %dma_start3A_6 = arith.constant 0 : i32
    %dma_start3A_7 = arith.constant 0 : i32
    %dma_start3A_8 = tpu.memref_slice %arg7[%dma_start3A_5, %dma_start3A_6, %dma_start3A_7] : memref<2x16x2048xf32, #tpu.memory_space<vmem>> -> memref<1x16x512xf32, #tpu.memory_space<vmem>>
    %dma_start3A_9 = tpu.memref_squeeze %dma_start3A_8 : memref<1x16x512xf32, #tpu.memory_space<vmem>> -> memref<16x512xf32, #tpu.memory_space<vmem>>
    %dma_start3A_10 = tpu.memref_slice %arg6[%dma_start3A, %add3A_4] : memref<4x2048xi32, #tpu.memory_space<vmem>> -> memref<1x16xi32, #tpu.memory_space<vmem>>
    %dma_start3A_11 = tpu.memref_squeeze %dma_start3A_10 : memref<1x16xi32, #tpu.memory_space<vmem>> -> memref<16xi32, #tpu.memory_space<vmem>>
    %dma_start3A_12 = arith.constant 0 : i32
    %dma_start3A_13 = arith.constant 0 : i32
    %dma_start3A_14 = tpu.memref_slice %arg2[%dma_start3A_12, %dma_start3A_13] : memref<4096x512xf32, #tpu.memory_space<hbm>> -> memref<4096x512xf32, #tpu.memory_space<hbm>>
    tpu.enqueue_indirect_dma source(%dma_start3A_14 : memref<4096x512xf32, #tpu.memory_space<hbm>>) target(%dma_start3A_9 : memref<16x512xf32, #tpu.memory_space<vmem>>) offsets(%dma_start3A_11 : memref<16xi32, #tpu.memory_space<vmem>>) semaphore(%arg8 : memref<!tpu.dma_semaphore, #tpu.memory_space<semaphore_mem>>)
    %add3A_15 = arith.constant 0 : i32
    %add3A_16 = arith.addi %mul3A_2, %add3A_15 : i32
    %dma_start3A_17 = arith.constant 1 : i32
    %dma_start3A_18 = arith.constant 0 : i32
    %dma_start3A_19 = arith.constant 0 : i32
    %dma_start3A_20 = arith.constant 512 : i32
    %dma_start3A_21 = tpu.memref_slice %arg7[%dma_start3A_18, %dma_start3A_19, %dma_start3A_20] : memref<2x16x2048xf32, #tpu.memory_space<vmem>> -> memref<1x16x512xf32, #tpu.memory_space<vmem>>
    %dma_start3A_22 = tpu.memref_squeeze %dma_start3A_21 : memref<1x16x512xf32, #tpu.memory_space<vmem>> -> memref<16x512xf32, #tpu.memory_space<vmem>>
    %dma_start3A_23 = tpu.memref_slice %arg6[%dma_start3A_17, %add3A_16] : memref<4x2048xi32, #tpu.memory_space<vmem>> -> memref<1x16xi32, #tpu.memory_space<vmem>>
    %dma_start3A_24 = tpu.memref_squeeze %dma_start3A_23 : memref<1x16xi32, #tpu.memory_space<vmem>> -> memref<16xi32, #tpu.memory_space<vmem>>
    %dma_start3A_25 = arith.constant 0 : i32
    %dma_start3A_26 = arith.constant 0 : i32
    %dma_start3A_27 = tpu.memref_slice %arg2[%dma_start3A_25, %dma_start3A_26] : memref<4096x512xf32, #tpu.memory_space<hbm>> -> memref<4096x512xf32, #tpu.memory_space<hbm>>
    tpu.enqueue_indirect_dma source(%dma_start3A_27 : memref<4096x512xf32, #tpu.memory_space<hbm>>) target(%dma_start3A_22 : memref<16x512xf32, #tpu.memory_space<vmem>>) offsets(%dma_start3A_24 : memref<16xi32, #tpu.memory_space<vmem>>) semaphore(%arg8 : memref<!tpu.dma_semaphore, #tpu.memory_space<semaphore_mem>>)
    %add3A_28 = arith.constant 0 : i32
    %add3A_29 = arith.addi %mul3A_2, %add3A_28 : i32
    %dma_start3A_30 = arith.constant 2 : i32
    %dma_start3A_31 = arith.constant 0 : i32
    %dma_start3A_32 = arith.constant 0 : i32
    %dma_start3A_33 = arith.constant 1024 : i32
    %dma_start3A_34 = tpu.memref_slice %arg7[%dma_start3A_31, %dma_start3A_32, %dma_start3A_33] : memref<2x16x2048xf32, #tpu.memory_space<vmem>> -> memref<1x16x512xf32, #tpu.memory_space<vmem>>
    %dma_start3A_35 = tpu.memref_squeeze %dma_start3A_34 : memref<1x16x512xf32, #tpu.memory_space<vmem>> -> memref<16x512xf32, #tpu.memory_space<vmem>>
    %dma_start3A_36 = tpu.memref_slice %arg6[%dma_start3A_30, %add3A_29] : memref<4x2048xi32, #tpu.memory_space<vmem>> -> memref<1x16xi32, #tpu.memory_space<vmem>>
    %dma_start3A_37 = tpu.memref_squeeze %dma_start3A_36 : memref<1x16xi32, #tpu.memory_space<vmem>> -> memref<16xi32, #tpu.memory_space<vmem>>
    %dma_start3A_38 = arith.constant 0 : i32
    %dma_start3A_39 = arith.constant 0 : i32
    %dma_start3A_40 = tpu.memref_slice %arg2[%dma_start3A_38, %dma_start3A_39] : memref<4096x512xf32, #tpu.memory_space<hbm>> -> memref<4096x512xf32, #tpu.memory_space<hbm>>
    tpu.enqueue_indirect_dma source(%dma_start3A_40 : memref<4096x512xf32, #tpu.memory_space<hbm>>) target(%dma_start3A_35 : memref<16x512xf32, #tpu.memory_space<vmem>>) offsets(%dma_start3A_37 : memref<16xi32, #tpu.memory_space<vmem>>) semaphore(%arg8 : memref<!tpu.dma_semaphore, #tpu.memory_space<semaphore_mem>>)
    %add3A_41 = arith.constant 0 : i32
    %add3A_42 = arith.addi %mul3A_2, %add3A_41 : i32
    %dma_start3A_43 = arith.constant 3 : i32
    %dma_start3A_44 = arith.constant 0 : i32
    %dma_start3A_45 = arith.constant 0 : i32
    %dma_start3A_46 = arith.constant 1536 : i32
    %dma_start3A_47 = tpu.memref_slice %arg7[%dma_start3A_44, %dma_start3A_45, %dma_start3A_46] : memref<2x16x2048xf32, #tpu.memory_space<vmem>> -> memref<1x16x512xf32, #tpu.memory_space<vmem>>
    %dma_start3A_48 = tpu.memref_squeeze %dma_start3A_47 : memref<1x16x512xf32, #tpu.memory_space<vmem>> -> memref<16x512xf32, #tpu.memory_space<vmem>>
    %dma_start3A_49 = tpu.memref_slice %arg6[%dma_start3A_43, %add3A_42] : memref<4x2048xi32, #tpu.memory_space<vmem>> -> memref<1x16xi32, #tpu.memory_space<vmem>>
    %dma_start3A_50 = tpu.memref_squeeze %dma_start3A_49 : memref<1x16xi32, #tpu.memory_space<vmem>> -> memref<16xi32, #tpu.memory_space<vmem>>
    %dma_start3A_51 = arith.constant 0 : i32
    %dma_start3A_52 = arith.constant 0 : i32
    %dma_start3A_53 = tpu.memref_slice %arg2[%dma_start3A_51, %dma_start3A_52] : memref<4096x512xf32, #tpu.memory_space<hbm>> -> memref<4096x512xf32, #tpu.memory_space<hbm>>
    tpu.enqueue_indirect_dma source(%dma_start3A_53 : memref<4096x512xf32, #tpu.memory_space<hbm>>) target(%dma_start3A_48 : memref<16x512xf32, #tpu.memory_space<vmem>>) offsets(%dma_start3A_50 : memref<16xi32, #tpu.memory_space<vmem>>) semaphore(%arg8 : memref<!tpu.dma_semaphore, #tpu.memory_space<semaphore_mem>>)
    %dma_wait3A = arith.constant 0 : i32
    %dma_wait3A_54 = arith.constant 0 : i32
    %dma_wait3A_55 = arith.constant 0 : i32
    %dma_wait3A_56 = arith.constant 0 : i32
    %dma_wait3A_57 = tpu.memref_slice %arg7[%dma_wait3A_54, %dma_wait3A_55, %dma_wait3A_56] : memref<2x16x2048xf32, #tpu.memory_space<vmem>> -> memref<1x16x512xf32, #tpu.memory_space<vmem>>
    %dma_wait3A_58 = tpu.memref_squeeze %dma_wait3A_57 : memref<1x16x512xf32, #tpu.memory_space<vmem>> -> memref<16x512xf32, #tpu.memory_space<vmem>>
    %dma_wait3A_59 = tpu.memref_slice %arg6[%dma_wait3A, %add3A_4] : memref<4x2048xi32, #tpu.memory_space<vmem>> -> memref<1x16xi32, #tpu.memory_space<vmem>>
    %dma_wait3A_60 = tpu.memref_squeeze %dma_wait3A_59 : memref<1x16xi32, #tpu.memory_space<vmem>> -> memref<16xi32, #tpu.memory_space<vmem>>
    %dma_wait3A_61 = arith.constant 0 : i32
    %dma_wait3A_62 = arith.constant 0 : i32
    %dma_wait3A_63 = tpu.memref_slice %arg2[%dma_wait3A_61, %dma_wait3A_62] : memref<4096x512xf32, #tpu.memory_space<hbm>> -> memref<4096x512xf32, #tpu.memory_space<hbm>>
    tpu.wait_indirect_dma semaphore(%arg8 : memref<!tpu.dma_semaphore, #tpu.memory_space<semaphore_mem>>) src(%dma_wait3A_63 : memref<4096x512xf32, #tpu.memory_space<hbm>>) dst(%dma_wait3A_58 : memref<16x512xf32, #tpu.memory_space<vmem>>)
    %dma_wait3A_64 = arith.constant 1 : i32
    %dma_wait3A_65 = arith.constant 0 : i32
    %dma_wait3A_66 = arith.constant 0 : i32
    %dma_wait3A_67 = arith.constant 512 : i32
    %dma_wait3A_68 = tpu.memref_slice %arg7[%dma_wait3A_65, %dma_wait3A_66, %dma_wait3A_67] : memref<2x16x2048xf32, #tpu.memory_space<vmem>> -> memref<1x16x512xf32, #tpu.memory_space<vmem>>
    %dma_wait3A_69 = tpu.memref_squeeze %dma_wait3A_68 : memref<1x16x512xf32, #tpu.memory_space<vmem>> -> memref<16x512xf32, #tpu.memory_space<vmem>>
    %dma_wait3A_70 = tpu.memref_slice %arg6[%dma_wait3A_64, %add3A_16] : memref<4x2048xi32, #tpu.memory_space<vmem>> -> memref<1x16xi32, #tpu.memory_space<vmem>>
    %dma_wait3A_71 = tpu.memref_squeeze %dma_wait3A_70 : memref<1x16xi32, #tpu.memory_space<vmem>> -> memref<16xi32, #tpu.memory_space<vmem>>
    %dma_wait3A_72 = arith.constant 0 : i32
    %dma_wait3A_73 = arith.constant 0 : i32
    %dma_wait3A_74 = tpu.memref_slice %arg2[%dma_wait3A_72, %dma_wait3A_73] : memref<4096x512xf32, #tpu.memory_space<hbm>> -> memref<4096x512xf32, #tpu.memory_space<hbm>>
    tpu.wait_indirect_dma semaphore(%arg8 : memref<!tpu.dma_semaphore, #tpu.memory_space<semaphore_mem>>) src(%dma_wait3A_74 : memref<4096x512xf32, #tpu.memory_space<hbm>>) dst(%dma_wait3A_69 : memref<16x512xf32, #tpu.memory_space<vmem>>)
    %dma_wait3A_75 = arith.constant 2 : i32
    %dma_wait3A_76 = arith.constant 0 : i32
    %dma_wait3A_77 = arith.constant 0 : i32
    %dma_wait3A_78 = arith.constant 1024 : i32
    %dma_wait3A_79 = tpu.memref_slice %arg7[%dma_wait3A_76, %dma_wait3A_77, %dma_wait3A_78] : memref<2x16x2048xf32, #tpu.memory_space<vmem>> -> memref<1x16x512xf32, #tpu.memory_space<vmem>>
    %dma_wait3A_80 = tpu.memref_squeeze %dma_wait3A_79 : memref<1x16x512xf32, #tpu.memory_space<vmem>> -> memref<16x512xf32, #tpu.memory_space<vmem>>
    %dma_wait3A_81 = tpu.memref_slice %arg6[%dma_wait3A_75, %add3A_29] : memref<4x2048xi32, #tpu.memory_space<vmem>> -> memref<1x16xi32, #tpu.memory_space<vmem>>
    %dma_wait3A_82 = tpu.memref_squeeze %dma_wait3A_81 : memref<1x16xi32, #tpu.memory_space<vmem>> -> memref<16xi32, #tpu.memory_space<vmem>>
    %dma_wait3A_83 = arith.constant 0 : i32
    %dma_wait3A_84 = arith.constant 0 : i32
    %dma_wait3A_85 = tpu.memref_slice %arg2[%dma_wait3A_83, %dma_wait3A_84] : memref<4096x512xf32, #tpu.memory_space<hbm>> -> memref<4096x512xf32, #tpu.memory_space<hbm>>
    tpu.wait_indirect_dma semaphore(%arg8 : memref<!tpu.dma_semaphore, #tpu.memory_space<semaphore_mem>>) src(%dma_wait3A_85 : memref<4096x512xf32, #tpu.memory_space<hbm>>) dst(%dma_wait3A_80 : memref<16x512xf32, #tpu.memory_space<vmem>>)
    %dma_wait3A_86 = arith.constant 3 : i32
    %dma_wait3A_87 = arith.constant 0 : i32
    %dma_wait3A_88 = arith.constant 0 : i32
    %dma_wait3A_89 = arith.constant 1536 : i32
    %dma_wait3A_90 = tpu.memref_slice %arg7[%dma_wait3A_87, %dma_wait3A_88, %dma_wait3A_89] : memref<2x16x2048xf32, #tpu.memory_space<vmem>> -> memref<1x16x512xf32, #tpu.memory_space<vmem>>
    %dma_wait3A_91 = tpu.memref_squeeze %dma_wait3A_90 : memref<1x16x512xf32, #tpu.memory_space<vmem>> -> memref<16x512xf32, #tpu.memory_space<vmem>>
    %dma_wait3A_92 = tpu.memref_slice %arg6[%dma_wait3A_86, %add3A_42] : memref<4x2048xi32, #tpu.memory_space<vmem>> -> memref<1x16xi32, #tpu.memory_space<vmem>>
    %dma_wait3A_93 = tpu.memref_squeeze %dma_wait3A_92 : memref<1x16xi32, #tpu.memory_space<vmem>> -> memref<16xi32, #tpu.memory_space<vmem>>
    %dma_wait3A_94 = arith.constant 0 : i32
    %dma_wait3A_95 = arith.constant 0 : i32
    %dma_wait3A_96 = tpu.memref_slice %arg2[%dma_wait3A_94, %dma_wait3A_95] : memref<4096x512xf32, #tpu.memory_space<hbm>> -> memref<4096x512xf32, #tpu.memory_space<hbm>>
    tpu.wait_indirect_dma semaphore(%arg8 : memref<!tpu.dma_semaphore, #tpu.memory_space<semaphore_mem>>) src(%dma_wait3A_96 : memref<4096x512xf32, #tpu.memory_space<hbm>>) dst(%dma_wait3A_91 : memref<16x512xf32, #tpu.memory_space<vmem>>)
    %add3A_97 = arith.constant 0 : i32
    %add3A_98 = arith.addi %add3A_97, %mul3A_2 : i32
    %add3A_99 = arith.constant 0 : i32
    %add3A_100 = arith.addi %add3A_98, %add3A_99 : i32
    %dma_start3A_101 = arith.constant 0 : i32
    %dma_start3A_102 = arith.constant 0 : i32
    %dma_start3A_103 = arith.constant 0 : i32
    %dma_start3A_104 = tpu.memref_slice %arg7[%dma_start3A_101, %dma_start3A_102, %dma_start3A_103] : memref<2x16x2048xf32, #tpu.memory_space<vmem>> -> memref<1x16x2048xf32, #tpu.memory_space<vmem>>
    %dma_start3A_105 = tpu.memref_squeeze %dma_start3A_104 : memref<1x16x2048xf32, #tpu.memory_space<vmem>> -> memref<16x2048xf32, #tpu.memory_space<vmem>>
    %dma_start3A_106 = arith.constant 0 : i32
    %dma_start3A_107 = tpu.memref_slice %arg4[%add3A_100, %dma_start3A_106] : memref<4096x2048xf32, #tpu.memory_space<hbm>> -> memref<16x2048xf32, #tpu.memory_space<hbm>>
    %dma_start3A_108 = arith.constant 0 : i32
    %dma_start3A_109 = tpu.memref_slice %arg4[%add3A_100, %dma_start3A_108] : memref<4096x2048xf32, #tpu.memory_space<hbm>> -> memref<16x2048xf32, #tpu.memory_space<hbm>>
    %dma_start3A_110 = arith.constant 0 : i32
    %dma_start3A_111 = arith.constant 0 : i32
    %dma_start3A_112 = tpu.memref_slice %arg7[%dma_start3A_101, %dma_start3A_110, %dma_start3A_111] : memref<2x16x2048xf32, #tpu.memory_space<vmem>> -> memref<1x16x2048xf32, #tpu.memory_space<vmem>>
    %dma_start3A_113 = tpu.memref_squeeze %dma_start3A_112 : memref<1x16x2048xf32, #tpu.memory_space<vmem>> -> memref<16x2048xf32, #tpu.memory_space<vmem>>
    tpu.enqueue_dma source(%dma_start3A_113 : memref<16x2048xf32, #tpu.memory_space<vmem>>) target(%dma_start3A_109 : memref<16x2048xf32, #tpu.memory_space<hbm>>) target_semaphore(%arg10 : memref<!tpu.dma_semaphore, #tpu.memory_space<semaphore_mem>>)
    %add3A_114 = arith.constant 16 : i32
    %add3A_115 = arith.addi %mul3A_2, %add3A_114 : i32
    %dma_start3A_116 = arith.constant 0 : i32
    %dma_start3A_117 = arith.constant 1 : i32
    %dma_start3A_118 = arith.constant 0 : i32
    %dma_start3A_119 = arith.constant 0 : i32
    %dma_start3A_120 = tpu.memref_slice %arg7[%dma_start3A_117, %dma_start3A_118, %dma_start3A_119] : memref<2x16x2048xf32, #tpu.memory_space<vmem>> -> memref<1x16x512xf32, #tpu.memory_space<vmem>>
    %dma_start3A_121 = tpu.memref_squeeze %dma_start3A_120 : memref<1x16x512xf32, #tpu.memory_space<vmem>> -> memref<16x512xf32, #tpu.memory_space<vmem>>
    %dma_start3A_122 = tpu.memref_slice %arg6[%dma_start3A_116, %add3A_115] : memref<4x2048xi32, #tpu.memory_space<vmem>> -> memref<1x16xi32, #tpu.memory_space<vmem>>
    %dma_start3A_123 = tpu.memref_squeeze %dma_start3A_122 : memref<1x16xi32, #tpu.memory_space<vmem>> -> memref<16xi32, #tpu.memory_space<vmem>>
    %dma_start3A_124 = arith.constant 0 : i32
    %dma_start3A_125 = arith.constant 0 : i32
    %dma_start3A_126 = tpu.memref_slice %arg2[%dma_start3A_124, %dma_start3A_125] : memref<4096x512xf32, #tpu.memory_space<hbm>> -> memref<4096x512xf32, #tpu.memory_space<hbm>>
    tpu.enqueue_indirect_dma source(%dma_start3A_126 : memref<4096x512xf32, #tpu.memory_space<hbm>>) target(%dma_start3A_121 : memref<16x512xf32, #tpu.memory_space<vmem>>) offsets(%dma_start3A_123 : memref<16xi32, #tpu.memory_space<vmem>>) semaphore(%arg9 : memref<!tpu.dma_semaphore, #tpu.memory_space<semaphore_mem>>)
    %add3A_127 = arith.constant 16 : i32
    %add3A_128 = arith.addi %mul3A_2, %add3A_127 : i32
    %dma_start3A_129 = arith.constant 1 : i32
    %dma_start3A_130 = arith.constant 1 : i32
    %dma_start3A_131 = arith.constant 0 : i32
    %dma_start3A_132 = arith.constant 512 : i32
    %dma_start3A_133 = tpu.memref_slice %arg7[%dma_start3A_130, %dma_start3A_131, %dma_start3A_132] : memref<2x16x2048xf32, #tpu.memory_space<vmem>> -> memref<1x16x512xf32, #tpu.memory_space<vmem>>
    %dma_start3A_134 = tpu.memref_squeeze %dma_start3A_133 : memref<1x16x512xf32, #tpu.memory_space<vmem>> -> memref<16x512xf32, #tpu.memory_space<vmem>>
    %dma_start3A_135 = tpu.memref_slice %arg6[%dma_start3A_129, %add3A_128] : memref<4x2048xi32, #tpu.memory_space<vmem>> -> memref<1x16xi32, #tpu.memory_space<vmem>>
    %dma_start3A_136 = tpu.memref_squeeze %dma_start3A_135 : memref<1x16xi32, #tpu.memory_space<vmem>> -> memref<16xi32, #tpu.memory_space<vmem>>
    %dma_start3A_137 = arith.constant 0 : i32
    %dma_start3A_138 = arith.constant 0 : i32
    %dma_start3A_139 = tpu.memref_slice %arg2[%dma_start3A_137, %dma_start3A_138] : memref<4096x512xf32, #tpu.memory_space<hbm>> -> memref<4096x512xf32, #tpu.memory_space<hbm>>
    tpu.enqueue_indirect_dma source(%dma_start3A_139 : memref<4096x512xf32, #tpu.memory_space<hbm>>) target(%dma_start3A_134 : memref<16x512xf32, #tpu.memory_space<vmem>>) offsets(%dma_start3A_136 : memref<16xi32, #tpu.memory_space<vmem>>) semaphore(%arg9 : memref<!tpu.dma_semaphore, #tpu.memory_space<semaphore_mem>>)
    %add3A_140 = arith.constant 16 : i32
    %add3A_141 = arith.addi %mul3A_2, %add3A_140 : i32
    %dma_start3A_142 = arith.constant 2 : i32
    %dma_start3A_143 = arith.constant 1 : i32
    %dma_start3A_144 = arith.constant 0 : i32
    %dma_start3A_145 = arith.constant 1024 : i32
    %dma_start3A_146 = tpu.memref_slice %arg7[%dma_start3A_143, %dma_start3A_144, %dma_start3A_145] : memref<2x16x2048xf32, #tpu.memory_space<vmem>> -> memref<1x16x512xf32, #tpu.memory_space<vmem>>
    %dma_start3A_147 = tpu.memref_squeeze %dma_start3A_146 : memref<1x16x512xf32, #tpu.memory_space<vmem>> -> memref<16x512xf32, #tpu.memory_space<vmem>>
    %dma_start3A_148 = tpu.memref_slice %arg6[%dma_start3A_142, %add3A_141] : memref<4x2048xi32, #tpu.memory_space<vmem>> -> memref<1x16xi32, #tpu.memory_space<vmem>>
    %dma_start3A_149 = tpu.memref_squeeze %dma_start3A_148 : memref<1x16xi32, #tpu.memory_space<vmem>> -> memref<16xi32, #tpu.memory_space<vmem>>
    %dma_start3A_150 = arith.constant 0 : i32
    %dma_start3A_151 = arith.constant 0 : i32
    %dma_start3A_152 = tpu.memref_slice %arg2[%dma_start3A_150, %dma_start3A_151] : memref<4096x512xf32, #tpu.memory_space<hbm>> -> memref<4096x512xf32, #tpu.memory_space<hbm>>
    tpu.enqueue_indirect_dma source(%dma_start3A_152 : memref<4096x512xf32, #tpu.memory_space<hbm>>) target(%dma_start3A_147 : memref<16x512xf32, #tpu.memory_space<vmem>>) offsets(%dma_start3A_149 : memref<16xi32, #tpu.memory_space<vmem>>) semaphore(%arg9 : memref<!tpu.dma_semaphore, #tpu.memory_space<semaphore_mem>>)
    %add3A_153 = arith.constant 16 : i32
    %add3A_154 = arith.addi %mul3A_2, %add3A_153 : i32
    %dma_start3A_155 = arith.constant 3 : i32
    %dma_start3A_156 = arith.constant 1 : i32
    %dma_start3A_157 = arith.constant 0 : i32
    %dma_start3A_158 = arith.constant 1536 : i32
    %dma_start3A_159 = tpu.memref_slice %arg7[%dma_start3A_156, %dma_start3A_157, %dma_start3A_158] : memref<2x16x2048xf32, #tpu.memory_space<vmem>> -> memref<1x16x512xf32, #tpu.memory_space<vmem>>
    %dma_start3A_160 = tpu.memref_squeeze %dma_start3A_159 : memref<1x16x512xf32, #tpu.memory_space<vmem>> -> memref<16x512xf32, #tpu.memory_space<vmem>>
    %dma_start3A_161 = tpu.memref_slice %arg6[%dma_start3A_155, %add3A_154] : memref<4x2048xi32, #tpu.memory_space<vmem>> -> memref<1x16xi32, #tpu.memory_space<vmem>>
    %dma_start3A_162 = tpu.memref_squeeze %dma_start3A_161 : memref<1x16xi32, #tpu.memory_space<vmem>> -> memref<16xi32, #tpu.memory_space<vmem>>
    %dma_start3A_163 = arith.constant 0 : i32
    %dma_start3A_164 = arith.constant 0 : i32
    %dma_start3A_165 = tpu.memref_slice %arg2[%dma_start3A_163, %dma_start3A_164] : memref<4096x512xf32, #tpu.memory_space<hbm>> -> memref<4096x512xf32, #tpu.memory_space<hbm>>
    tpu.enqueue_indirect_dma source(%dma_start3A_165 : memref<4096x512xf32, #tpu.memory_space<hbm>>) target(%dma_start3A_160 : memref<16x512xf32, #tpu.memory_space<vmem>>) offsets(%dma_start3A_162 : memref<16xi32, #tpu.memory_space<vmem>>) semaphore(%arg9 : memref<!tpu.dma_semaphore, #tpu.memory_space<semaphore_mem>>)
    %dma_wait3A_166 = arith.constant 0 : i32
    %dma_wait3A_167 = arith.constant 1 : i32
    %dma_wait3A_168 = arith.constant 0 : i32
    %dma_wait3A_169 = arith.constant 0 : i32
    %dma_wait3A_170 = tpu.memref_slice %arg7[%dma_wait3A_167, %dma_wait3A_168, %dma_wait3A_169] : memref<2x16x2048xf32, #tpu.memory_space<vmem>> -> memref<1x16x512xf32, #tpu.memory_space<vmem>>
    %dma_wait3A_171 = tpu.memref_squeeze %dma_wait3A_170 : memref<1x16x512xf32, #tpu.memory_space<vmem>> -> memref<16x512xf32, #tpu.memory_space<vmem>>
    %dma_wait3A_172 = tpu.memref_slice %arg6[%dma_wait3A_166, %add3A_115] : memref<4x2048xi32, #tpu.memory_space<vmem>> -> memref<1x16xi32, #tpu.memory_space<vmem>>
    %dma_wait3A_173 = tpu.memref_squeeze %dma_wait3A_172 : memref<1x16xi32, #tpu.memory_space<vmem>> -> memref<16xi32, #tpu.memory_space<vmem>>
    %dma_wait3A_174 = arith.constant 0 : i32
    %dma_wait3A_175 = arith.constant 0 : i32
    %dma_wait3A_176 = tpu.memref_slice %arg2[%dma_wait3A_174, %dma_wait3A_175] : memref<4096x512xf32, #tpu.memory_space<hbm>> -> memref<4096x512xf32, #tpu.memory_space<hbm>>
    tpu.wait_indirect_dma semaphore(%arg9 : memref<!tpu.dma_semaphore, #tpu.memory_space<semaphore_mem>>) src(%dma_wait3A_176 : memref<4096x512xf32, #tpu.memory_space<hbm>>) dst(%dma_wait3A_171 : memref<16x512xf32, #tpu.memory_space<vmem>>)
    %dma_wait3A_177 = arith.constant 1 : i32
    %dma_wait3A_178 = arith.constant 1 : i32
    %dma_wait3A_179 = arith.constant 0 : i32
    %dma_wait3A_180 = arith.constant 512 : i32
    %dma_wait3A_181 = tpu.memref_slice %arg7[%dma_wait3A_178, %dma_wait3A_179, %dma_wait3A_180] : memref<2x16x2048xf32, #tpu.memory_space<vmem>> -> memref<1x16x512xf32, #tpu.memory_space<vmem>>
    %dma_wait3A_182 = tpu.memref_squeeze %dma_wait3A_181 : memref<1x16x512xf32, #tpu.memory_space<vmem>> -> memref<16x512xf32, #tpu.memory_space<vmem>>
    %dma_wait3A_183 = tpu.memref_slice %arg6[%dma_wait3A_177, %add3A_128] : memref<4x2048xi32, #tpu.memory_space<vmem>> -> memref<1x16xi32, #tpu.memory_space<vmem>>
    %dma_wait3A_184 = tpu.memref_squeeze %dma_wait3A_183 : memref<1x16xi32, #tpu.memory_space<vmem>> -> memref<16xi32, #tpu.memory_space<vmem>>
    %dma_wait3A_185 = arith.constant 0 : i32
    %dma_wait3A_186 = arith.constant 0 : i32
    %dma_wait3A_187 = tpu.memref_slice %arg2[%dma_wait3A_185, %dma_wait3A_186] : memref<4096x512xf32, #tpu.memory_space<hbm>> -> memref<4096x512xf32, #tpu.memory_space<hbm>>
    tpu.wait_indirect_dma semaphore(%arg9 : memref<!tpu.dma_semaphore, #tpu.memory_space<semaphore_mem>>) src(%dma_wait3A_187 : memref<4096x512xf32, #tpu.memory_space<hbm>>) dst(%dma_wait3A_182 : memref<16x512xf32, #tpu.memory_space<vmem>>)
    %dma_wait3A_188 = arith.constant 2 : i32
    %dma_wait3A_189 = arith.constant 1 : i32
    %dma_wait3A_190 = arith.constant 0 : i32
    %dma_wait3A_191 = arith.constant 1024 : i32
    %dma_wait3A_192 = tpu.memref_slice %arg7[%dma_wait3A_189, %dma_wait3A_190, %dma_wait3A_191] : memref<2x16x2048xf32, #tpu.memory_space<vmem>> -> memref<1x16x512xf32, #tpu.memory_space<vmem>>
    %dma_wait3A_193 = tpu.memref_squeeze %dma_wait3A_192 : memref<1x16x512xf32, #tpu.memory_space<vmem>> -> memref<16x512xf32, #tpu.memory_space<vmem>>
    %dma_wait3A_194 = tpu.memref_slice %arg6[%dma_wait3A_188, %add3A_141] : memref<4x2048xi32, #tpu.memory_space<vmem>> -> memref<1x16xi32, #tpu.memory_space<vmem>>
    %dma_wait3A_195 = tpu.memref_squeeze %dma_wait3A_194 : memref<1x16xi32, #tpu.memory_space<vmem>> -> memref<16xi32, #tpu.memory_space<vmem>>
    %dma_wait3A_196 = arith.constant 0 : i32
    %dma_wait3A_197 = arith.constant 0 : i32
    %dma_wait3A_198 = tpu.memref_slice %arg2[%dma_wait3A_196, %dma_wait3A_197] : memref<4096x512xf32, #tpu.memory_space<hbm>> -> memref<4096x512xf32, #tpu.memory_space<hbm>>
    tpu.wait_indirect_dma semaphore(%arg9 : memref<!tpu.dma_semaphore, #tpu.memory_space<semaphore_mem>>) src(%dma_wait3A_198 : memref<4096x512xf32, #tpu.memory_space<hbm>>) dst(%dma_wait3A_193 : memref<16x512xf32, #tpu.memory_space<vmem>>)
    %dma_wait3A_199 = arith.constant 3 : i32
    %dma_wait3A_200 = arith.constant 1 : i32
    %dma_wait3A_201 = arith.constant 0 : i32
    %dma_wait3A_202 = arith.constant 1536 : i32
    %dma_wait3A_203 = tpu.memref_slice %arg7[%dma_wait3A_200, %dma_wait3A_201, %dma_wait3A_202] : memref<2x16x2048xf32, #tpu.memory_space<vmem>> -> memref<1x16x512xf32, #tpu.memory_space<vmem>>
    %dma_wait3A_204 = tpu.memref_squeeze %dma_wait3A_203 : memref<1x16x512xf32, #tpu.memory_space<vmem>> -> memref<16x512xf32, #tpu.memory_space<vmem>>
    %dma_wait3A_205 = tpu.memref_slice %arg6[%dma_wait3A_199, %add3A_154] : memref<4x2048xi32, #tpu.memory_space<vmem>> -> memref<1x16xi32, #tpu.memory_space<vmem>>
    %dma_wait3A_206 = tpu.memref_squeeze %dma_wait3A_205 : memref<1x16xi32, #tpu.memory_space<vmem>> -> memref<16xi32, #tpu.memory_space<vmem>>
    %dma_wait3A_207 = arith.constant 0 : i32
    %dma_wait3A_208 = arith.constant 0 : i32
    %dma_wait3A_209 = tpu.memref_slice %arg2[%dma_wait3A_207, %dma_wait3A_208] : memref<4096x512xf32, #tpu.memory_space<hbm>> -> memref<4096x512xf32, #tpu.memory_space<hbm>>
    tpu.wait_indirect_dma semaphore(%arg9 : memref<!tpu.dma_semaphore, #tpu.memory_space<semaphore_mem>>) src(%dma_wait3A_209 : memref<4096x512xf32, #tpu.memory_space<hbm>>) dst(%dma_wait3A_204 : memref<16x512xf32, #tpu.memory_space<vmem>>)
    %add3A_210 = arith.constant 0 : i32
    %add3A_211 = arith.addi %add3A_210, %mul3A_2 : i32
    %add3A_212 = arith.constant 16 : i32
    %add3A_213 = arith.addi %add3A_211, %add3A_212 : i32
    %dma_start3A_214 = arith.constant 1 : i32
    %dma_start3A_215 = arith.constant 0 : i32
    %dma_start3A_216 = arith.constant 0 : i32
    %dma_start3A_217 = tpu.memref_slice %arg7[%dma_start3A_214, %dma_start3A_215, %dma_start3A_216] : memref<2x16x2048xf32, #tpu.memory_space<vmem>> -> memref<1x16x2048xf32, #tpu.memory_space<vmem>>
    %dma_start3A_218 = tpu.memref_squeeze %dma_start3A_217 : memref<1x16x2048xf32, #tpu.memory_space<vmem>> -> memref<16x2048xf32, #tpu.memory_space<vmem>>
    %dma_start3A_219 = arith.constant 0 : i32
    %dma_start3A_220 = tpu.memref_slice %arg4[%add3A_213, %dma_start3A_219] : memref<4096x2048xf32, #tpu.memory_space<hbm>> -> memref<16x2048xf32, #tpu.memory_space<hbm>>
    %dma_start3A_221 = arith.constant 0 : i32
    %dma_start3A_222 = tpu.memref_slice %arg4[%add3A_213, %dma_start3A_221] : memref<4096x2048xf32, #tpu.memory_space<hbm>> -> memref<16x2048xf32, #tpu.memory_space<hbm>>
    %dma_start3A_223 = arith.constant 0 : i32
    %dma_start3A_224 = arith.constant 0 : i32
    %dma_start3A_225 = tpu.memref_slice %arg7[%dma_start3A_214, %dma_start3A_223, %dma_start3A_224] : memref<2x16x2048xf32, #tpu.memory_space<vmem>> -> memref<1x16x2048xf32, #tpu.memory_space<vmem>>
    %dma_start3A_226 = tpu.memref_squeeze %dma_start3A_225 : memref<1x16x2048xf32, #tpu.memory_space<vmem>> -> memref<16x2048xf32, #tpu.memory_space<vmem>>
    tpu.enqueue_dma source(%dma_start3A_226 : memref<16x2048xf32, #tpu.memory_space<vmem>>) target(%dma_start3A_222 : memref<16x2048xf32, #tpu.memory_space<hbm>>) target_semaphore(%arg11 : memref<!tpu.dma_semaphore, #tpu.memory_space<semaphore_mem>>)
    %dma_wait3A_227 = arith.constant 0 : i32
    %dma_wait3A_228 = arith.constant 0 : i32
    %dma_wait3A_229 = arith.constant 0 : i32
    %dma_wait3A_230 = tpu.memref_slice %arg7[%dma_wait3A_227, %dma_wait3A_228, %dma_wait3A_229] : memref<2x16x2048xf32, #tpu.memory_space<vmem>> -> memref<1x16x2048xf32, #tpu.memory_space<vmem>>
    %dma_wait3A_231 = tpu.memref_squeeze %dma_wait3A_230 : memref<1x16x2048xf32, #tpu.memory_space<vmem>> -> memref<16x2048xf32, #tpu.memory_space<vmem>>
    %dma_wait3A_232 = arith.constant 0 : i32
    %dma_wait3A_233 = tpu.memref_slice %arg4[%add3A_100, %dma_wait3A_232] : memref<4096x2048xf32, #tpu.memory_space<hbm>> -> memref<16x2048xf32, #tpu.memory_space<hbm>>
    %dma_wait3A_234 = arith.constant 0 : i32
    %dma_wait3A_235 = tpu.memref_slice %arg4[%add3A_100, %dma_wait3A_234] : memref<4096x2048xf32, #tpu.memory_space<hbm>> -> memref<16x2048xf32, #tpu.memory_space<hbm>>
    %dma_wait3A_236 = arith.constant 0 : i32
    %dma_wait3A_237 = arith.constant 0 : i32
    %dma_wait3A_238 = tpu.memref_slice %arg7[%dma_wait3A_227, %dma_wait3A_236, %dma_wait3A_237] : memref<2x16x2048xf32, #tpu.memory_space<vmem>> -> memref<1x16x2048xf32, #tpu.memory_space<vmem>>
    %dma_wait3A_239 = tpu.memref_squeeze %dma_wait3A_238 : memref<1x16x2048xf32, #tpu.memory_space<vmem>> -> memref<16x2048xf32, #tpu.memory_space<vmem>>
    tpu.wait_dma2 semaphore(%arg10 : memref<!tpu.dma_semaphore, #tpu.memory_space<semaphore_mem>>) src(%dma_wait3A_239 : memref<16x2048xf32, #tpu.memory_space<vmem>>) dst(%dma_wait3A_235 : memref<16x2048xf32, #tpu.memory_space<hbm>>)
    %add3A_240 = arith.constant 32 : i32
    %add3A_241 = arith.addi %mul3A_2, %add3A_240 : i32
    %dma_start3A_242 = arith.constant 0 : i32
    %dma_start3A_243 = arith.constant 0 : i32
    %dma_start3A_244 = arith.constant 0 : i32
    %dma_start3A_245 = arith.constant 0 : i32
    %dma_start3A_246 = tpu.memref_slice %arg7[%dma_start3A_243, %dma_start3A_244, %dma_start3A_245] : memref<2x16x2048xf32, #tpu.memory_space<vmem>> -> memref<1x16x512xf32, #tpu.memory_space<vmem>>
    %dma_start3A_247 = tpu.memref_squeeze %dma_start3A_246 : memref<1x16x512xf32, #tpu.memory_space<vmem>> -> memref<16x512xf32, #tpu.memory_space<vmem>>
    %dma_start3A_248 = tpu.memref_slice %arg6[%dma_start3A_242, %add3A_241] : memref<4x2048xi32, #tpu.memory_space<vmem>> -> memref<1x16xi32, #tpu.memory_space<vmem>>
    %dma_start3A_249 = tpu.memref_squeeze %dma_start3A_248 : memref<1x16xi32, #tpu.memory_space<vmem>> -> memref<16xi32, #tpu.memory_space<vmem>>
    %dma_start3A_250 = arith.constant 0 : i32
    %dma_start3A_251 = arith.constant 0 : i32
    %dma_start3A_252 = tpu.memref_slice %arg2[%dma_start3A_250, %dma_start3A_251] : memref<4096x512xf32, #tpu.memory_space<hbm>> -> memref<4096x512xf32, #tpu.memory_space<hbm>>
    tpu.enqueue_indirect_dma source(%dma_start3A_252 : memref<4096x512xf32, #tpu.memory_space<hbm>>) target(%dma_start3A_247 : memref<16x512xf32, #tpu.memory_space<vmem>>) offsets(%dma_start3A_249 : memref<16xi32, #tpu.memory_space<vmem>>) semaphore(%arg8 : memref<!tpu.dma_semaphore, #tpu.memory_space<semaphore_mem>>)
    %add3A_253 = arith.constant 32 : i32
    %add3A_254 = arith.addi %mul3A_2, %add3A_253 : i32
    %dma_start3A_255 = arith.constant 1 : i32
    %dma_start3A_256 = arith.constant 0 : i32
    %dma_start3A_257 = arith.constant 0 : i32
    %dma_start3A_258 = arith.constant 512 : i32
    %dma_start3A_259 = tpu.memref_slice %arg7[%dma_start3A_256, %dma_start3A_257, %dma_start3A_258] : memref<2x16x2048xf32, #tpu.memory_space<vmem>> -> memref<1x16x512xf32, #tpu.memory_space<vmem>>
    %dma_start3A_260 = tpu.memref_squeeze %dma_start3A_259 : memref<1x16x512xf32, #tpu.memory_space<vmem>> -> memref<16x512xf32, #tpu.memory_space<vmem>>
    %dma_start3A_261 = tpu.memref_slice %arg6[%dma_start3A_255, %add3A_254] : memref<4x2048xi32, #tpu.memory_space<vmem>> -> memref<1x16xi32, #tpu.memory_space<vmem>>
    %dma_start3A_262 = tpu.memref_squeeze %dma_start3A_261 : memref<1x16xi32, #tpu.memory_space<vmem>> -> memref<16xi32, #tpu.memory_space<vmem>>
    %dma_start3A_263 = arith.constant 0 : i32
    %dma_start3A_264 = arith.constant 0 : i32
    %dma_start3A_265 = tpu.memref_slice %arg2[%dma_start3A_263, %dma_start3A_264] : memref<4096x512xf32, #tpu.memory_space<hbm>> -> memref<4096x512xf32, #tpu.memory_space<hbm>>
    tpu.enqueue_indirect_dma source(%dma_start3A_265 : memref<4096x512xf32, #tpu.memory_space<hbm>>) target(%dma_start3A_260 : memref<16x512xf32, #tpu.memory_space<vmem>>) offsets(%dma_start3A_262 : memref<16xi32, #tpu.memory_space<vmem>>) semaphore(%arg8 : memref<!tpu.dma_semaphore, #tpu.memory_space<semaphore_mem>>)
    %add3A_266 = arith.constant 32 : i32
    %add3A_267 = arith.addi %mul3A_2, %add3A_266 : i32
    %dma_start3A_268 = arith.constant 2 : i32
    %dma_start3A_269 = arith.constant 0 : i32
    %dma_start3A_270 = arith.constant 0 : i32
    %dma_start3A_271 = arith.constant 1024 : i32
    %dma_start3A_272 = tpu.memref_slice %arg7[%dma_start3A_269, %dma_start3A_270, %dma_start3A_271] : memref<2x16x2048xf32, #tpu.memory_space<vmem>> -> memref<1x16x512xf32, #tpu.memory_space<vmem>>
    %dma_start3A_273 = tpu.memref_squeeze %dma_start3A_272 : memref<1x16x512xf32, #tpu.memory_space<vmem>> -> memref<16x512xf32, #tpu.memory_space<vmem>>
    %dma_start3A_274 = tpu.memref_slice %arg6[%dma_start3A_268, %add3A_267] : memref<4x2048xi32, #tpu.memory_space<vmem>> -> memref<1x16xi32, #tpu.memory_space<vmem>>
    %dma_start3A_275 = tpu.memref_squeeze %dma_start3A_274 : memref<1x16xi32, #tpu.memory_space<vmem>> -> memref<16xi32, #tpu.memory_space<vmem>>
    %dma_start3A_276 = arith.constant 0 : i32
    %dma_start3A_277 = arith.constant 0 : i32
    %dma_start3A_278 = tpu.memref_slice %arg2[%dma_start3A_276, %dma_start3A_277] : memref<4096x512xf32, #tpu.memory_space<hbm>> -> memref<4096x512xf32, #tpu.memory_space<hbm>>
    tpu.enqueue_indirect_dma source(%dma_start3A_278 : memref<4096x512xf32, #tpu.memory_space<hbm>>) target(%dma_start3A_273 : memref<16x512xf32, #tpu.memory_space<vmem>>) offsets(%dma_start3A_275 : memref<16xi32, #tpu.memory_space<vmem>>) semaphore(%arg8 : memref<!tpu.dma_semaphore, #tpu.memory_space<semaphore_mem>>)
    %add3A_279 = arith.constant 32 : i32
    %add3A_280 = arith.addi %mul3A_2, %add3A_279 : i32
    %dma_start3A_281 = arith.constant 3 : i32
    %dma_start3A_282 = arith.constant 0 : i32
    %dma_start3A_283 = arith.constant 0 : i32
    %dma_start3A_284 = arith.constant 1536 : i32
    %dma_start3A_285 = tpu.memref_slice %arg7[%dma_start3A_282, %dma_start3A_283, %dma_start3A_284] : memref<2x16x2048xf32, #tpu.memory_space<vmem>> -> memref<1x16x512xf32, #tpu.memory_space<vmem>>
    %dma_start3A_286 = tpu.memref_squeeze %dma_start3A_285 : memref<1x16x512xf32, #tpu.memory_space<vmem>> -> memref<16x512xf32, #tpu.memory_space<vmem>>
    %dma_start3A_287 = tpu.memref_slice %arg6[%dma_start3A_281, %add3A_280] : memref<4x2048xi32, #tpu.memory_space<vmem>> -> memref<1x16xi32, #tpu.memory_space<vmem>>
    %dma_start3A_288 = tpu.memref_squeeze %dma_start3A_287 : memref<1x16xi32, #tpu.memory_space<vmem>> -> memref<16xi32, #tpu.memory_space<vmem>>
    %dma_start3A_289 = arith.constant 0 : i32
    %dma_start3A_290 = arith.constant 0 : i32
    %dma_start3A_291 = tpu.memref_slice %arg2[%dma_start3A_289, %dma_start3A_290] : memref<4096x512xf32, #tpu.memory_space<hbm>> -> memref<4096x512xf32, #tpu.memory_space<hbm>>
    tpu.enqueue_indirect_dma source(%dma_start3A_291 : memref<4096x512xf32, #tpu.memory_space<hbm>>) target(%dma_start3A_286 : memref<16x512xf32, #tpu.memory_space<vmem>>) offsets(%dma_start3A_288 : memref<16xi32, #tpu.memory_space<vmem>>) semaphore(%arg8 : memref<!tpu.dma_semaphore, #tpu.memory_space<semaphore_mem>>)
    %dma_wait3A_292 = arith.constant 0 : i32
    %dma_wait3A_293 = arith.constant 0 : i32
    %dma_wait3A_294 = arith.constant 0 : i32
    %dma_wait3A_295 = arith.constant 0 : i32
    %dma_wait3A_296 = tpu.memref_slice %arg7[%dma_wait3A_293, %dma_wait3A_294, %dma_wait3A_295] : memref<2x16x2048xf32, #tpu.memory_space<vmem>> -> memref<1x16x512xf32, #tpu.memory_space<vmem>>
    %dma_wait3A_297 = tpu.memref_squeeze %dma_wait3A_296 : memref<1x16x512xf32, #tpu.memory_space<vmem>> -> memref<16x512xf32, #tpu.memory_space<vmem>>
    %dma_wait3A_298 = tpu.memref_slice %arg6[%dma_wait3A_292, %add3A_241] : memref<4x2048xi32, #tpu.memory_space<vmem>> -> memref<1x16xi32, #tpu.memory_space<vmem>>
    %dma_wait3A_299 = tpu.memref_squeeze %dma_wait3A_298 : memref<1x16xi32, #tpu.memory_space<vmem>> -> memref<16xi32, #tpu.memory_space<vmem>>
    %dma_wait3A_300 = arith.constant 0 : i32
    %dma_wait3A_301 = arith.constant 0 : i32
    %dma_wait3A_302 = tpu.memref_slice %arg2[%dma_wait3A_300, %dma_wait3A_301] : memref<4096x512xf32, #tpu.memory_space<hbm>> -> memref<4096x512xf32, #tpu.memory_space<hbm>>
    tpu.wait_indirect_dma semaphore(%arg8 : memref<!tpu.dma_semaphore, #tpu.memory_space<semaphore_mem>>) src(%dma_wait3A_302 : memref<4096x512xf32, #tpu.memory_space<hbm>>) dst(%dma_wait3A_297 : memref<16x512xf32, #tpu.memory_space<vmem>>)
    %dma_wait3A_303 = arith.constant 1 : i32
    %dma_wait3A_304 = arith.constant 0 : i32
    %dma_wait3A_305 = arith.constant 0 : i32
    %dma_wait3A_306 = arith.constant 512 : i32
    %dma_wait3A_307 = tpu.memref_slice %arg7[%dma_wait3A_304, %dma_wait3A_305, %dma_wait3A_306] : memref<2x16x2048xf32, #tpu.memory_space<vmem>> -> memref<1x16x512xf32, #tpu.memory_space<vmem>>
    %dma_wait3A_308 = tpu.memref_squeeze %dma_wait3A_307 : memref<1x16x512xf32, #tpu.memory_space<vmem>> -> memref<16x512xf32, #tpu.memory_space<vmem>>
    %dma_wait3A_309 = tpu.memref_slice %arg6[%dma_wait3A_303, %add3A_254] : memref<4x2048xi32, #tpu.memory_space<vmem>> -> memref<1x16xi32, #tpu.memory_space<vmem>>
    %dma_wait3A_310 = tpu.memref_squeeze %dma_wait3A_309 : memref<1x16xi32, #tpu.memory_space<vmem>> -> memref<16xi32, #tpu.memory_space<vmem>>
    %dma_wait3A_311 = arith.constant 0 : i32
    %dma_wait3A_312 = arith.constant 0 : i32
    %dma_wait3A_313 = tpu.memref_slice %arg2[%dma_wait3A_311, %dma_wait3A_312] : memref<4096x512xf32, #tpu.memory_space<hbm>> -> memref<4096x512xf32, #tpu.memory_space<hbm>>
    tpu.wait_indirect_dma semaphore(%arg8 : memref<!tpu.dma_semaphore, #tpu.memory_space<semaphore_mem>>) src(%dma_wait3A_313 : memref<4096x512xf32, #tpu.memory_space<hbm>>) dst(%dma_wait3A_308 : memref<16x512xf32, #tpu.memory_space<vmem>>)
    %dma_wait3A_314 = arith.constant 2 : i32
    %dma_wait3A_315 = arith.constant 0 : i32
    %dma_wait3A_316 = arith.constant 0 : i32
    %dma_wait3A_317 = arith.constant 1024 : i32
    %dma_wait3A_318 = tpu.memref_slice %arg7[%dma_wait3A_315, %dma_wait3A_316, %dma_wait3A_317] : memref<2x16x2048xf32, #tpu.memory_space<vmem>> -> memref<1x16x512xf32, #tpu.memory_space<vmem>>
    %dma_wait3A_319 = tpu.memref_squeeze %dma_wait3A_318 : memref<1x16x512xf32, #tpu.memory_space<vmem>> -> memref<16x512xf32, #tpu.memory_space<vmem>>
    %dma_wait3A_320 = tpu.memref_slice %arg6[%dma_wait3A_314, %add3A_267] : memref<4x2048xi32, #tpu.memory_space<vmem>> -> memref<1x16xi32, #tpu.memory_space<vmem>>
    %dma_wait3A_321 = tpu.memref_squeeze %dma_wait3A_320 : memref<1x16xi32, #tpu.memory_space<vmem>> -> memref<16xi32, #tpu.memory_space<vmem>>
    %dma_wait3A_322 = arith.constant 0 : i32
    %dma_wait3A_323 = arith.constant 0 : i32
    %dma_wait3A_324 = tpu.memref_slice %arg2[%dma_wait3A_322, %dma_wait3A_323] : memref<4096x512xf32, #tpu.memory_space<hbm>> -> memref<4096x512xf32, #tpu.memory_space<hbm>>
    tpu.wait_indirect_dma semaphore(%arg8 : memref<!tpu.dma_semaphore, #tpu.memory_space<semaphore_mem>>) src(%dma_wait3A_324 : memref<4096x512xf32, #tpu.memory_space<hbm>>) dst(%dma_wait3A_319 : memref<16x512xf32, #tpu.memory_space<vmem>>)
    %dma_wait3A_325 = arith.constant 3 : i32
    %dma_wait3A_326 = arith.constant 0 : i32
    %dma_wait3A_327 = arith.constant 0 : i32
    %dma_wait3A_328 = arith.constant 1536 : i32
    %dma_wait3A_329 = tpu.memref_slice %arg7[%dma_wait3A_326, %dma_wait3A_327, %dma_wait3A_328] : memref<2x16x2048xf32, #tpu.memory_space<vmem>> -> memref<1x16x512xf32, #tpu.memory_space<vmem>>
    %dma_wait3A_330 = tpu.memref_squeeze %dma_wait3A_329 : memref<1x16x512xf32, #tpu.memory_space<vmem>> -> memref<16x512xf32, #tpu.memory_space<vmem>>
    %dma_wait3A_331 = tpu.memref_slice %arg6[%dma_wait3A_325, %add3A_280] : memref<4x2048xi32, #tpu.memory_space<vmem>> -> memref<1x16xi32, #tpu.memory_space<vmem>>
    %dma_wait3A_332 = tpu.memref_squeeze %dma_wait3A_331 : memref<1x16xi32, #tpu.memory_space<vmem>> -> memref<16xi32, #tpu.memory_space<vmem>>
    %dma_wait3A_333 = arith.constant 0 : i32
    %dma_wait3A_334 = arith.constant 0 : i32
    %dma_wait3A_335 = tpu.memref_slice %arg2[%dma_wait3A_333, %dma_wait3A_334] : memref<4096x512xf32, #tpu.memory_space<hbm>> -> memref<4096x512xf32, #tpu.memory_space<hbm>>
    tpu.wait_indirect_dma semaphore(%arg8 : memref<!tpu.dma_semaphore, #tpu.memory_space<semaphore_mem>>) src(%dma_wait3A_335 : memref<4096x512xf32, #tpu.memory_space<hbm>>) dst(%dma_wait3A_330 : memref<16x512xf32, #tpu.memory_space<vmem>>)
    %add3A_336 = arith.constant 0 : i32
    %add3A_337 = arith.addi %add3A_336, %mul3A_2 : i32
    %add3A_338 = arith.constant 32 : i32
    %add3A_339 = arith.addi %add3A_337, %add3A_338 : i32
    %dma_start3A_340 = arith.constant 0 : i32
    %dma_start3A_341 = arith.constant 0 : i32
    %dma_start3A_342 = arith.constant 0 : i32
    %dma_start3A_343 = tpu.memref_slice %arg7[%dma_start3A_340, %dma_start3A_341, %dma_start3A_342] : memref<2x16x2048xf32, #tpu.memory_space<vmem>> -> memref<1x16x2048xf32, #tpu.memory_space<vmem>>
    %dma_start3A_344 = tpu.memref_squeeze %dma_start3A_343 : memref<1x16x2048xf32, #tpu.memory_space<vmem>> -> memref<16x2048xf32, #tpu.memory_space<vmem>>
    %dma_start3A_345 = arith.constant 0 : i32
    %dma_start3A_346 = tpu.memref_slice %arg4[%add3A_339, %dma_start3A_345] : memref<4096x2048xf32, #tpu.memory_space<hbm>> -> memref<16x2048xf32, #tpu.memory_space<hbm>>
    %dma_start3A_347 = arith.constant 0 : i32
    %dma_start3A_348 = tpu.memref_slice %arg4[%add3A_339, %dma_start3A_347] : memref<4096x2048xf32, #tpu.memory_space<hbm>> -> memref<16x2048xf32, #tpu.memory_space<hbm>>
    %dma_start3A_349 = arith.constant 0 : i32
    %dma_start3A_350 = arith.constant 0 : i32
    %dma_start3A_351 = tpu.memref_slice %arg7[%dma_start3A_340, %dma_start3A_349, %dma_start3A_350] : memref<2x16x2048xf32, #tpu.memory_space<vmem>> -> memref<1x16x2048xf32, #tpu.memory_space<vmem>>
    %dma_start3A_352 = tpu.memref_squeeze %dma_start3A_351 : memref<1x16x2048xf32, #tpu.memory_space<vmem>> -> memref<16x2048xf32, #tpu.memory_space<vmem>>
    tpu.enqueue_dma source(%dma_start3A_352 : memref<16x2048xf32, #tpu.memory_space<vmem>>) target(%dma_start3A_348 : memref<16x2048xf32, #tpu.memory_space<hbm>>) target_semaphore(%arg10 : memref<!tpu.dma_semaphore, #tpu.memory_space<semaphore_mem>>)
    %dma_wait3A_353 = arith.constant 1 : i32
    %dma_wait3A_354 = arith.constant 0 : i32
    %dma_wait3A_355 = arith.constant 0 : i32
    %dma_wait3A_356 = tpu.memref_slice %arg7[%dma_wait3A_353, %dma_wait3A_354, %dma_wait3A_355] : memref<2x16x2048xf32, #tpu.memory_space<vmem>> -> memref<1x16x2048xf32, #tpu.memory_space<vmem>>
    %dma_wait3A_357 = tpu.memref_squeeze %dma_wait3A_356 : memref<1x16x2048xf32, #tpu.memory_space<vmem>> -> memref<16x2048xf32, #tpu.memory_space<vmem>>
    %dma_wait3A_358 = arith.constant 0 : i32
    %dma_wait3A_359 = tpu.memref_slice %arg4[%add3A_213, %dma_wait3A_358] : memref<4096x2048xf32, #tpu.memory_space<hbm>> -> memref<16x2048xf32, #tpu.memory_space<hbm>>
    %dma_wait3A_360 = arith.constant 0 : i32
    %dma_wait3A_361 = tpu.memref_slice %arg4[%add3A_213, %dma_wait3A_360] : memref<4096x2048xf32, #tpu.memory_space<hbm>> -> memref<16x2048xf32, #tpu.memory_space<hbm>>
    %dma_wait3A_362 = arith.constant 0 : i32
    %dma_wait3A_363 = arith.constant 0 : i32
    %dma_wait3A_364 = tpu.memref_slice %arg7[%dma_wait3A_353, %dma_wait3A_362, %dma_wait3A_363] : memref<2x16x2048xf32, #tpu.memory_space<vmem>> -> memref<1x16x2048xf32, #tpu.memory_space<vmem>>
    %dma_wait3A_365 = tpu.memref_squeeze %dma_wait3A_364 : memref<1x16x2048xf32, #tpu.memory_space<vmem>> -> memref<16x2048xf32, #tpu.memory_space<vmem>>
    tpu.wait_dma2 semaphore(%arg11 : memref<!tpu.dma_semaphore, #tpu.memory_space<semaphore_mem>>) src(%dma_wait3A_365 : memref<16x2048xf32, #tpu.memory_space<vmem>>) dst(%dma_wait3A_361 : memref<16x2048xf32, #tpu.memory_space<hbm>>)
    %add3A_366 = arith.constant 48 : i32
    %add3A_367 = arith.addi %mul3A_2, %add3A_366 : i32
    %dma_start3A_368 = arith.constant 0 : i32
    %dma_start3A_369 = arith.constant 1 : i32
    %dma_start3A_370 = arith.constant 0 : i32
    %dma_start3A_371 = arith.constant 0 : i32
    %dma_start3A_372 = tpu.memref_slice %arg7[%dma_start3A_369, %dma_start3A_370, %dma_start3A_371] : memref<2x16x2048xf32, #tpu.memory_space<vmem>> -> memref<1x16x512xf32, #tpu.memory_space<vmem>>
    %dma_start3A_373 = tpu.memref_squeeze %dma_start3A_372 : memref<1x16x512xf32, #tpu.memory_space<vmem>> -> memref<16x512xf32, #tpu.memory_space<vmem>>
    %dma_start3A_374 = tpu.memref_slice %arg6[%dma_start3A_368, %add3A_367] : memref<4x2048xi32, #tpu.memory_space<vmem>> -> memref<1x16xi32, #tpu.memory_space<vmem>>
    %dma_start3A_375 = tpu.memref_squeeze %dma_start3A_374 : memref<1x16xi32, #tpu.memory_space<vmem>> -> memref<16xi32, #tpu.memory_space<vmem>>
    %dma_start3A_376 = arith.constant 0 : i32
    %dma_start3A_377 = arith.constant 0 : i32
    %dma_start3A_378 = tpu.memref_slice %arg2[%dma_start3A_376, %dma_start3A_377] : memref<4096x512xf32, #tpu.memory_space<hbm>> -> memref<4096x512xf32, #tpu.memory_space<hbm>>
    tpu.enqueue_indirect_dma source(%dma_start3A_378 : memref<4096x512xf32, #tpu.memory_space<hbm>>) target(%dma_start3A_373 : memref<16x512xf32, #tpu.memory_space<vmem>>) offsets(%dma_start3A_375 : memref<16xi32, #tpu.memory_space<vmem>>) semaphore(%arg9 : memref<!tpu.dma_semaphore, #tpu.memory_space<semaphore_mem>>)
    %add3A_379 = arith.constant 48 : i32
    %add3A_380 = arith.addi %mul3A_2, %add3A_379 : i32
    %dma_start3A_381 = arith.constant 1 : i32
    %dma_start3A_382 = arith.constant 1 : i32
    %dma_start3A_383 = arith.constant 0 : i32
    %dma_start3A_384 = arith.constant 512 : i32
    %dma_start3A_385 = tpu.memref_slice %arg7[%dma_start3A_382, %dma_start3A_383, %dma_start3A_384] : memref<2x16x2048xf32, #tpu.memory_space<vmem>> -> memref<1x16x512xf32, #tpu.memory_space<vmem>>
    %dma_start3A_386 = tpu.memref_squeeze %dma_start3A_385 : memref<1x16x512xf32, #tpu.memory_space<vmem>> -> memref<16x512xf32, #tpu.memory_space<vmem>>
    %dma_start3A_387 = tpu.memref_slice %arg6[%dma_start3A_381, %add3A_380] : memref<4x2048xi32, #tpu.memory_space<vmem>> -> memref<1x16xi32, #tpu.memory_space<vmem>>
    %dma_start3A_388 = tpu.memref_squeeze %dma_start3A_387 : memref<1x16xi32, #tpu.memory_space<vmem>> -> memref<16xi32, #tpu.memory_space<vmem>>
    %dma_start3A_389 = arith.constant 0 : i32
    %dma_start3A_390 = arith.constant 0 : i32
    %dma_start3A_391 = tpu.memref_slice %arg2[%dma_start3A_389, %dma_start3A_390] : memref<4096x512xf32, #tpu.memory_space<hbm>> -> memref<4096x512xf32, #tpu.memory_space<hbm>>
    tpu.enqueue_indirect_dma source(%dma_start3A_391 : memref<4096x512xf32, #tpu.memory_space<hbm>>) target(%dma_start3A_386 : memref<16x512xf32, #tpu.memory_space<vmem>>) offsets(%dma_start3A_388 : memref<16xi32, #tpu.memory_space<vmem>>) semaphore(%arg9 : memref<!tpu.dma_semaphore, #tpu.memory_space<semaphore_mem>>)
    %add3A_392 = arith.constant 48 : i32
    %add3A_393 = arith.addi %mul3A_2, %add3A_392 : i32
    %dma_start3A_394 = arith.constant 2 : i32
    %dma_start3A_395 = arith.constant 1 : i32
    %dma_start3A_396 = arith.constant 0 : i32
    %dma_start3A_397 = arith.constant 1024 : i32
    %dma_start3A_398 = tpu.memref_slice %arg7[%dma_start3A_395, %dma_start3A_396, %dma_start3A_397] : memref<2x16x2048xf32, #tpu.memory_space<vmem>> -> memref<1x16x512xf32, #tpu.memory_space<vmem>>
    %dma_start3A_399 = tpu.memref_squeeze %dma_start3A_398 : memref<1x16x512xf32, #tpu.memory_space<vmem>> -> memref<16x512xf32, #tpu.memory_space<vmem>>
    %dma_start3A_400 = tpu.memref_slice %arg6[%dma_start3A_394, %add3A_393] : memref<4x2048xi32, #tpu.memory_space<vmem>> -> memref<1x16xi32, #tpu.memory_space<vmem>>
    %dma_start3A_401 = tpu.memref_squeeze %dma_start3A_400 : memref<1x16xi32, #tpu.memory_space<vmem>> -> memref<16xi32, #tpu.memory_space<vmem>>
    %dma_start3A_402 = arith.constant 0 : i32
    %dma_start3A_403 = arith.constant 0 : i32
    %dma_start3A_404 = tpu.memref_slice %arg2[%dma_start3A_402, %dma_start3A_403] : memref<4096x512xf32, #tpu.memory_space<hbm>> -> memref<4096x512xf32, #tpu.memory_space<hbm>>
    tpu.enqueue_indirect_dma source(%dma_start3A_404 : memref<4096x512xf32, #tpu.memory_space<hbm>>) target(%dma_start3A_399 : memref<16x512xf32, #tpu.memory_space<vmem>>) offsets(%dma_start3A_401 : memref<16xi32, #tpu.memory_space<vmem>>) semaphore(%arg9 : memref<!tpu.dma_semaphore, #tpu.memory_space<semaphore_mem>>)
    %add3A_405 = arith.constant 48 : i32
    %add3A_406 = arith.addi %mul3A_2, %add3A_405 : i32
    %dma_start3A_407 = arith.constant 3 : i32
    %dma_start3A_408 = arith.constant 1 : i32
    %dma_start3A_409 = arith.constant 0 : i32
    %dma_start3A_410 = arith.constant 1536 : i32
    %dma_start3A_411 = tpu.memref_slice %arg7[%dma_start3A_408, %dma_start3A_409, %dma_start3A_410] : memref<2x16x2048xf32, #tpu.memory_space<vmem>> -> memref<1x16x512xf32, #tpu.memory_space<vmem>>
    %dma_start3A_412 = tpu.memref_squeeze %dma_start3A_411 : memref<1x16x512xf32, #tpu.memory_space<vmem>> -> memref<16x512xf32, #tpu.memory_space<vmem>>
    %dma_start3A_413 = tpu.memref_slice %arg6[%dma_start3A_407, %add3A_406] : memref<4x2048xi32, #tpu.memory_space<vmem>> -> memref<1x16xi32, #tpu.memory_space<vmem>>
    %dma_start3A_414 = tpu.memref_squeeze %dma_start3A_413 : memref<1x16xi32, #tpu.memory_space<vmem>> -> memref<16xi32, #tpu.memory_space<vmem>>
    %dma_start3A_415 = arith.constant 0 : i32
    %dma_start3A_416 = arith.constant 0 : i32
    %dma_start3A_417 = tpu.memref_slice %arg2[%dma_start3A_415, %dma_start3A_416] : memref<4096x512xf32, #tpu.memory_space<hbm>> -> memref<4096x512xf32, #tpu.memory_space<hbm>>
    tpu.enqueue_indirect_dma source(%dma_start3A_417 : memref<4096x512xf32, #tpu.memory_space<hbm>>) target(%dma_start3A_412 : memref<16x512xf32, #tpu.memory_space<vmem>>) offsets(%dma_start3A_414 : memref<16xi32, #tpu.memory_space<vmem>>) semaphore(%arg9 : memref<!tpu.dma_semaphore, #tpu.memory_space<semaphore_mem>>)
    %dma_wait3A_418 = arith.constant 0 : i32
    %dma_wait3A_419 = arith.constant 1 : i32
    %dma_wait3A_420 = arith.constant 0 : i32
    %dma_wait3A_421 = arith.constant 0 : i32
    %dma_wait3A_422 = tpu.memref_slice %arg7[%dma_wait3A_419, %dma_wait3A_420, %dma_wait3A_421] : memref<2x16x2048xf32, #tpu.memory_space<vmem>> -> memref<1x16x512xf32, #tpu.memory_space<vmem>>
    %dma_wait3A_423 = tpu.memref_squeeze %dma_wait3A_422 : memref<1x16x512xf32, #tpu.memory_space<vmem>> -> memref<16x512xf32, #tpu.memory_space<vmem>>
    %dma_wait3A_424 = tpu.memref_slice %arg6[%dma_wait3A_418, %add3A_367] : memref<4x2048xi32, #tpu.memory_space<vmem>> -> memref<1x16xi32, #tpu.memory_space<vmem>>
    %dma_wait3A_425 = tpu.memref_squeeze %dma_wait3A_424 : memref<1x16xi32, #tpu.memory_space<vmem>> -> memref<16xi32, #tpu.memory_space<vmem>>
    %dma_wait3A_426 = arith.constant 0 : i32
    %dma_wait3A_427 = arith.constant 0 : i32
    %dma_wait3A_428 = tpu.memref_slice %arg2[%dma_wait3A_426, %dma_wait3A_427] : memref<4096x512xf32, #tpu.memory_space<hbm>> -> memref<4096x512xf32, #tpu.memory_space<hbm>>
    tpu.wait_indirect_dma semaphore(%arg9 : memref<!tpu.dma_semaphore, #tpu.memory_space<semaphore_mem>>) src(%dma_wait3A_428 : memref<4096x512xf32, #tpu.memory_space<hbm>>) dst(%dma_wait3A_423 : memref<16x512xf32, #tpu.memory_space<vmem>>)
    %dma_wait3A_429 = arith.constant 1 : i32
    %dma_wait3A_430 = arith.constant 1 : i32
    %dma_wait3A_431 = arith.constant 0 : i32
    %dma_wait3A_432 = arith.constant 512 : i32
    %dma_wait3A_433 = tpu.memref_slice %arg7[%dma_wait3A_430, %dma_wait3A_431, %dma_wait3A_432] : memref<2x16x2048xf32, #tpu.memory_space<vmem>> -> memref<1x16x512xf32, #tpu.memory_space<vmem>>
    %dma_wait3A_434 = tpu.memref_squeeze %dma_wait3A_433 : memref<1x16x512xf32, #tpu.memory_space<vmem>> -> memref<16x512xf32, #tpu.memory_space<vmem>>
    %dma_wait3A_435 = tpu.memref_slice %arg6[%dma_wait3A_429, %add3A_380] : memref<4x2048xi32, #tpu.memory_space<vmem>> -> memref<1x16xi32, #tpu.memory_space<vmem>>
    %dma_wait3A_436 = tpu.memref_squeeze %dma_wait3A_435 : memref<1x16xi32, #tpu.memory_space<vmem>> -> memref<16xi32, #tpu.memory_space<vmem>>
    %dma_wait3A_437 = arith.constant 0 : i32
    %dma_wait3A_438 = arith.constant 0 : i32
    %dma_wait3A_439 = tpu.memref_slice %arg2[%dma_wait3A_437, %dma_wait3A_438] : memref<4096x512xf32, #tpu.memory_space<hbm>> -> memref<4096x512xf32, #tpu.memory_space<hbm>>
    tpu.wait_indirect_dma semaphore(%arg9 : memref<!tpu.dma_semaphore, #tpu.memory_space<semaphore_mem>>) src(%dma_wait3A_439 : memref<4096x512xf32, #tpu.memory_space<hbm>>) dst(%dma_wait3A_434 : memref<16x512xf32, #tpu.memory_space<vmem>>)
    %dma_wait3A_440 = arith.constant 2 : i32
    %dma_wait3A_441 = arith.constant 1 : i32
    %dma_wait3A_442 = arith.constant 0 : i32
    %dma_wait3A_443 = arith.constant 1024 : i32
    %dma_wait3A_444 = tpu.memref_slice %arg7[%dma_wait3A_441, %dma_wait3A_442, %dma_wait3A_443] : memref<2x16x2048xf32, #tpu.memory_space<vmem>> -> memref<1x16x512xf32, #tpu.memory_space<vmem>>
    %dma_wait3A_445 = tpu.memref_squeeze %dma_wait3A_444 : memref<1x16x512xf32, #tpu.memory_space<vmem>> -> memref<16x512xf32, #tpu.memory_space<vmem>>
    %dma_wait3A_446 = tpu.memref_slice %arg6[%dma_wait3A_440, %add3A_393] : memref<4x2048xi32, #tpu.memory_space<vmem>> -> memref<1x16xi32, #tpu.memory_space<vmem>>
    %dma_wait3A_447 = tpu.memref_squeeze %dma_wait3A_446 : memref<1x16xi32, #tpu.memory_space<vmem>> -> memref<16xi32, #tpu.memory_space<vmem>>
    %dma_wait3A_448 = arith.constant 0 : i32
    %dma_wait3A_449 = arith.constant 0 : i32
    %dma_wait3A_450 = tpu.memref_slice %arg2[%dma_wait3A_448, %dma_wait3A_449] : memref<4096x512xf32, #tpu.memory_space<hbm>> -> memref<4096x512xf32, #tpu.memory_space<hbm>>
    tpu.wait_indirect_dma semaphore(%arg9 : memref<!tpu.dma_semaphore, #tpu.memory_space<semaphore_mem>>) src(%dma_wait3A_450 : memref<4096x512xf32, #tpu.memory_space<hbm>>) dst(%dma_wait3A_445 : memref<16x512xf32, #tpu.memory_space<vmem>>)
    %dma_wait3A_451 = arith.constant 3 : i32
    %dma_wait3A_452 = arith.constant 1 : i32
    %dma_wait3A_453 = arith.constant 0 : i32
    %dma_wait3A_454 = arith.constant 1536 : i32
    %dma_wait3A_455 = tpu.memref_slice %arg7[%dma_wait3A_452, %dma_wait3A_453, %dma_wait3A_454] : memref<2x16x2048xf32, #tpu.memory_space<vmem>> -> memref<1x16x512xf32, #tpu.memory_space<vmem>>
    %dma_wait3A_456 = tpu.memref_squeeze %dma_wait3A_455 : memref<1x16x512xf32, #tpu.memory_space<vmem>> -> memref<16x512xf32, #tpu.memory_space<vmem>>
    %dma_wait3A_457 = tpu.memref_slice %arg6[%dma_wait3A_451, %add3A_406] : memref<4x2048xi32, #tpu.memory_space<vmem>> -> memref<1x16xi32, #tpu.memory_space<vmem>>
    %dma_wait3A_458 = tpu.memref_squeeze %dma_wait3A_457 : memref<1x16xi32, #tpu.memory_space<vmem>> -> memref<16xi32, #tpu.memory_space<vmem>>
    %dma_wait3A_459 = arith.constant 0 : i32
    %dma_wait3A_460 = arith.constant 0 : i32
    %dma_wait3A_461 = tpu.memref_slice %arg2[%dma_wait3A_459, %dma_wait3A_460] : memref<4096x512xf32, #tpu.memory_space<hbm>> -> memref<4096x512xf32, #tpu.memory_space<hbm>>
    tpu.wait_indirect_dma semaphore(%arg9 : memref<!tpu.dma_semaphore, #tpu.memory_space<semaphore_mem>>) src(%dma_wait3A_461 : memref<4096x512xf32, #tpu.memory_space<hbm>>) dst(%dma_wait3A_456 : memref<16x512xf32, #tpu.memory_space<vmem>>)
    %add3A_462 = arith.constant 0 : i32
    %add3A_463 = arith.addi %add3A_462, %mul3A_2 : i32
    %add3A_464 = arith.constant 48 : i32
    %add3A_465 = arith.addi %add3A_463, %add3A_464 : i32
    %dma_start3A_466 = arith.constant 1 : i32
    %dma_start3A_467 = arith.constant 0 : i32
    %dma_start3A_468 = arith.constant 0 : i32
    %dma_start3A_469 = tpu.memref_slice %arg7[%dma_start3A_466, %dma_start3A_467, %dma_start3A_468] : memref<2x16x2048xf32, #tpu.memory_space<vmem>> -> memref<1x16x2048xf32, #tpu.memory_space<vmem>>
    %dma_start3A_470 = tpu.memref_squeeze %dma_start3A_469 : memref<1x16x2048xf32, #tpu.memory_space<vmem>> -> memref<16x2048xf32, #tpu.memory_space<vmem>>
    %dma_start3A_471 = arith.constant 0 : i32
    %dma_start3A_472 = tpu.memref_slice %arg4[%add3A_465, %dma_start3A_471] : memref<4096x2048xf32, #tpu.memory_space<hbm>> -> memref<16x2048xf32, #tpu.memory_space<hbm>>
    %dma_start3A_473 = arith.constant 0 : i32
    %dma_start3A_474 = tpu.memref_slice %arg4[%add3A_465, %dma_start3A_473] : memref<4096x2048xf32, #tpu.memory_space<hbm>> -> memref<16x2048xf32, #tpu.memory_space<hbm>>
    %dma_start3A_475 = arith.constant 0 : i32
    %dma_start3A_476 = arith.constant 0 : i32
    %dma_start3A_477 = tpu.memref_slice %arg7[%dma_start3A_466, %dma_start3A_475, %dma_start3A_476] : memref<2x16x2048xf32, #tpu.memory_space<vmem>> -> memref<1x16x2048xf32, #tpu.memory_space<vmem>>
    %dma_start3A_478 = tpu.memref_squeeze %dma_start3A_477 : memref<1x16x2048xf32, #tpu.memory_space<vmem>> -> memref<16x2048xf32, #tpu.memory_space<vmem>>
    tpu.enqueue_dma source(%dma_start3A_478 : memref<16x2048xf32, #tpu.memory_space<vmem>>) target(%dma_start3A_474 : memref<16x2048xf32, #tpu.memory_space<hbm>>) target_semaphore(%arg11 : memref<!tpu.dma_semaphore, #tpu.memory_space<semaphore_mem>>)
    %dma_wait3A_479 = arith.constant 0 : i32
    %dma_wait3A_480 = arith.constant 0 : i32
    %dma_wait3A_481 = arith.constant 0 : i32
    %dma_wait3A_482 = tpu.memref_slice %arg7[%dma_wait3A_479, %dma_wait3A_480, %dma_wait3A_481] : memref<2x16x2048xf32, #tpu.memory_space<vmem>> -> memref<1x16x2048xf32, #tpu.memory_space<vmem>>
    %dma_wait3A_483 = tpu.memref_squeeze %dma_wait3A_482 : memref<1x16x2048xf32, #tpu.memory_space<vmem>> -> memref<16x2048xf32, #tpu.memory_space<vmem>>
    %dma_wait3A_484 = arith.constant 0 : i32
    %dma_wait3A_485 = tpu.memref_slice %arg4[%add3A_339, %dma_wait3A_484] : memref<4096x2048xf32, #tpu.memory_space<hbm>> -> memref<16x2048xf32, #tpu.memory_space<hbm>>
    %dma_wait3A_486 = arith.constant 0 : i32
    %dma_wait3A_487 = tpu.memref_slice %arg4[%add3A_339, %dma_wait3A_486] : memref<4096x2048xf32, #tpu.memory_space<hbm>> -> memref<16x2048xf32, #tpu.memory_space<hbm>>
    %dma_wait3A_488 = arith.constant 0 : i32
    %dma_wait3A_489 = arith.constant 0 : i32
    %dma_wait3A_490 = tpu.memref_slice %arg7[%dma_wait3A_479, %dma_wait3A_488, %dma_wait3A_489] : memref<2x16x2048xf32, #tpu.memory_space<vmem>> -> memref<1x16x2048xf32, #tpu.memory_space<vmem>>
    %dma_wait3A_491 = tpu.memref_squeeze %dma_wait3A_490 : memref<1x16x2048xf32, #tpu.memory_space<vmem>> -> memref<16x2048xf32, #tpu.memory_space<vmem>>
    tpu.wait_dma2 semaphore(%arg10 : memref<!tpu.dma_semaphore, #tpu.memory_space<semaphore_mem>>) src(%dma_wait3A_491 : memref<16x2048xf32, #tpu.memory_space<vmem>>) dst(%dma_wait3A_487 : memref<16x2048xf32, #tpu.memory_space<hbm>>)
    %dma_wait3A_492 = arith.constant 1 : i32
    %dma_wait3A_493 = arith.constant 0 : i32
    %dma_wait3A_494 = arith.constant 0 : i32
    %dma_wait3A_495 = tpu.memref_slice %arg7[%dma_wait3A_492, %dma_wait3A_493, %dma_wait3A_494] : memref<2x16x2048xf32, #tpu.memory_space<vmem>> -> memref<1x16x2048xf32, #tpu.memory_space<vmem>>
    %dma_wait3A_496 = tpu.memref_squeeze %dma_wait3A_495 : memref<1x16x2048xf32, #tpu.memory_space<vmem>> -> memref<16x2048xf32, #tpu.memory_space<vmem>>
    %dma_wait3A_497 = arith.constant 0 : i32
    %dma_wait3A_498 = tpu.memref_slice %arg4[%add3A_465, %dma_wait3A_497] : memref<4096x2048xf32, #tpu.memory_space<hbm>> -> memref<16x2048xf32, #tpu.memory_space<hbm>>
    %dma_wait3A_499 = arith.constant 0 : i32
    %dma_wait3A_500 = tpu.memref_slice %arg4[%add3A_465, %dma_wait3A_499] : memref<4096x2048xf32, #tpu.memory_space<hbm>> -> memref<16x2048xf32, #tpu.memory_space<hbm>>
    %dma_wait3A_501 = arith.constant 0 : i32
    %dma_wait3A_502 = arith.constant 0 : i32
    %dma_wait3A_503 = tpu.memref_slice %arg7[%dma_wait3A_492, %dma_wait3A_501, %dma_wait3A_502] : memref<2x16x2048xf32, #tpu.memory_space<vmem>> -> memref<1x16x2048xf32, #tpu.memory_space<vmem>>
    %dma_wait3A_504 = tpu.memref_squeeze %dma_wait3A_503 : memref<1x16x2048xf32, #tpu.memory_space<vmem>> -> memref<16x2048xf32, #tpu.memory_space<vmem>>
    tpu.wait_dma2 semaphore(%arg11 : memref<!tpu.dma_semaphore, #tpu.memory_space<semaphore_mem>>) src(%dma_wait3A_504 : memref<16x2048xf32, #tpu.memory_space<vmem>>) dst(%dma_wait3A_500 : memref<16x2048xf32, #tpu.memory_space<hbm>>)
    return
  }
}

module attributes {stable_mosaic.version = 14 : i64} {
  func.func @_ids_kernel(%arg0: i32, %arg1: memref<512x2048xf32, #tpu.memory_space<vmem>>, %arg2: memref<4x1024x512xf32, #tpu.memory_space<vmem>>, %arg3: memref<4x1024xf32, #tpu.memory_space<vmem>>, %arg4: memref<512x4xf32, #tpu.memory_space<vmem>>, %arg5: memref<4x512xi32, #tpu.memory_space<vmem>>) attributes {dimension_semantics = [#tpu.dimension_semantics<arbitrary>], iteration_bounds = array<i64: 4>, scalar_prefetch = 0 : i64, scratch_operands = 0 : i64, tpu.core_type = #tpu.core_type<tc>, window_params = [{transform_indices = @transform_0, window_bounds = array<i64: 512, 2048>}, {pipeline_mode = #tpu.pipeline_mode<synchronous>, transform_indices = @transform_1, window_bounds = array<i64: 4, 1024, 512>}, {pipeline_mode = #tpu.pipeline_mode<synchronous>, transform_indices = @transform_2, window_bounds = array<i64: 4, 1024>}, {transform_indices = @transform_3, window_bounds = array<i64: 512, 4>}, {transform_indices = @transform_4, window_bounds = array<i64: 4, 512>}]} {
    %get3A = arith.constant 0 : index
    %get3A_0 = arith.constant 0 : index
    %get3A_1 = vector.load %arg1[%get3A, %get3A_0] : memref<512x2048xf32, #tpu.memory_space<vmem>>, vector<512x2048xf32>
    %slice3A = vector.extract_strided_slice %get3A_1 {offsets = [0, 0], sizes = [512, 512], strides = [1, 1]} : vector<512x2048xf32> to vector<512x512xf32>
    %get3A_2 = arith.constant 0 : index
    %get3A_3 = arith.constant 0 : index
    %get3A_4 = arith.constant 0 : index
    %get3A_5 = vector.load %arg2[%get3A_2, %get3A_3, %get3A_4] : memref<4x1024x512xf32, #tpu.memory_space<vmem>>, vector<1x1024x512xf32>
    %get3A_6 = vector.shape_cast %get3A_5 : vector<1x1024x512xf32> to vector<1024x512xf32>
    %get3A_7 = arith.constant 0 : index
    %get3A_8 = arith.constant 0 : index
    %get3A_9 = vector.load %arg4[%get3A_7, %get3A_8] : memref<512x4xf32, #tpu.memory_space<vmem>>, vector<512x1xf32>
    %get3A_10 = vector.shape_cast %get3A_9 : vector<512x1xf32> to vector<512xf32>
    %broadcast_in_dim3A = vector.shape_cast %get3A_10 : vector<512xf32> to vector<512x1xf32>
    %get3A_11 = arith.constant 0 : index
    %get3A_12 = arith.constant 0 : index
    %get3A_13 = vector.load %arg3[%get3A_11, %get3A_12] : memref<4x1024xf32, #tpu.memory_space<vmem>>, vector<1x1024xf32>
    %get3A_14 = vector.shape_cast %get3A_13 : vector<1x1024xf32> to vector<1024xf32>
    %broadcast_in_dim3A_15 = vector.shape_cast %get3A_14 : vector<1024xf32> to vector<1x1024xf32>
    %dot_general3A = arith.constant dense<0.000000e+00> : vector<512x1024xf32>
    %dot_general3A_16 = tpu.matmul %slice3A, %get3A_6, %dot_general3A {dimension_numbers = #tpu.dot_dimension_numbers<[1], [1], [0], [0], [0, 0, 1, 0], [], []>, transpose_lhs_hint = false} : vector<512x512xf32>, vector<1024x512xf32>, vector<512x1024xf32> -> vector<512x1024xf32>
    %add3A = vector.broadcast %broadcast_in_dim3A : vector<512x1xf32> to vector<512x1024xf32>
    %add3A_17 = vector.broadcast %broadcast_in_dim3A_15 : vector<1x1024xf32> to vector<512x1024xf32>
    %add3A_18 = arith.addf %add3A, %add3A_17 : vector<512x1024xf32>
    %mul3A = arith.constant 2.000000e+00 : f32
    %mul3A_19 = vector.broadcast %mul3A : f32 to vector<512x1024xf32>
    %mul3A_20 = arith.mulf %mul3A_19, %dot_general3A_16 : vector<512x1024xf32>
    %sub3A = arith.subf %add3A_18, %mul3A_20 : vector<512x1024xf32>
    %max3A = arith.constant 0.000000e+00 : f32
    %max3A_21 = vector.broadcast %max3A : f32 to vector<512x1024xf32>
    %max3A_22 = arith.maximumf %sub3A, %max3A_21 : vector<512x1024xf32>
    %sqrt3A = math.sqrt %max3A_22 : vector<512x1024xf32>
    %reduce_min3A = arith.constant dense<0x7F800000> : vector<512xf32>
    %reduce_min3A_23 = vector.multi_reduction <minimumf>, %sqrt3A, %reduce_min3A [1] : vector<512x1024xf32> to vector<512xf32>
    %broadcast_in_dim3A_24 = vector.shape_cast %reduce_min3A_23 : vector<512xf32> to vector<512x1xf32>
    %iota3A = tpu.iota {dimensions = array<i32: 1>} : vector<512x1024xi32>
    %eq3A = vector.broadcast %broadcast_in_dim3A_24 : vector<512x1xf32> to vector<512x1024xf32>
    %eq3A_25 = arith.cmpf oeq, %sqrt3A, %eq3A : vector<512x1024xf32>
    %jit3A = arith.constant 1024 : i32
    %broadcast_in_dim3A_26 = vector.broadcast %jit3A : i32 to vector<512x1024xi32>
    %select_n3A = arith.select %eq3A_25, %iota3A, %broadcast_in_dim3A_26 : vector<512x1024xi1>, vector<512x1024xi32>
    %reduce_min3A_27 = arith.constant dense<2147483647> : vector<512xi32>
    %reduce_min3A_28 = vector.multi_reduction <minsi>, %select_n3A, %reduce_min3A_27 [1] : vector<512x1024xi32> to vector<512xi32>
    %add3A_29 = arith.constant 0 : i32
    %add3A_30 = vector.broadcast %add3A_29 : i32 to vector<512xi32>
    %add3A_31 = arith.addi %reduce_min3A_28, %add3A_30 : vector<512xi32>
    %broadcast_in_dim3A_32 = vector.shape_cast %add3A_31 : vector<512xi32> to vector<1x512xi32>
    %slice3A_33 = vector.extract_strided_slice %get3A_1 {offsets = [0, 512], sizes = [512, 512], strides = [1, 1]} : vector<512x2048xf32> to vector<512x512xf32>
    %get3A_34 = arith.constant 1 : index
    %get3A_35 = arith.constant 0 : index
    %get3A_36 = arith.constant 0 : index
    %get3A_37 = vector.load %arg2[%get3A_34, %get3A_35, %get3A_36] : memref<4x1024x512xf32, #tpu.memory_space<vmem>>, vector<1x1024x512xf32>
    %get3A_38 = vector.shape_cast %get3A_37 : vector<1x1024x512xf32> to vector<1024x512xf32>
    %get3A_39 = arith.constant 0 : index
    %get3A_40 = arith.constant 1 : index
    %get3A_41 = vector.load %arg4[%get3A_39, %get3A_40] : memref<512x4xf32, #tpu.memory_space<vmem>>, vector<512x1xf32>
    %get3A_42 = vector.shape_cast %get3A_41 : vector<512x1xf32> to vector<512xf32>
    %broadcast_in_dim3A_43 = vector.shape_cast %get3A_42 : vector<512xf32> to vector<512x1xf32>
    %get3A_44 = arith.constant 1 : index
    %get3A_45 = arith.constant 0 : index
    %get3A_46 = vector.load %arg3[%get3A_44, %get3A_45] : memref<4x1024xf32, #tpu.memory_space<vmem>>, vector<1x1024xf32>
    %get3A_47 = vector.shape_cast %get3A_46 : vector<1x1024xf32> to vector<1024xf32>
    %broadcast_in_dim3A_48 = vector.shape_cast %get3A_47 : vector<1024xf32> to vector<1x1024xf32>
    %dot_general3A_49 = arith.constant dense<0.000000e+00> : vector<512x1024xf32>
    %dot_general3A_50 = tpu.matmul %slice3A_33, %get3A_38, %dot_general3A_49 {dimension_numbers = #tpu.dot_dimension_numbers<[1], [1], [0], [0], [0, 0, 1, 0], [], []>, transpose_lhs_hint = false} : vector<512x512xf32>, vector<1024x512xf32>, vector<512x1024xf32> -> vector<512x1024xf32>
    %add3A_51 = vector.broadcast %broadcast_in_dim3A_43 : vector<512x1xf32> to vector<512x1024xf32>
    %add3A_52 = vector.broadcast %broadcast_in_dim3A_48 : vector<1x1024xf32> to vector<512x1024xf32>
    %add3A_53 = arith.addf %add3A_51, %add3A_52 : vector<512x1024xf32>
    %mul3A_54 = arith.constant 2.000000e+00 : f32
    %mul3A_55 = vector.broadcast %mul3A_54 : f32 to vector<512x1024xf32>
    %mul3A_56 = arith.mulf %mul3A_55, %dot_general3A_50 : vector<512x1024xf32>
    %sub3A_57 = arith.subf %add3A_53, %mul3A_56 : vector<512x1024xf32>
    %max3A_58 = arith.constant 0.000000e+00 : f32
    %max3A_59 = vector.broadcast %max3A_58 : f32 to vector<512x1024xf32>
    %max3A_60 = arith.maximumf %sub3A_57, %max3A_59 : vector<512x1024xf32>
    %sqrt3A_61 = math.sqrt %max3A_60 : vector<512x1024xf32>
    %reduce_min3A_62 = arith.constant dense<0x7F800000> : vector<512xf32>
    %reduce_min3A_63 = vector.multi_reduction <minimumf>, %sqrt3A_61, %reduce_min3A_62 [1] : vector<512x1024xf32> to vector<512xf32>
    %broadcast_in_dim3A_64 = vector.shape_cast %reduce_min3A_63 : vector<512xf32> to vector<512x1xf32>
    %iota3A_65 = tpu.iota {dimensions = array<i32: 1>} : vector<512x1024xi32>
    %eq3A_66 = vector.broadcast %broadcast_in_dim3A_64 : vector<512x1xf32> to vector<512x1024xf32>
    %eq3A_67 = arith.cmpf oeq, %sqrt3A_61, %eq3A_66 : vector<512x1024xf32>
    %jit3A_68 = arith.constant 1024 : i32
    %broadcast_in_dim3A_69 = vector.broadcast %jit3A_68 : i32 to vector<512x1024xi32>
    %select_n3A_70 = arith.select %eq3A_67, %iota3A_65, %broadcast_in_dim3A_69 : vector<512x1024xi1>, vector<512x1024xi32>
    %reduce_min3A_71 = arith.constant dense<2147483647> : vector<512xi32>
    %reduce_min3A_72 = vector.multi_reduction <minsi>, %select_n3A_70, %reduce_min3A_71 [1] : vector<512x1024xi32> to vector<512xi32>
    %add3A_73 = arith.constant 1024 : i32
    %add3A_74 = vector.broadcast %add3A_73 : i32 to vector<512xi32>
    %add3A_75 = arith.addi %reduce_min3A_72, %add3A_74 : vector<512xi32>
    %broadcast_in_dim3A_76 = vector.shape_cast %add3A_75 : vector<512xi32> to vector<1x512xi32>
    %slice3A_77 = vector.extract_strided_slice %get3A_1 {offsets = [0, 1024], sizes = [512, 512], strides = [1, 1]} : vector<512x2048xf32> to vector<512x512xf32>
    %get3A_78 = arith.constant 2 : index
    %get3A_79 = arith.constant 0 : index
    %get3A_80 = arith.constant 0 : index
    %get3A_81 = vector.load %arg2[%get3A_78, %get3A_79, %get3A_80] : memref<4x1024x512xf32, #tpu.memory_space<vmem>>, vector<1x1024x512xf32>
    %get3A_82 = vector.shape_cast %get3A_81 : vector<1x1024x512xf32> to vector<1024x512xf32>
    %get3A_83 = arith.constant 0 : index
    %get3A_84 = arith.constant 2 : index
    %get3A_85 = vector.load %arg4[%get3A_83, %get3A_84] : memref<512x4xf32, #tpu.memory_space<vmem>>, vector<512x1xf32>
    %get3A_86 = vector.shape_cast %get3A_85 : vector<512x1xf32> to vector<512xf32>
    %broadcast_in_dim3A_87 = vector.shape_cast %get3A_86 : vector<512xf32> to vector<512x1xf32>
    %get3A_88 = arith.constant 2 : index
    %get3A_89 = arith.constant 0 : index
    %get3A_90 = vector.load %arg3[%get3A_88, %get3A_89] : memref<4x1024xf32, #tpu.memory_space<vmem>>, vector<1x1024xf32>
    %get3A_91 = vector.shape_cast %get3A_90 : vector<1x1024xf32> to vector<1024xf32>
    %broadcast_in_dim3A_92 = vector.shape_cast %get3A_91 : vector<1024xf32> to vector<1x1024xf32>
    %dot_general3A_93 = arith.constant dense<0.000000e+00> : vector<512x1024xf32>
    %dot_general3A_94 = tpu.matmul %slice3A_77, %get3A_82, %dot_general3A_93 {dimension_numbers = #tpu.dot_dimension_numbers<[1], [1], [0], [0], [0, 0, 1, 0], [], []>, transpose_lhs_hint = false} : vector<512x512xf32>, vector<1024x512xf32>, vector<512x1024xf32> -> vector<512x1024xf32>
    %add3A_95 = vector.broadcast %broadcast_in_dim3A_87 : vector<512x1xf32> to vector<512x1024xf32>
    %add3A_96 = vector.broadcast %broadcast_in_dim3A_92 : vector<1x1024xf32> to vector<512x1024xf32>
    %add3A_97 = arith.addf %add3A_95, %add3A_96 : vector<512x1024xf32>
    %mul3A_98 = arith.constant 2.000000e+00 : f32
    %mul3A_99 = vector.broadcast %mul3A_98 : f32 to vector<512x1024xf32>
    %mul3A_100 = arith.mulf %mul3A_99, %dot_general3A_94 : vector<512x1024xf32>
    %sub3A_101 = arith.subf %add3A_97, %mul3A_100 : vector<512x1024xf32>
    %max3A_102 = arith.constant 0.000000e+00 : f32
    %max3A_103 = vector.broadcast %max3A_102 : f32 to vector<512x1024xf32>
    %max3A_104 = arith.maximumf %sub3A_101, %max3A_103 : vector<512x1024xf32>
    %sqrt3A_105 = math.sqrt %max3A_104 : vector<512x1024xf32>
    %reduce_min3A_106 = arith.constant dense<0x7F800000> : vector<512xf32>
    %reduce_min3A_107 = vector.multi_reduction <minimumf>, %sqrt3A_105, %reduce_min3A_106 [1] : vector<512x1024xf32> to vector<512xf32>
    %broadcast_in_dim3A_108 = vector.shape_cast %reduce_min3A_107 : vector<512xf32> to vector<512x1xf32>
    %iota3A_109 = tpu.iota {dimensions = array<i32: 1>} : vector<512x1024xi32>
    %eq3A_110 = vector.broadcast %broadcast_in_dim3A_108 : vector<512x1xf32> to vector<512x1024xf32>
    %eq3A_111 = arith.cmpf oeq, %sqrt3A_105, %eq3A_110 : vector<512x1024xf32>
    %jit3A_112 = arith.constant 1024 : i32
    %broadcast_in_dim3A_113 = vector.broadcast %jit3A_112 : i32 to vector<512x1024xi32>
    %select_n3A_114 = arith.select %eq3A_111, %iota3A_109, %broadcast_in_dim3A_113 : vector<512x1024xi1>, vector<512x1024xi32>
    %reduce_min3A_115 = arith.constant dense<2147483647> : vector<512xi32>
    %reduce_min3A_116 = vector.multi_reduction <minsi>, %select_n3A_114, %reduce_min3A_115 [1] : vector<512x1024xi32> to vector<512xi32>
    %add3A_117 = arith.constant 2048 : i32
    %add3A_118 = vector.broadcast %add3A_117 : i32 to vector<512xi32>
    %add3A_119 = arith.addi %reduce_min3A_116, %add3A_118 : vector<512xi32>
    %broadcast_in_dim3A_120 = vector.shape_cast %add3A_119 : vector<512xi32> to vector<1x512xi32>
    %slice3A_121 = vector.extract_strided_slice %get3A_1 {offsets = [0, 1536], sizes = [512, 512], strides = [1, 1]} : vector<512x2048xf32> to vector<512x512xf32>
    %get3A_122 = arith.constant 3 : index
    %get3A_123 = arith.constant 0 : index
    %get3A_124 = arith.constant 0 : index
    %get3A_125 = vector.load %arg2[%get3A_122, %get3A_123, %get3A_124] : memref<4x1024x512xf32, #tpu.memory_space<vmem>>, vector<1x1024x512xf32>
    %get3A_126 = vector.shape_cast %get3A_125 : vector<1x1024x512xf32> to vector<1024x512xf32>
    %get3A_127 = arith.constant 0 : index
    %get3A_128 = arith.constant 3 : index
    %get3A_129 = vector.load %arg4[%get3A_127, %get3A_128] : memref<512x4xf32, #tpu.memory_space<vmem>>, vector<512x1xf32>
    %get3A_130 = vector.shape_cast %get3A_129 : vector<512x1xf32> to vector<512xf32>
    %broadcast_in_dim3A_131 = vector.shape_cast %get3A_130 : vector<512xf32> to vector<512x1xf32>
    %get3A_132 = arith.constant 3 : index
    %get3A_133 = arith.constant 0 : index
    %get3A_134 = vector.load %arg3[%get3A_132, %get3A_133] : memref<4x1024xf32, #tpu.memory_space<vmem>>, vector<1x1024xf32>
    %get3A_135 = vector.shape_cast %get3A_134 : vector<1x1024xf32> to vector<1024xf32>
    %broadcast_in_dim3A_136 = vector.shape_cast %get3A_135 : vector<1024xf32> to vector<1x1024xf32>
    %dot_general3A_137 = arith.constant dense<0.000000e+00> : vector<512x1024xf32>
    %dot_general3A_138 = tpu.matmul %slice3A_121, %get3A_126, %dot_general3A_137 {dimension_numbers = #tpu.dot_dimension_numbers<[1], [1], [0], [0], [0, 0, 1, 0], [], []>, transpose_lhs_hint = false} : vector<512x512xf32>, vector<1024x512xf32>, vector<512x1024xf32> -> vector<512x1024xf32>
    %add3A_139 = vector.broadcast %broadcast_in_dim3A_131 : vector<512x1xf32> to vector<512x1024xf32>
    %add3A_140 = vector.broadcast %broadcast_in_dim3A_136 : vector<1x1024xf32> to vector<512x1024xf32>
    %add3A_141 = arith.addf %add3A_139, %add3A_140 : vector<512x1024xf32>
    %mul3A_142 = arith.constant 2.000000e+00 : f32
    %mul3A_143 = vector.broadcast %mul3A_142 : f32 to vector<512x1024xf32>
    %mul3A_144 = arith.mulf %mul3A_143, %dot_general3A_138 : vector<512x1024xf32>
    %sub3A_145 = arith.subf %add3A_141, %mul3A_144 : vector<512x1024xf32>
    %max3A_146 = arith.constant 0.000000e+00 : f32
    %max3A_147 = vector.broadcast %max3A_146 : f32 to vector<512x1024xf32>
    %max3A_148 = arith.maximumf %sub3A_145, %max3A_147 : vector<512x1024xf32>
    %sqrt3A_149 = math.sqrt %max3A_148 : vector<512x1024xf32>
    %reduce_min3A_150 = arith.constant dense<0x7F800000> : vector<512xf32>
    %reduce_min3A_151 = vector.multi_reduction <minimumf>, %sqrt3A_149, %reduce_min3A_150 [1] : vector<512x1024xf32> to vector<512xf32>
    %broadcast_in_dim3A_152 = vector.shape_cast %reduce_min3A_151 : vector<512xf32> to vector<512x1xf32>
    %iota3A_153 = tpu.iota {dimensions = array<i32: 1>} : vector<512x1024xi32>
    %eq3A_154 = vector.broadcast %broadcast_in_dim3A_152 : vector<512x1xf32> to vector<512x1024xf32>
    %eq3A_155 = arith.cmpf oeq, %sqrt3A_149, %eq3A_154 : vector<512x1024xf32>
    %jit3A_156 = arith.constant 1024 : i32
    %broadcast_in_dim3A_157 = vector.broadcast %jit3A_156 : i32 to vector<512x1024xi32>
    %select_n3A_158 = arith.select %eq3A_155, %iota3A_153, %broadcast_in_dim3A_157 : vector<512x1024xi1>, vector<512x1024xi32>
    %reduce_min3A_159 = arith.constant dense<2147483647> : vector<512xi32>
    %reduce_min3A_160 = vector.multi_reduction <minsi>, %select_n3A_158, %reduce_min3A_159 [1] : vector<512x1024xi32> to vector<512xi32>
    %add3A_161 = arith.constant 3072 : i32
    %add3A_162 = vector.broadcast %add3A_161 : i32 to vector<512xi32>
    %add3A_163 = arith.addi %reduce_min3A_160, %add3A_162 : vector<512xi32>
    %broadcast_in_dim3A_164 = vector.shape_cast %add3A_163 : vector<512xi32> to vector<1x512xi32>
    %concatenate3A = tpu.concatenate %broadcast_in_dim3A_32, %broadcast_in_dim3A_76, %broadcast_in_dim3A_120, %broadcast_in_dim3A_164 in 0 : vector<1x512xi32>, vector<1x512xi32>, vector<1x512xi32>, vector<1x512xi32> -> vector<4x512xi32>
    %swap3A = arith.constant 0 : index
    %swap3A_165 = arith.constant 0 : index
    %swap3A_166 = vector.load %arg5[%swap3A, %swap3A_165] : memref<4x512xi32, #tpu.memory_space<vmem>>, vector<4x512xi32>
    tpu.vector_store %arg5[%swap3A, %swap3A_165], %concatenate3A {strides = array<i32>} : memref<4x512xi32, #tpu.memory_space<vmem>>, vector<4x512xi32>,
    return
  }
  func.func @transform_0(%arg0: i32) -> (i32, i32) {
    %add3A = arith.constant 0 : i32
    %add3A_0 = arith.addi %add3A, %arg0 : i32
    %c0_i32 = arith.constant 0 : i32
    %c0_i32_1 = arith.constant 0 : i32
    return %add3A_0, %c0_i32 : i32, i32
  }
  func.func @transform_1(%arg0: i32) -> (i32, i32, i32) {
    %c0_i32 = arith.constant 0 : i32
    %c0_i32_0 = arith.constant 0 : i32
    %c0_i32_1 = arith.constant 0 : i32
    %c0_i32_2 = arith.constant 0 : i32
    return %c0_i32, %c0_i32_0, %c0_i32_1 : i32, i32, i32
  }
  func.func @transform_2(%arg0: i32) -> (i32, i32) {
    %c0_i32 = arith.constant 0 : i32
    %c0_i32_0 = arith.constant 0 : i32
    %c0_i32_1 = arith.constant 0 : i32
    return %c0_i32, %c0_i32_0 : i32, i32
  }
  func.func @transform_3(%arg0: i32) -> (i32, i32) {
    %add3A = arith.constant 0 : i32
    %add3A_0 = arith.addi %add3A, %arg0 : i32
    %c0_i32 = arith.constant 0 : i32
    %c0_i32_1 = arith.constant 0 : i32
    return %add3A_0, %c0_i32 : i32, i32
  }
  func.func @transform_4(%arg0: i32) -> (i32, i32) {
    %c0_i32 = arith.constant 0 : i32
    %c0_i32_0 = arith.constant 0 : i32
    return %c0_i32, %arg0 : i32, i32
  }
}

module attributes {stable_mosaic.version = 14 : i64} {
  func.func @_ids_kernel(%arg0: i32, %arg1: memref<512x2048xf32, #tpu.memory_space<vmem>>, %arg2: memref<4x1024x512xf32, #tpu.memory_space<vmem>>, %arg3: memref<4x1024xf32, #tpu.memory_space<vmem>>, %arg4: memref<512x4xf32, #tpu.memory_space<vmem>>, %arg5: memref<4x512xi32, #tpu.memory_space<vmem>>) attributes {dimension_semantics = [#tpu.dimension_semantics<arbitrary>], iteration_bounds = array<i64: 4>, scalar_prefetch = 0 : i64, scratch_operands = 0 : i64, tpu.core_type = #tpu.core_type<tc>, window_params = [{transform_indices = @transform_0, window_bounds = array<i64: 512, 2048>}, {pipeline_mode = #tpu.pipeline_mode<synchronous>, transform_indices = @transform_1, window_bounds = array<i64: 4, 1024, 512>}, {pipeline_mode = #tpu.pipeline_mode<synchronous>, transform_indices = @transform_2, window_bounds = array<i64: 4, 1024>}, {transform_indices = @transform_3, window_bounds = array<i64: 512, 4>}, {transform_indices = @transform_4, window_bounds = array<i64: 4, 512>}]} {
    %get3A = arith.constant 0 : index
    %get3A_0 = arith.constant 0 : index
    %get3A_1 = vector.load %arg1[%get3A, %get3A_0] : memref<512x2048xf32, #tpu.memory_space<vmem>>, vector<512x2048xf32>
    %slice3A = vector.extract_strided_slice %get3A_1 {offsets = [0, 0], sizes = [512, 512], strides = [1, 1]} : vector<512x2048xf32> to vector<512x512xf32>
    %get3A_2 = arith.constant 0 : index
    %get3A_3 = arith.constant 0 : index
    %get3A_4 = arith.constant 0 : index
    %get3A_5 = vector.load %arg2[%get3A_2, %get3A_3, %get3A_4] : memref<4x1024x512xf32, #tpu.memory_space<vmem>>, vector<1x1024x512xf32>
    %get3A_6 = vector.shape_cast %get3A_5 : vector<1x1024x512xf32> to vector<1024x512xf32>
    %get3A_7 = arith.constant 0 : index
    %get3A_8 = arith.constant 0 : index
    %get3A_9 = vector.load %arg4[%get3A_7, %get3A_8] : memref<512x4xf32, #tpu.memory_space<vmem>>, vector<512x1xf32>
    %get3A_10 = vector.shape_cast %get3A_9 : vector<512x1xf32> to vector<512xf32>
    %broadcast_in_dim3A = vector.shape_cast %get3A_10 : vector<512xf32> to vector<512x1xf32>
    %get3A_11 = arith.constant 0 : index
    %get3A_12 = arith.constant 0 : index
    %get3A_13 = vector.load %arg3[%get3A_11, %get3A_12] : memref<4x1024xf32, #tpu.memory_space<vmem>>, vector<1x1024xf32>
    %get3A_14 = vector.shape_cast %get3A_13 : vector<1x1024xf32> to vector<1024xf32>
    %broadcast_in_dim3A_15 = vector.shape_cast %get3A_14 : vector<1024xf32> to vector<1x1024xf32>
    %dot_general3A = arith.constant dense<0.000000e+00> : vector<512x1024xf32>
    %dot_general3A_16 = tpu.matmul %slice3A, %get3A_6, %dot_general3A {dimension_numbers = #tpu.dot_dimension_numbers<[1], [1], [0], [0], [0, 0, 1, 0], [], []>, transpose_lhs_hint = false} : vector<512x512xf32>, vector<1024x512xf32>, vector<512x1024xf32> -> vector<512x1024xf32>
    %add3A = vector.broadcast %broadcast_in_dim3A : vector<512x1xf32> to vector<512x1024xf32>
    %add3A_17 = vector.broadcast %broadcast_in_dim3A_15 : vector<1x1024xf32> to vector<512x1024xf32>
    %add3A_18 = arith.addf %add3A, %add3A_17 : vector<512x1024xf32>
    %mul3A = arith.constant 2.000000e+00 : f32
    %mul3A_19 = vector.broadcast %mul3A : f32 to vector<512x1024xf32>
    %mul3A_20 = arith.mulf %mul3A_19, %dot_general3A_16 : vector<512x1024xf32>
    %sub3A = arith.subf %add3A_18, %mul3A_20 : vector<512x1024xf32>
    %max3A = arith.constant 0.000000e+00 : f32
    %max3A_21 = vector.broadcast %max3A : f32 to vector<512x1024xf32>
    %max3A_22 = arith.maximumf %sub3A, %max3A_21 : vector<512x1024xf32>
    %sqrt3A = math.sqrt %max3A_22 : vector<512x1024xf32>
    %reduce_min3A = arith.constant dense<0x7F800000> : vector<512xf32>
    %reduce_min3A_23 = vector.multi_reduction <minimumf>, %sqrt3A, %reduce_min3A [1] : vector<512x1024xf32> to vector<512xf32>
    %broadcast_in_dim3A_24 = vector.shape_cast %reduce_min3A_23 : vector<512xf32> to vector<512x1xf32>
    %iota3A = tpu.iota {dimensions = array<i32: 1>} : vector<512x1024xi32>
    %eq3A = vector.broadcast %broadcast_in_dim3A_24 : vector<512x1xf32> to vector<512x1024xf32>
    %eq3A_25 = arith.cmpf oeq, %sqrt3A, %eq3A : vector<512x1024xf32>
    %jit3A = arith.constant 1024 : i32
    %broadcast_in_dim3A_26 = vector.broadcast %jit3A : i32 to vector<512x1024xi32>
    %select_n3A = arith.select %eq3A_25, %iota3A, %broadcast_in_dim3A_26 : vector<512x1024xi1>, vector<512x1024xi32>
    %reduce_min3A_27 = arith.constant dense<2147483647> : vector<512xi32>
    %reduce_min3A_28 = vector.multi_reduction <minsi>, %select_n3A, %reduce_min3A_27 [1] : vector<512x1024xi32> to vector<512xi32>
    %add3A_29 = arith.constant 0 : i32
    %add3A_30 = vector.broadcast %add3A_29 : i32 to vector<512xi32>
    %add3A_31 = arith.addi %reduce_min3A_28, %add3A_30 : vector<512xi32>
    %broadcast_in_dim3A_32 = vector.shape_cast %add3A_31 : vector<512xi32> to vector<1x512xi32>
    %slice3A_33 = vector.extract_strided_slice %get3A_1 {offsets = [0, 512], sizes = [512, 512], strides = [1, 1]} : vector<512x2048xf32> to vector<512x512xf32>
    %get3A_34 = arith.constant 1 : index
    %get3A_35 = arith.constant 0 : index
    %get3A_36 = arith.constant 0 : index
    %get3A_37 = vector.load %arg2[%get3A_34, %get3A_35, %get3A_36] : memref<4x1024x512xf32, #tpu.memory_space<vmem>>, vector<1x1024x512xf32>
    %get3A_38 = vector.shape_cast %get3A_37 : vector<1x1024x512xf32> to vector<1024x512xf32>
    %get3A_39 = arith.constant 0 : index
    %get3A_40 = arith.constant 1 : index
    %get3A_41 = vector.load %arg4[%get3A_39, %get3A_40] : memref<512x4xf32, #tpu.memory_space<vmem>>, vector<512x1xf32>
    %get3A_42 = vector.shape_cast %get3A_41 : vector<512x1xf32> to vector<512xf32>
    %broadcast_in_dim3A_43 = vector.shape_cast %get3A_42 : vector<512xf32> to vector<512x1xf32>
    %get3A_44 = arith.constant 1 : index
    %get3A_45 = arith.constant 0 : index
    %get3A_46 = vector.load %arg3[%get3A_44, %get3A_45] : memref<4x1024xf32, #tpu.memory_space<vmem>>, vector<1x1024xf32>
    %get3A_47 = vector.shape_cast %get3A_46 : vector<1x1024xf32> to vector<1024xf32>
    %broadcast_in_dim3A_48 = vector.shape_cast %get3A_47 : vector<1024xf32> to vector<1x1024xf32>
    %dot_general3A_49 = arith.constant dense<0.000000e+00> : vector<512x1024xf32>
    %dot_general3A_50 = tpu.matmul %slice3A_33, %get3A_38, %dot_general3A_49 {dimension_numbers = #tpu.dot_dimension_numbers<[1], [1], [0], [0], [0, 0, 1, 0], [], []>, transpose_lhs_hint = false} : vector<512x512xf32>, vector<1024x512xf32>, vector<512x1024xf32> -> vector<512x1024xf32>
    %add3A_51 = vector.broadcast %broadcast_in_dim3A_43 : vector<512x1xf32> to vector<512x1024xf32>
    %add3A_52 = vector.broadcast %broadcast_in_dim3A_48 : vector<1x1024xf32> to vector<512x1024xf32>
    %add3A_53 = arith.addf %add3A_51, %add3A_52 : vector<512x1024xf32>
    %mul3A_54 = arith.constant 2.000000e+00 : f32
    %mul3A_55 = vector.broadcast %mul3A_54 : f32 to vector<512x1024xf32>
    %mul3A_56 = arith.mulf %mul3A_55, %dot_general3A_50 : vector<512x1024xf32>
    %sub3A_57 = arith.subf %add3A_53, %mul3A_56 : vector<512x1024xf32>
    %max3A_58 = arith.constant 0.000000e+00 : f32
    %max3A_59 = vector.broadcast %max3A_58 : f32 to vector<512x1024xf32>
    %max3A_60 = arith.maximumf %sub3A_57, %max3A_59 : vector<512x1024xf32>
    %sqrt3A_61 = math.sqrt %max3A_60 : vector<512x1024xf32>
    %reduce_min3A_62 = arith.constant dense<0x7F800000> : vector<512xf32>
    %reduce_min3A_63 = vector.multi_reduction <minimumf>, %sqrt3A_61, %reduce_min3A_62 [1] : vector<512x1024xf32> to vector<512xf32>
    %broadcast_in_dim3A_64 = vector.shape_cast %reduce_min3A_63 : vector<512xf32> to vector<512x1xf32>
    %iota3A_65 = tpu.iota {dimensions = array<i32: 1>} : vector<512x1024xi32>
    %eq3A_66 = vector.broadcast %broadcast_in_dim3A_64 : vector<512x1xf32> to vector<512x1024xf32>
    %eq3A_67 = arith.cmpf oeq, %sqrt3A_61, %eq3A_66 : vector<512x1024xf32>
    %jit3A_68 = arith.constant 1024 : i32
    %broadcast_in_dim3A_69 = vector.broadcast %jit3A_68 : i32 to vector<512x1024xi32>
    %select_n3A_70 = arith.select %eq3A_67, %iota3A_65, %broadcast_in_dim3A_69 : vector<512x1024xi1>, vector<512x1024xi32>
    %reduce_min3A_71 = arith.constant dense<2147483647> : vector<512xi32>
    %reduce_min3A_72 = vector.multi_reduction <minsi>, %select_n3A_70, %reduce_min3A_71 [1] : vector<512x1024xi32> to vector<512xi32>
    %add3A_73 = arith.constant 1024 : i32
    %add3A_74 = vector.broadcast %add3A_73 : i32 to vector<512xi32>
    %add3A_75 = arith.addi %reduce_min3A_72, %add3A_74 : vector<512xi32>
    %broadcast_in_dim3A_76 = vector.shape_cast %add3A_75 : vector<512xi32> to vector<1x512xi32>
    %slice3A_77 = vector.extract_strided_slice %get3A_1 {offsets = [0, 1024], sizes = [512, 512], strides = [1, 1]} : vector<512x2048xf32> to vector<512x512xf32>
    %get3A_78 = arith.constant 2 : index
    %get3A_79 = arith.constant 0 : index
    %get3A_80 = arith.constant 0 : index
    %get3A_81 = vector.load %arg2[%get3A_78, %get3A_79, %get3A_80] : memref<4x1024x512xf32, #tpu.memory_space<vmem>>, vector<1x1024x512xf32>
    %get3A_82 = vector.shape_cast %get3A_81 : vector<1x1024x512xf32> to vector<1024x512xf32>
    %get3A_83 = arith.constant 0 : index
    %get3A_84 = arith.constant 2 : index
    %get3A_85 = vector.load %arg4[%get3A_83, %get3A_84] : memref<512x4xf32, #tpu.memory_space<vmem>>, vector<512x1xf32>
    %get3A_86 = vector.shape_cast %get3A_85 : vector<512x1xf32> to vector<512xf32>
    %broadcast_in_dim3A_87 = vector.shape_cast %get3A_86 : vector<512xf32> to vector<512x1xf32>
    %get3A_88 = arith.constant 2 : index
    %get3A_89 = arith.constant 0 : index
    %get3A_90 = vector.load %arg3[%get3A_88, %get3A_89] : memref<4x1024xf32, #tpu.memory_space<vmem>>, vector<1x1024xf32>
    %get3A_91 = vector.shape_cast %get3A_90 : vector<1x1024xf32> to vector<1024xf32>
    %broadcast_in_dim3A_92 = vector.shape_cast %get3A_91 : vector<1024xf32> to vector<1x1024xf32>
    %dot_general3A_93 = arith.constant dense<0.000000e+00> : vector<512x1024xf32>
    %dot_general3A_94 = tpu.matmul %slice3A_77, %get3A_82, %dot_general3A_93 {dimension_numbers = #tpu.dot_dimension_numbers<[1], [1], [0], [0], [0, 0, 1, 0], [], []>, transpose_lhs_hint = false} : vector<512x512xf32>, vector<1024x512xf32>, vector<512x1024xf32> -> vector<512x1024xf32>
    %add3A_95 = vector.broadcast %broadcast_in_dim3A_87 : vector<512x1xf32> to vector<512x1024xf32>
    %add3A_96 = vector.broadcast %broadcast_in_dim3A_92 : vector<1x1024xf32> to vector<512x1024xf32>
    %add3A_97 = arith.addf %add3A_95, %add3A_96 : vector<512x1024xf32>
    %mul3A_98 = arith.constant 2.000000e+00 : f32
    %mul3A_99 = vector.broadcast %mul3A_98 : f32 to vector<512x1024xf32>
    %mul3A_100 = arith.mulf %mul3A_99, %dot_general3A_94 : vector<512x1024xf32>
    %sub3A_101 = arith.subf %add3A_97, %mul3A_100 : vector<512x1024xf32>
    %max3A_102 = arith.constant 0.000000e+00 : f32
    %max3A_103 = vector.broadcast %max3A_102 : f32 to vector<512x1024xf32>
    %max3A_104 = arith.maximumf %sub3A_101, %max3A_103 : vector<512x1024xf32>
    %sqrt3A_105 = math.sqrt %max3A_104 : vector<512x1024xf32>
    %reduce_min3A_106 = arith.constant dense<0x7F800000> : vector<512xf32>
    %reduce_min3A_107 = vector.multi_reduction <minimumf>, %sqrt3A_105, %reduce_min3A_106 [1] : vector<512x1024xf32> to vector<512xf32>
    %broadcast_in_dim3A_108 = vector.shape_cast %reduce_min3A_107 : vector<512xf32> to vector<512x1xf32>
    %iota3A_109 = tpu.iota {dimensions = array<i32: 1>} : vector<512x1024xi32>
    %eq3A_110 = vector.broadcast %broadcast_in_dim3A_108 : vector<512x1xf32> to vector<512x1024xf32>
    %eq3A_111 = arith.cmpf oeq, %sqrt3A_105, %eq3A_110 : vector<512x1024xf32>
    %jit3A_112 = arith.constant 1024 : i32
    %broadcast_in_dim3A_113 = vector.broadcast %jit3A_112 : i32 to vector<512x1024xi32>
    %select_n3A_114 = arith.select %eq3A_111, %iota3A_109, %broadcast_in_dim3A_113 : vector<512x1024xi1>, vector<512x1024xi32>
    %reduce_min3A_115 = arith.constant dense<2147483647> : vector<512xi32>
    %reduce_min3A_116 = vector.multi_reduction <minsi>, %select_n3A_114, %reduce_min3A_115 [1] : vector<512x1024xi32> to vector<512xi32>
    %add3A_117 = arith.constant 2048 : i32
    %add3A_118 = vector.broadcast %add3A_117 : i32 to vector<512xi32>
    %add3A_119 = arith.addi %reduce_min3A_116, %add3A_118 : vector<512xi32>
    %broadcast_in_dim3A_120 = vector.shape_cast %add3A_119 : vector<512xi32> to vector<1x512xi32>
    %slice3A_121 = vector.extract_strided_slice %get3A_1 {offsets = [0, 1536], sizes = [512, 512], strides = [1, 1]} : vector<512x2048xf32> to vector<512x512xf32>
    %get3A_122 = arith.constant 3 : index
    %get3A_123 = arith.constant 0 : index
    %get3A_124 = arith.constant 0 : index
    %get3A_125 = vector.load %arg2[%get3A_122, %get3A_123, %get3A_124] : memref<4x1024x512xf32, #tpu.memory_space<vmem>>, vector<1x1024x512xf32>
    %get3A_126 = vector.shape_cast %get3A_125 : vector<1x1024x512xf32> to vector<1024x512xf32>
    %get3A_127 = arith.constant 0 : index
    %get3A_128 = arith.constant 3 : index
    %get3A_129 = vector.load %arg4[%get3A_127, %get3A_128] : memref<512x4xf32, #tpu.memory_space<vmem>>, vector<512x1xf32>
    %get3A_130 = vector.shape_cast %get3A_129 : vector<512x1xf32> to vector<512xf32>
    %broadcast_in_dim3A_131 = vector.shape_cast %get3A_130 : vector<512xf32> to vector<512x1xf32>
    %get3A_132 = arith.constant 3 : index
    %get3A_133 = arith.constant 0 : index
    %get3A_134 = vector.load %arg3[%get3A_132, %get3A_133] : memref<4x1024xf32, #tpu.memory_space<vmem>>, vector<1x1024xf32>
    %get3A_135 = vector.shape_cast %get3A_134 : vector<1x1024xf32> to vector<1024xf32>
    %broadcast_in_dim3A_136 = vector.shape_cast %get3A_135 : vector<1024xf32> to vector<1x1024xf32>
    %dot_general3A_137 = arith.constant dense<0.000000e+00> : vector<512x1024xf32>
    %dot_general3A_138 = tpu.matmul %slice3A_121, %get3A_126, %dot_general3A_137 {dimension_numbers = #tpu.dot_dimension_numbers<[1], [1], [0], [0], [0, 0, 1, 0], [], []>, transpose_lhs_hint = false} : vector<512x512xf32>, vector<1024x512xf32>, vector<512x1024xf32> -> vector<512x1024xf32>
    %add3A_139 = vector.broadcast %broadcast_in_dim3A_131 : vector<512x1xf32> to vector<512x1024xf32>
    %add3A_140 = vector.broadcast %broadcast_in_dim3A_136 : vector<1x1024xf32> to vector<512x1024xf32>
    %add3A_141 = arith.addf %add3A_139, %add3A_140 : vector<512x1024xf32>
    %mul3A_142 = arith.constant 2.000000e+00 : f32
    %mul3A_143 = vector.broadcast %mul3A_142 : f32 to vector<512x1024xf32>
    %mul3A_144 = arith.mulf %mul3A_143, %dot_general3A_138 : vector<512x1024xf32>
    %sub3A_145 = arith.subf %add3A_141, %mul3A_144 : vector<512x1024xf32>
    %max3A_146 = arith.constant 0.000000e+00 : f32
    %max3A_147 = vector.broadcast %max3A_146 : f32 to vector<512x1024xf32>
    %max3A_148 = arith.maximumf %sub3A_145, %max3A_147 : vector<512x1024xf32>
    %sqrt3A_149 = math.sqrt %max3A_148 : vector<512x1024xf32>
    %reduce_min3A_150 = arith.constant dense<0x7F800000> : vector<512xf32>
    %reduce_min3A_151 = vector.multi_reduction <minimumf>, %sqrt3A_149, %reduce_min3A_150 [1] : vector<512x1024xf32> to vector<512xf32>
    %broadcast_in_dim3A_152 = vector.shape_cast %reduce_min3A_151 : vector<512xf32> to vector<512x1xf32>
    %iota3A_153 = tpu.iota {dimensions = array<i32: 1>} : vector<512x1024xi32>
    %eq3A_154 = vector.broadcast %broadcast_in_dim3A_152 : vector<512x1xf32> to vector<512x1024xf32>
    %eq3A_155 = arith.cmpf oeq, %sqrt3A_149, %eq3A_154 : vector<512x1024xf32>
    %jit3A_156 = arith.constant 1024 : i32
    %broadcast_in_dim3A_157 = vector.broadcast %jit3A_156 : i32 to vector<512x1024xi32>
    %select_n3A_158 = arith.select %eq3A_155, %iota3A_153, %broadcast_in_dim3A_157 : vector<512x1024xi1>, vector<512x1024xi32>
    %reduce_min3A_159 = arith.constant dense<2147483647> : vector<512xi32>
    %reduce_min3A_160 = vector.multi_reduction <minsi>, %select_n3A_158, %reduce_min3A_159 [1] : vector<512x1024xi32> to vector<512xi32>
    %add3A_161 = arith.constant 3072 : i32
    %add3A_162 = vector.broadcast %add3A_161 : i32 to vector<512xi32>
    %add3A_163 = arith.addi %reduce_min3A_160, %add3A_162 : vector<512xi32>
    %broadcast_in_dim3A_164 = vector.shape_cast %add3A_163 : vector<512xi32> to vector<1x512xi32>
    %concatenate3A = tpu.concatenate %broadcast_in_dim3A_32, %broadcast_in_dim3A_76, %broadcast_in_dim3A_120, %broadcast_in_dim3A_164 in 0 : vector<1x512xi32>, vector<1x512xi32>, vector<1x512xi32>, vector<1x512xi32> -> vector<4x512xi32>
    %swap3A = arith.constant 0 : index
    %swap3A_165 = arith.constant 0 : index
    %swap3A_166 = vector.load %arg5[%swap3A, %swap3A_165] : memref<4x512xi32, #tpu.memory_space<vmem>>, vector<4x512xi32>
    tpu.vector_store %arg5[%swap3A, %swap3A_165], %concatenate3A {strides = array<i32>} : memref<4x512xi32, #tpu.memory_space<vmem>>, vector<4x512xi32>,
    return
  }
  func.func @transform_0(%arg0: i32) -> (i32, i32) {
    %add3A = arith.constant 4 : i32
    %add3A_0 = arith.addi %add3A, %arg0 : i32
    %c0_i32 = arith.constant 0 : i32
    %c0_i32_1 = arith.constant 0 : i32
    return %add3A_0, %c0_i32 : i32, i32
  }
  func.func @transform_1(%arg0: i32) -> (i32, i32, i32) {
    %c0_i32 = arith.constant 0 : i32
    %c0_i32_0 = arith.constant 0 : i32
    %c0_i32_1 = arith.constant 0 : i32
    %c0_i32_2 = arith.constant 0 : i32
    return %c0_i32, %c0_i32_0, %c0_i32_1 : i32, i32, i32
  }
  func.func @transform_2(%arg0: i32) -> (i32, i32) {
    %c0_i32 = arith.constant 0 : i32
    %c0_i32_0 = arith.constant 0 : i32
    %c0_i32_1 = arith.constant 0 : i32
    return %c0_i32, %c0_i32_0 : i32, i32
  }
  func.func @transform_3(%arg0: i32) -> (i32, i32) {
    %add3A = arith.constant 4 : i32
    %add3A_0 = arith.addi %add3A, %arg0 : i32
    %c0_i32 = arith.constant 0 : i32
    %c0_i32_1 = arith.constant 0 : i32
    return %add3A_0, %c0_i32 : i32, i32
  }
  func.func @transform_4(%arg0: i32) -> (i32, i32) {
    %c0_i32 = arith.constant 0 : i32
    %c0_i32_0 = arith.constant 0 : i32
    return %c0_i32, %arg0 : i32, i32
  }
}

</mosaic_0001>

<sc_bundles>
// kernel: kernel.6.cloned.1.call-start
scs
__scs_entry_jumppad:
0x0: {  	(pc) =	sbr.rel $0x88, $3  }
0x1: {  	(tag) =	ssettag $0x0;
	lr =	simm.s32 $0x1  }
0x2: {  	[smem:$0x3F9F] =	sst lr;
	_ =	strace $0xD0000000  }
0x3: {  	_ = 	snop  }
0x4: {  	_ = 	snop  }
0x5: {  	_ = 	snop  }
0x6: {  	_ = 	snop  }
0x7: {  	_ = 	snop  }
__scs_overlays_trampoline_lowered:
0x8: {  	[smem:$0x3FAE] =	sst s0  }
0x9: {  	[smem:$0x3FAF] =	sst s1  }
0xa: {  	[smem:$0x3FB0] =	sst s2  }
0xb: {  	[smem:$0x3FB1] =	sst s3  }
0xc: {  	[smem:$0x3FB2] =	sst s4  }
0xd: {  	[smem:$0x3FB3] =	sst s5  }
0xe: {  	[smem:$0x3FB4] =	sst s6  }
0xf: {  	[smem:$0x3FB5] =	sst s7  }
0x10: {  	[smem:$0x3FB6] =	sst s8  }
0x11: {  	[smem:$0x3FB7] =	sst s9;
	s0 =	simm.s32 @!p0 $0x0  }
0x12: {  	s1 =	sld [smem:$0x3F9D];
	s0 =	simm.s32 @p0 $0x1  }
0x13: {  	[smem:$0x3FB8] =	sst s0;
	s0 =	simm.s32 @!p1 $0x0  }
0x14: {  	s2 =	sld [smem:$0x3F9C];
	s0 =	simm.s32 @p1 $0x1  }
0x15: {  	[smem:$0x3FB9] =	sst s0;
	s0 =	simm.s32 @!p2 $0x0  }
0x16: {  	s3 =	sld [smem:$0x3FDB];
	s0 =	simm.s32 @p2 $0x1  }
0x17: {  	s4 =	simm.s32 $0x1BF5;
	[smem:$0x3FBB] =	sst s0  }
0x18: {  	s0 =	sld [smem:$0x3F9E];
	_ =	swait.ge [sflag:s4], $0x0  }
0x19: {  	s7 =	sld [smem:$0x3F9F]  }
0x1a: {  	s8 =	sadd.s32 $0xFFFFE003, lr  }
0x1b: {  	s9 =	sadd.s32 $0xFFFFFEF7, lr;
	s5 =	simm.s32 $0xFFFFFFFF;
	p2 =	slt.u32 s8, $0xFFFFF086  }
0x1c: {  	p1 =	slt.u32 s9, $0xF7A;
	s5 =	simm.s32 @!p2 $0x0  }
0x1d: {  	s5 =	simm.s32 @p1 $0x1;
	p0 =	seq.s32 s7, s2  }
0x1e: {  	s7 =	smul.u32 @!p0 $0xF7A, s2;
	p2 =	seq.s32 @!p0 s5, $0x0  }
0x1f: {  	s9 =	smul.u32 $0xF7A, s1;
	s8 =	simm.s32 @!p0 $0x1BF5;
	p2 =	por !p2, p0  }
0x20: {  	[sflag:s8] =	ssyncset.s32 @!p0 $0xFFFFF086;
	s6 =	sadd.s32 @!p0 s3, s7;
	s7 =	simm.s32 @!p0 $0x108  }
0x21: {  	s3 =	sadd.s32 s3, s9;
	s6 =	sadd.s32 @!p0 $0x88, s6;
	s7 =	simm.s32 @p2 $0x1082  }
0x22: {  	[simem:s7], [sflag:s8] =	dma.local @!p0 [hbm:s6], $0xF7A  }
0x23: {  	s9 =	sor.u32 $0xD0000000, s2;
	s6 =	simm.s32 $0x108;
	_ =	swait.ge @!p0 [sflag:s8], $0x0  }
0x24: {  	s3 =	sadd.s32 $0x88, s3;
	s6 =	simm.s32 @!p1 $0x1082;
	[sflag:s4] =	ssyncset.s32 $0xFFFFF086  }
0x25: {  	[simem:s6], [sflag:s4] =	dma.local [hbm:s3], $0xF7A  }
0x26: {  	[smem:$0x3F9F] =	sst s1;
	(tag) =	ssettag s2;
	_ =	strace s9  }
0x27: {  	s1 =	sld [smem:$0x3FAF]  }
0x28: {  	s2 =	sld [smem:$0x3FB0]  }
0x29: {  	s4 =	sld [smem:$0x3FB2]  }
0x2a: {  	p0 =	seq.s32 s5, $0x0;
	s5 =	sld [smem:$0x3FB3]  }
0x2b: {  	s6 =	sld [smem:$0x3FB4]  }
0x2c: {  	s7 =	sld [smem:$0x3FB5]  }
0x2d: {  	s3 =	simm.s32 $0x108;
	s8 =	sld [smem:$0x3FB6]  }
0x2e: {  	s3 =	simm.s32 @!p0 $0x1082;
	s9 =	sld [smem:$0x3FB7]  }
0x2f: {  	lr =	sadd.s32 s0, s3;
	s0 =	sld [smem:$0x3FAE]  }
0x30: {  	s3 =	sld [smem:$0x3FB1]  }
0x31: {  	[smem:$0x3FBA] =	sst s10  }
0x32: {  	s10 =	sld [smem:$0x3FB8];
	_ =	sdelay $0x3  }
0x33: {  	p0 =	seq.s32 s10, $0x1;
	s10 =	sld [smem:$0x3FBA];
	_ =	sdelay $0x3  }
0x34: {  	[smem:$0x3FBA] =	sst s10  }
0x35: {  	s10 =	sld [smem:$0x3FB9];
	_ =	sdelay $0x3  }
0x36: {  	p1 =	seq.s32 s10, $0x1;
	s10 =	sld [smem:$0x3FBA];
	_ =	sdelay $0x3  }
0x37: {  	[smem:$0x3FBA] =	sst s10  }
0x38: {  	s10 =	sld [smem:$0x3FBB]  }
0x39: {  	_ = 	snop;
	(pc) =	sbr.ind lr, $3  }
0x3a: {  	_ = 	snop  }
0x3b: {  	_ = 	snop  }
0x3c: {  	p2 =	seq.s32 s10, $0x1;
	s10 =	sld [smem:$0x3FBA]  }
0x3d: {  	_ =	shalt  }
0x3e: {  	_ =	shalt  }
0x3f: {  	_ =	shalt  }
0x40: {  	_ =	shalt  }
0x41: {  	_ =	shalt  }
0x42: {  	_ =	shalt  }
0x43: {  	_ =	shalt  }
0x44: {  	_ =	shalt  }
0x45: {  	_ =	shalt  }
0x46: {  	_ =	shalt  }
0x47: {  	_ =	shalt  }
0x48: {  	_ =	shalt  }
0x49: {  	_ =	shalt  }
0x4a: {  	_ =	shalt  }
0x4b: {  	_ =	shalt  }
0x4c: {  	_ =	shalt  }
0x4d: {  	_ =	shalt  }
0x4e: {  	_ =	shalt  }
0x4f: {  	_ =	shalt  }
0x50: {  	_ =	shalt  }
0x51: {  	_ =	shalt  }
0x52: {  	_ =	shalt  }
0x53: {  	_ =	shalt  }
0x54: {  	_ =	shalt  }
0x55: {  	_ =	shalt  }
0x56: {  	_ =	shalt  }
0x57: {  	_ =	shalt  }
0x58: {  	_ =	shalt  }
0x59: {  	_ =	shalt  }
0x5a: {  	_ =	shalt  }
0x5b: {  	_ =	shalt  }
0x5c: {  	_ =	shalt  }
0x5d: {  	_ =	shalt  }
0x5e: {  	_ =	shalt  }
0x5f: {  	_ =	shalt  }
0x60: {  	_ =	shalt  }
0x61: {  	_ =	shalt  }
0x62: {  	_ =	shalt  }
0x63: {  	_ =	shalt  }
0x64: {  	_ =	shalt  }
0x65: {  	_ =	shalt  }
0x66: {  	_ =	shalt  }
0x67: {  	_ =	shalt  }
0x68: {  	_ =	shalt  }
0x69: {  	_ =	shalt  }
0x6a: {  	_ =	shalt  }
0x6b: {  	_ =	shalt  }
0x6c: {  	_ =	shalt  }
0x6d: {  	_ =	shalt  }
0x6e: {  	_ =	shalt  }
0x6f: {  	_ =	shalt  }
0x70: {  	_ =	shalt  }
0x71: {  	_ =	shalt  }
0x72: {  	_ =	shalt  }
0x73: {  	_ =	shalt  }
0x74: {  	_ =	shalt  }
0x75: {  	_ =	shalt  }
0x76: {  	_ =	shalt  }
0x77: {  	_ =	shalt  }
0x78: {  	_ =	shalt  }
0x79: {  	_ =	shalt  }
0x7a: {  	_ =	shalt  }
0x7b: {  	_ =	shalt  }
0x7c: {  	_ =	shalt  }
0x7d: {  	_ =	shalt  }
0x7e: {  	_ =	shalt  }
0x7f: {  	_ =	shalt  }
0x80: {  	_ =	shalt  }
0x81: {  	_ =	shalt  }
0x82: {  	_ =	shalt  }
0x83: {  	_ =	shalt  }
0x84: {  	_ =	shalt  }
0x85: {  	_ =	shalt  }
0x86: {  	_ =	shalt  }
0x87: {  	_ =	shalt  }
.Lfunc_end0:
.L_simem_size_0:
called_computation_lowered:
.L_overlay_start_0:
0x88: {  	s2 =	sld [smem:$0x3FD9]  }
0x89: {  	s3 =	sld [smem:$0x3FFE];
	_ =	sdelay $0x1  }
0x8a: {  	s1 =	srdreg.scid  }
0x8b: {  	s0 =	sand.u32 $0x1, s1  }
0x8c: {  	s17 =	sshll.u32 s0, $0xA;
	s2 =	sadd.s32 s3, s2  }
0x8d: {  	s2 =	sadd.s32 s2, s17  }
0x8e: {  	[smem:$0x3FC6] =	sst s2  }
0x8f: {  	_ = 	snop  }
0x90: {  	s2 =	sld [smem:$0x3FC8]  }
0x91: {  	s18 =	sld [smem:$0x3FD0];
	(tm) =	ssettm $0x1  }
0x92: {  	s4 =	sld [smem:$0x3FFB];
	_ =	sdelay $0x3  }
0x93: {  	_ =	strace s4  }
0x94: {  	s4 =	sld [smem:$0x3FFC];
	_ =	sdelay $0x3  }
0x95: {  	_ =	strace s4  }
0x96: {  	s4 =	sld [smem:$0x3FFD];
	_ =	sdelay $0x3  }
0x97: {  	_ =	strace s4  }
0x98: {  	_ =	strace $0x8FFFFFFF  }
0x99: {  	s19 =	sld [smem:$0x3FDB];
	_ =	sdelay $0x1  }
0x9a: {  	s5 =	simm.s32 $_scs_section_size  }
0x9b: {  	s6 =	simm.s32 $_size__tile_overlayer_lowered;
	s7 =	simm.s32 $_tile_overlayer_lowered  }
0x9c: {  	s22 =	simm.s32 $0x1BFF;
	s21 =	sshll.u32 s7, $0x1;
	s4 =	sadd.s32 s5, s19  }
0x9d: {  	s8 =	simm.s32 $0x0;
	s20 =	sshll.u32 s6, $0x1;
	s6 =	sadd.s32 s21, s4  }
0x9e: {  	[timem:s8], [sflag:s22] =	dma.local [hbm:s6], s20  }
0x9f: {  	_ =	swait.ge [sflag:s22], s20  }
0xa0: {  	s5 =	ssub.s32 $0x0, s20;
	[sflag:s22] =	ssyncset.done $0x0  }
0xa1: {  	[sflag:s22] =	ssyncadd.s32 s5;
	_ =	sdelay $0x1  }
0xa2: {  	s23 =	simm.s32 $0x1B8B  }
0xa3: {  	_ =	swait.ge [sflag:s23], $0x1  }
0xa4: {  	[sflag:s23] =	ssyncset.done $0x0  }
0xa5: {  	s25 =	simm.s32 $0x1B8E;
	s24 =	sld [smem:$0x3FFE];
	[sflag:s23] =	ssyncadd.s32 $0xFFFFFFFF  }
0xa6: {  	s26 =	simm.s32 $execute0_lowered;
	[smem:$0x3FD2] =	sst s25  }
0xa7: {  	s6 =	sshll.u32 s26, $0x1;
	_ =	strace $0x80000046;
	[dreg:$0x1] =	wrdreg $0xFFFFFFFF  }
0xa8: {  	s28 =	simm.s32 $_size_execute0_lowered;
	s4 =	sadd.s32 s4, s6;
	[dreg:$0x0] =	wrdreg $0x0  }
0xa9: {  	s6 =	sshll.u32 s28, $0x1;
	[dreg:$0x2] =	wrdreg s4  }
0xaa: {  	[dreg:$0x3] =	wrdreg s6  }
0xab: {  	[dreg:$0x4] =	wrdreg $0xC0  }
0xac: {  	_ =	task [dreg:s8], $0x5FFFF  }
0xad: {  	[dreg:$0x1] =	wrdreg $0xFFFFFFFF  }
0xae: {  	[dreg:$0x0] =	wrdreg $0x60  }
0xaf: {  	[dreg:$0x2] =	wrdreg s2  }
0xb0: {  	[dreg:$0x3] =	wrdreg s24  }
0xb1: {  	[dreg:$0x4] =	wrdreg s18  }
0xb2: {  	[dreg:$0x5] =	wrdreg $0x9  }
0xb3: {  	_ =	task.clear_ibuf [dreg:s8], $0x6FFFF;
	_ =	strace $0x90000046  }
0xb4: {  	s29 =	simm.s32 $0x9;
	_ =	strace $0x80000048  }
0xb5: {  	_ =	swait.ge [sflag:s29], $0x1  }
0xb6: {  	[sflag:s29] =	ssyncadd.s32 $0xFFFFFFFF  }
0xb7: {  	_ =	strace $0x90000048  }
0xb8: {  	_ =	sfence  }
0xb9: {  	s30 =	sld [smem:$0x0];
	_ =	sdelay $0x2  }
0xba: {  	s31 =	sshll.u32 s1, $0xD;
	s1 =	sshrl.u32 s1, $0x2  }
0xbb: {  	s3 =	sand.u32 $0x4000, s31;
	s1 =	sadd.s32 s1, s30  }
0xbc: {  	s0 =	sor.u32 s3, s0;
	s1 =	sshll.u32 s1, $0x11  }
0xbd: {  	s0 =	sor.u32 s1, s0  }
0xbe: {  	s0 =	sadd.s32 $0x8F2B, s0  }
0xbf: {  	[sflag:s0] =	ssyncadd.remote.s32 $0x1  }
0xc0: {  	_ =	sfence.sel $0xFFFF  }
0xc1: {  	[dreg:$0x0] =	wrdreg $0xFFFFFFFF;
	(pc) =	sbr.abs _section_cstart, $3  }
0xc2: {  	[dreg:$0x1] =	wrdreg $0xFFFFFFFF  }
0xc3: {  	_ =	task.clear_ibuf [dreg:s8], $0x2FFFF;
	_ =	strace $0x9FFFFFFF  }
0xc4: {  	(tm) =	ssettm $0x7FFFFFFF  }
0xc5: {  	_ =	shalt  }
tec
execute0_lowered:
.L_overlay_start_1:
0x0: {  	(tag) =	ssettag $0x1  }
0x1: {  	s1 =	rddreg [dreg:$0x0]  }
0x2: {  	s0 =	rddreg [dreg:$0x1]  }
0x3: {  	s2 =	rddreg [dreg:$0x2]  }
0x4: {  	s3 =	srdreg.scid;
	s5 =	stileid.u32  }
0x5: {  	s28 =	simm.s32 $0x1;
	s29 =	simm.s32 $0x2000;
	s30 =	simm.s32 $0x2800  }
0x6: {  	s31 =	simm.s32 $0x6000;
	s4 =	sand.u32 $0x1, s3;
	s3 =	simm.s32 $0x0  }
0x7: {  	s5 =	sshll.u32 s5, $0x7;
	s0 =	sadd.s32 $0xC00, s0;
	s6 =	sshll.u32 s4, $0x6  }
0x8: {  	[smem:$0x7FF] =	sst s3;
	s4 =	ssub.s32 $0x2, s4;
	s7 =	sor.u32 s6, s5  }
0x9: {  	_ =	strace $0x80000047;
	[dreg:$0x4] =	wrdreg s0;
	s25 =	sshrl.u32 s4, $0x1  }
0xa: {  	s8 =	sshll.u32 s7, $0x2;
	s0 =	ssub.s32 s4, s25;
	s26 =	sor.u32 $0x10, s7  }
0xb: {  	s12 =	sshll.u32 s7, $0x8;
	s16 =	sor.u32 $0x20, s7;
	s20 =	sor.u32 $0x30, s7  }
0xc: {  	s7 =	simm.s32 $0xB000;
	s24 =	sor.u32 s6, s8;
	s10 =	sand.u32 $0x50, s26  }
0xd: {  	s13 =	sadd.s32 s2, s12;
	s17 =	sshll.u32 s26, $0x8;
	s18 =	sand.u32 $0x60, s16  }
0xe: {  	s22 =	sand.u32 $0x70, s20;
	s9 =	sor.u32 $0x100, s24;
	[dreg:$0x7] =	wrdreg s13  }
0xf: {  	s11 =	sor.u32 $0x180, s24;
	s14 =	sor.u32 s8, s10;
	[dreg:$0x5] =	wrdreg s9  }
0x10: {  	s13 =	sor.u32 s8, s18;
	[dreg:$0x6] =	wrdreg s11;
	s11 =	sand.u32 $0x1E00, s8  }
0x11: {  	s12 =	sor.u32 $0x100, s14;
	s5 =	sor.u32 $0x180, s14;
	s14 =	sor.u32 $0x100, s13  }
0x12: {  	s21 =	sor.u32 $0x180, s13;
	s8 =	sor.u32 s8, s22;
	s9 =	smax.u32 s0, $0x1  }
0x13: {  	s13 =	simm.s32 $0x7000;
	s15 =	sor.u32 s6, s11;
	[dreg:$0x8] =	wrdreg s12  }
0x14: {  	[dreg:$0x9] =	wrdreg s5;
	s6 =	sadd.s32 s2, s17;
	s5 =	sadd.s32 $0x100, s1  }
0x15: {  	s19 =	sor.u32 s10, s11;
	[dreg:$0xb] =	wrdreg s14;
	s12 =	sshll.u32 s16, $0x8  }
0x16: {  	[dreg:$0xc] =	wrdreg s21;
	s23 =	sor.u32 s18, s11;
	s24 =	sor.u32 $0x100, s8  }
0x17: {  	s25 =	sor.u32 $0x180, s8;
	s10 =	sshll.u32 s20, $0x8;
	[dreg:$0x11] =	wrdreg s15  }
0x18: {  	s26 =	sor.u32 s22, s11;
	s14 =	simm.s32 $0x7800;
	[dreg:$0xa] =	wrdreg s6  }
0x19: {  	s16 =	simm.s32 $0x4800;
	s17 =	simm.s32 $0x8000;
	[dreg:$0x12] =	wrdreg s19  }
0x1a: {  	s18 =	simm.s32 $0x8800;
	s20 =	simm.s32 $0x5800;
	[dreg:$0x13] =	wrdreg s23  }
0x1b: {  	s21 =	simm.s32 $0x9000;
	s22 =	simm.s32 $0x9800;
	[dreg:$0xe] =	wrdreg s24  }
0x1c: {  	s8 =	simm.s32 $0xB800;
	s11 =	simm.s32 $0xF000;
	[dreg:$0x14] =	wrdreg s26  }
0x1d: {  	s12 =	sadd.s32 s2, s12;
	[dreg:$0xf] =	wrdreg s25;
	s2 =	sadd.s32 s2, s10  }
0x1e: {  	v2 =	vlaneseq.u32;
	s23 =	simm.s32 $0x2;
	s24 =	simm.s32 $0x3;
	s25 =	simm.s32 $0x4  }
0x1f: {  	vm0 =	vmmov $0xffff;
	v1 =	vshrl.u32 v2, $0x3;
	s15 =	simm.s32 $0x4000;
	s19 =	simm.s32 $0x5000;
	[dreg:$0xd] =	wrdreg s12  }
0x20: {  	v0 =	vand.u32 $0x7, v2;
	v2 =	vor.u32 $0x8, v2;
	v1 =	vmul.u32 $0x8, v1;
	s10 =	simm.s32 $0xA800;
	[dreg:$0x10] =	wrdreg s2;
	s12 =	simm.s32 $0x3800  }
.LBB2_1:
0x21: {  	s26 =	rddreg [dreg:$0x4];
	s0 =	simm.s32 $0x5  }
0x22: {  	[tilespmem:s3], [sflag:$0x5] =	stream.linear.gather [hbm4b:s26+s3], $0x2000, $0x38;
	[tilespmem:$0x12000] =	vst v63  }
0x23: {  	_ =	swait.ge [sflag:s0], $0x2000  }
0x24: {  	[sflag:s0] =	ssyncset.done $0x0  }
0x25: {  	s2 =	rddreg [dreg:$0x11];
	[sflag:s0] =	ssyncadd.s32 $0xFFFFE000  }
0x26: {  	v3 =	vld [tilespmem:s2+$0x0];
	_ =	sdelay $0x4  }
0x27: {  	v4 =	vshll.u32 v3, $0x2  }
0x28: {  	v3 =	vand.u32 $0x7, v3;
	v4 =	vand.u32 $0xFFFFFFE0, v4  }
0x29: {  	v3 =	vor.u32 v3, v4  }
0x2a: {  	v4 =	vperm.xlane v3, v0;
	_ =	sdelay $0x1  }
0x2b: {  	v4 =	vadd.s32 v1, v4;
	_ =	sdelay $0x1  }
0x2c: {  	v3 =	vperm.xlane v3, v2;
	_ =	sdelay $0x1  }
0x2d: {  	v3 =	vadd.s32 v1, v3  }
0x2e: {  	[tilespmem:s29], [sflag:$0x1] =	stream.indirect_vreg.gather [hbm4b:s1+s3], $0x80, v4, vm0, $0xb8;
	[tilespmem:$0x12000] =	vst v63  }
0x2f: {  	_ = 	snop  }
0x30: {  	[tilespmem:s30], [sflag:$0x1] =	stream.indirect_vreg.gather [hbm4b:s5+s3], $0x80, v4, vm0, $0xb8;
	[tilespmem:$0x12000] =	vst v63  }
0x31: {  	_ = 	snop  }
0x32: {  	[tilespmem:s31], [sflag:$0x1] =	stream.indirect_vreg.gather [hbm4b:s1+s3], $0x80, v3, vm0, $0xb8;
	[tilespmem:$0x12000] =	vst v63  }
0x33: {  	s0 =	simm.s32 $0x6800  }
0x34: {  	[tilespmem:s0], [sflag:$0x1] =	stream.indirect_vreg.gather [hbm4b:s5+s3], $0x80, v3, vm0, $0xb8;
	[tilespmem:$0x12000] =	vst v63  }
0x35: {  	v3 =	vld [tilespmem:s2+$0x80];
	_ =	sdelay $0x4  }
0x36: {  	v49 =	vshll.u32 v3, $0x2  }
0x37: {  	v3 =	vand.u32 $0x7, v3;
	v4 =	vand.u32 $0xFFFFFFE0, v49  }
0x38: {  	v3 =	vor.u32 v3, v4  }
0x39: {  	v4 =	vperm.xlane v3, v0;
	_ =	sdelay $0x1  }
0x3a: {  	v4 =	vadd.s32 v1, v4;
	_ =	sdelay $0x1  }
0x3b: {  	v3 =	vperm.xlane v3, v2;
	_ =	sdelay $0x1  }
0x3c: {  	s4 =	simm.s32 $0x3000;
	v3 =	vadd.s32 v1, v3  }
0x3d: {  	[tilespmem:s4], [sflag:$0x1] =	stream.indirect_vreg.gather [hbm4b:s1+s3], $0x80, v4, vm0, $0xb8;
	[tilespmem:$0x12000] =	vst v63  }
0x3e: {  	_ = 	snop  }
0x3f: {  	[tilespmem:s12], [sflag:$0x1] =	stream.indirect_vreg.gather [hbm4b:s5+s3], $0x80, v4, vm0, $0xb8;
	[tilespmem:$0x12000] =	vst v63  }
0x40: {  	_ = 	snop  }
0x41: {  	[tilespmem:s13], [sflag:$0x1] =	stream.indirect_vreg.gather [hbm4b:s1+s3], $0x80, v3, vm0, $0xb8;
	[tilespmem:$0x12000] =	vst v63  }
0x42: {  	s6 =	rddreg [dreg:$0x5]  }
0x43: {  	[tilespmem:s14], [sflag:$0x1] =	stream.indirect_vreg.gather [hbm4b:s5+s3], $0x80, v3, vm0, $0xb8;
	[tilespmem:$0x12000] =	vst v63  }
0x44: {  	v3 =	vld [tilespmem:s6+$0x0];
	_ =	sdelay $0x4  }
0x45: {  	v50 =	vshll.u32 v3, $0x2  }
0x46: {  	v3 =	vand.u32 $0x7, v3;
	v4 =	vand.u32 $0xFFFFFFE0, v50  }
0x47: {  	v3 =	vor.u32 v3, v4  }
0x48: {  	v4 =	vperm.xlane v3, v0;
	_ =	sdelay $0x1  }
0x49: {  	v4 =	vadd.s32 v1, v4;
	_ =	sdelay $0x1  }
0x4a: {  	v3 =	vperm.xlane v3, v2;
	_ =	sdelay $0x1  }
0x4b: {  	v3 =	vadd.s32 v1, v3  }
0x4c: {  	[tilespmem:s15], [sflag:$0x1] =	stream.indirect_vreg.gather [hbm4b:s1+s3], $0x80, v4, vm0, $0xb8;
	[tilespmem:$0x12000] =	vst v63  }
0x4d: {  	_ = 	snop  }
0x4e: {  	[tilespmem:s16], [sflag:$0x1] =	stream.indirect_vreg.gather [hbm4b:s5+s3], $0x80, v4, vm0, $0xb8;
	[tilespmem:$0x12000] =	vst v63  }
0x4f: {  	_ = 	snop  }
0x50: {  	[tilespmem:s17], [sflag:$0x1] =	stream.indirect_vreg.gather [hbm4b:s1+s3], $0x80, v3, vm0, $0xb8;
	[tilespmem:$0x12000] =	vst v63  }
0x51: {  	s2 =	rddreg [dreg:$0x6]  }
0x52: {  	[tilespmem:s18], [sflag:$0x1] =	stream.indirect_vreg.gather [hbm4b:s5+s3], $0x80, v3, vm0, $0xb8;
	[tilespmem:$0x12000] =	vst v63  }
0x53: {  	v3 =	vld [tilespmem:s2+$0x0];
	_ =	sdelay $0x4  }
0x54: {  	v51 =	vshll.u32 v3, $0x2  }
0x55: {  	v3 =	vand.u32 $0x7, v3;
	v4 =	vand.u32 $0xFFFFFFE0, v51  }
0x56: {  	v3 =	vor.u32 v3, v4  }
0x57: {  	v4 =	vperm.xlane v3, v0;
	_ =	sdelay $0x1  }
0x58: {  	v4 =	vadd.s32 v1, v4;
	_ =	sdelay $0x1  }
0x59: {  	v3 =	vperm.xlane v3, v2;
	_ =	sdelay $0x1  }
0x5a: {  	v3 =	vadd.s32 v1, v3  }
0x5b: {  	[tilespmem:s19], [sflag:$0x1] =	stream.indirect_vreg.gather [hbm4b:s1+s3], $0x80, v4, vm0, $0xb8;
	[tilespmem:$0x12000] =	vst v63  }
0x5c: {  	_ = 	snop  }
0x5d: {  	[tilespmem:s20], [sflag:$0x1] =	stream.indirect_vreg.gather [hbm4b:s5+s3], $0x80, v4, vm0, $0xb8;
	[tilespmem:$0x12000] =	vst v63  }
0x5e: {  	_ = 	snop  }
0x5f: {  	[tilespmem:s21], [sflag:$0x1] =	stream.indirect_vreg.gather [hbm4b:s1+s3], $0x80, v3, vm0, $0xb8;
	[tilespmem:$0x12000] =	vst v63  }
0x60: {  	_ = 	snop  }
0x61: {  	[tilespmem:s22], [sflag:$0x1] =	stream.indirect_vreg.gather [hbm4b:s5+s3], $0x80, v3, vm0, $0xb8;
	[tilespmem:$0x12000] =	vst v63  }
0x62: {  	_ =	swait.ge [sflag:s28], $0x2000  }
0x63: {  	[sflag:s28] =	ssyncset.done $0x0  }
0x64: {  	[sflag:s28] =	ssyncadd.s32 $0xFFFFE000  }
0x65: {  	_ =	swait.ge [sflag:s28], $0x2000  }
0x66: {  	[sflag:s28] =	ssyncset.done $0x0  }
0x67: {  	[sflag:s28] =	ssyncadd.s32 $0xFFFFE000  }
0x68: {  	_ =	swait.ge [sflag:s28], $0x2000  }
0x69: {  	[sflag:s28] =	ssyncset.done $0x0  }
0x6a: {  	[sflag:s28] =	ssyncadd.s32 $0xFFFFE000  }
0x6b: {  	_ =	swait.ge [sflag:s28], $0x2000  }
0x6c: {  	s6 =	rddreg [dreg:$0x7];
	[sflag:s28] =	ssyncset.done $0x0  }
0x6d: {  	s26 =	rddreg [dreg:$0x12];
	[sflag:s28] =	ssyncadd.s32 $0xFFFFE000  }
0x6e: {  	[hbm4b:s6+s3] =	stream.linear.scatter [tilespmem:s29], [sflag:$0x3], $0x8000, $0x38;
	[tilespmem:$0x12000] =	vst v63  }
0x6f: {  	v3 =	vld [tilespmem:s26+$0x0];
	_ =	sdelay $0x4  }
0x70: {  	v52 =	vshll.u32 v3, $0x2  }
0x71: {  	v3 =	vand.u32 $0x7, v3;
	v4 =	vand.u32 $0xFFFFFFE0, v52  }
0x72: {  	v3 =	vor.u32 v3, v4  }
0x73: {  	v4 =	vperm.xlane v3, v0;
	_ =	sdelay $0x1  }
0x74: {  	v4 =	vadd.s32 v1, v4;
	_ =	sdelay $0x1  }
0x75: {  	v3 =	vperm.xlane v3, v2;
	_ =	sdelay $0x1  }
0x76: {  	s2 =	simm.s32 $0xA000;
	v3 =	vadd.s32 v1, v3  }
0x77: {  	[tilespmem:s2], [sflag:$0x2] =	stream.indirect_vreg.gather [hbm4b:s1+s3], $0x80, v4, vm0, $0xb8;
	[tilespmem:$0x12000] =	vst v63  }
0x78: {  	_ = 	snop  }
0x79: {  	[tilespmem:s10], [sflag:$0x2] =	stream.indirect_vreg.gather [hbm4b:s5+s3], $0x80, v4, vm0, $0xb8;
	[tilespmem:$0x12000] =	vst v63  }
0x7a: {  	s6 =	simm.s32 $0xE000  }
0x7b: {  	[tilespmem:s6], [sflag:$0x2] =	stream.indirect_vreg.gather [hbm4b:s1+s3], $0x80, v3, vm0, $0xb8;
	[tilespmem:$0x12000] =	vst v63  }
0x7c: {  	s6 =	simm.s32 $0xE800  }
0x7d: {  	[tilespmem:s6], [sflag:$0x2] =	stream.indirect_vreg.gather [hbm4b:s5+s3], $0x80, v3, vm0, $0xb8;
	[tilespmem:$0x12000] =	vst v63  }
0x7e: {  	v3 =	vld [tilespmem:s26+$0x80];
	_ =	sdelay $0x4  }
0x7f: {  	v53 =	vshll.u32 v3, $0x2  }
0x80: {  	v3 =	vand.u32 $0x7, v3;
	v4 =	vand.u32 $0xFFFFFFE0, v53  }
0x81: {  	v3 =	vor.u32 v3, v4  }
0x82: {  	v4 =	vperm.xlane v3, v0;
	_ =	sdelay $0x1  }
0x83: {  	v4 =	vadd.s32 v1, v4;
	_ =	sdelay $0x1  }
0x84: {  	v3 =	vperm.xlane v3, v2;
	_ =	sdelay $0x1  }
0x85: {  	v3 =	vadd.s32 v1, v3  }
0x86: {  	[tilespmem:s7], [sflag:$0x2] =	stream.indirect_vreg.gather [hbm4b:s1+s3], $0x80, v4, vm0, $0xb8;
	[tilespmem:$0x12000] =	vst v63  }
0x87: {  	_ = 	snop  }
0x88: {  	[tilespmem:s8], [sflag:$0x2] =	stream.indirect_vreg.gather [hbm4b:s5+s3], $0x80, v4, vm0, $0xb8;
	[tilespmem:$0x12000] =	vst v63  }
0x89: {  	_ = 	snop  }
0x8a: {  	[tilespmem:s11], [sflag:$0x2] =	stream.indirect_vreg.gather [hbm4b:s1+s3], $0x80, v3, vm0, $0xb8;
	[tilespmem:$0x12000] =	vst v63  }
0x8b: {  	s6 =	simm.s32 $0xF800;
	s26 =	rddreg [dreg:$0x8]  }
0x8c: {  	[tilespmem:s6], [sflag:$0x2] =	stream.indirect_vreg.gather [hbm4b:s5+s3], $0x80, v3, vm0, $0xb8;
	[tilespmem:$0x12000] =	vst v63  }
0x8d: {  	v3 =	vld [tilespmem:s26+$0x0];
	_ =	sdelay $0x4  }
0x8e: {  	v54 =	vshll.u32 v3, $0x2  }
0x8f: {  	v3 =	vand.u32 $0x7, v3;
	v4 =	vand.u32 $0xFFFFFFE0, v54  }
0x90: {  	v3 =	vor.u32 v3, v4  }
0x91: {  	v4 =	vperm.xlane v3, v0;
	_ =	sdelay $0x1  }
0x92: {  	v4 =	vadd.s32 v1, v4;
	_ =	sdelay $0x1  }
0x93: {  	v3 =	vperm.xlane v3, v2;
	_ =	sdelay $0x1  }
0x94: {  	s26 =	simm.s32 $0xC000;
	v3 =	vadd.s32 v1, v3  }
0x95: {  	[tilespmem:s26], [sflag:$0x2] =	stream.indirect_vreg.gather [hbm4b:s1+s3], $0x80, v4, vm0, $0xb8;
	[tilespmem:$0x12000] =	vst v63  }
0x96: {  	s6 =	simm.s32 $0xC800  }
0x97: {  	[tilespmem:s6], [sflag:$0x2] =	stream.indirect_vreg.gather [hbm4b:s5+s3], $0x80, v4, vm0, $0xb8;
	[tilespmem:$0x12000] =	vst v63  }
0x98: {  	s6 =	simm.s32 $0x10000  }
0x99: {  	[tilespmem:s6], [sflag:$0x2] =	stream.indirect_vreg.gather [hbm4b:s1+s3], $0x80, v3, vm0, $0xb8;
	[tilespmem:$0x12000] =	vst v63  }
0x9a: {  	s26 =	rddreg [dreg:$0x9];
	s6 =	simm.s32 $0x10800  }
0x9b: {  	[tilespmem:s6], [sflag:$0x2] =	stream.indirect_vreg.gather [hbm4b:s5+s3], $0x80, v3, vm0, $0xb8;
	[tilespmem:$0x12000] =	vst v63  }
0x9c: {  	v3 =	vld [tilespmem:s26+$0x0];
	_ =	sdelay $0x4  }
0x9d: {  	v55 =	vshll.u32 v3, $0x2  }
0x9e: {  	v3 =	vand.u32 $0x7, v3;
	v4 =	vand.u32 $0xFFFFFFE0, v55  }
0x9f: {  	v3 =	vor.u32 v3, v4  }
0xa0: {  	v4 =	vperm.xlane v3, v0;
	_ =	sdelay $0x1  }
0xa1: {  	v4 =	vadd.s32 v1, v4;
	_ =	sdelay $0x1  }
0xa2: {  	v3 =	vperm.xlane v3, v2;
	_ =	sdelay $0x1  }
0xa3: {  	s6 =	simm.s32 $0xD000;
	v3 =	vadd.s32 v1, v3  }
0xa4: {  	[tilespmem:s6], [sflag:$0x2] =	stream.indirect_vreg.gather [hbm4b:s1+s3], $0x80, v4, vm0, $0xb8;
	[tilespmem:$0x12000] =	vst v63  }
0xa5: {  	s26 =	simm.s32 $0xD800  }
0xa6: {  	[tilespmem:s26], [sflag:$0x2] =	stream.indirect_vreg.gather [hbm4b:s5+s3], $0x80, v4, vm0, $0xb8;
	[tilespmem:$0x12000] =	vst v63  }
0xa7: {  	s26 =	simm.s32 $0x11000  }
0xa8: {  	[tilespmem:s26], [sflag:$0x2] =	stream.indirect_vreg.gather [hbm4b:s1+s3], $0x80, v3, vm0, $0xb8;
	[tilespmem:$0x12000] =	vst v63  }
0xa9: {  	s26 =	simm.s32 $0x11800  }
0xaa: {  	[tilespmem:s26], [sflag:$0x2] =	stream.indirect_vreg.gather [hbm4b:s5+s3], $0x80, v3, vm0, $0xb8;
	[tilespmem:$0x12000] =	vst v63  }
0xab: {  	_ =	swait.ge [sflag:s23], $0x2000  }
0xac: {  	[sflag:s23] =	ssyncset.done $0x0  }
0xad: {  	[sflag:s23] =	ssyncadd.s32 $0xFFFFE000  }
0xae: {  	_ =	swait.ge [sflag:s23], $0x2000  }
0xaf: {  	[sflag:s23] =	ssyncset.done $0x0  }
0xb0: {  	[sflag:s23] =	ssyncadd.s32 $0xFFFFE000  }
0xb1: {  	_ =	swait.ge [sflag:s23], $0x2000  }
0xb2: {  	[sflag:s23] =	ssyncset.done $0x0  }
0xb3: {  	[sflag:s23] =	ssyncadd.s32 $0xFFFFE000  }
0xb4: {  	_ =	swait.ge [sflag:s23], $0x2000  }
0xb5: {  	[sflag:s23] =	ssyncset.done $0x0  }
0xb6: {  	s26 =	rddreg [dreg:$0xa];
	[sflag:s23] =	ssyncadd.s32 $0xFFFFE000  }
0xb7: {  	[hbm4b:s26+s3] =	stream.linear.scatter [tilespmem:s2], [sflag:$0x4], $0x8000, $0x38;
	[tilespmem:$0x12000] =	vst v63  }
0xb8: {  	_ =	swait.ge [sflag:s24], $0x8000  }
0xb9: {  	[sflag:s24] =	ssyncset.done $0x0  }
0xba: {  	s26 =	rddreg [dreg:$0x13];
	[sflag:s24] =	ssyncadd.s32 $0xFFFF8000  }
0xbb: {  	v3 =	vld [tilespmem:s26+$0x0];
	_ =	sdelay $0x4  }
0xbc: {  	v56 =	vshll.u32 v3, $0x2  }
0xbd: {  	v3 =	vand.u32 $0x7, v3;
	v4 =	vand.u32 $0xFFFFFFE0, v56  }
0xbe: {  	v3 =	vor.u32 v3, v4  }
0xbf: {  	v4 =	vperm.xlane v3, v0;
	_ =	sdelay $0x1  }
0xc0: {  	v4 =	vadd.s32 v1, v4;
	_ =	sdelay $0x1  }
0xc1: {  	v3 =	vperm.xlane v3, v2;
	_ =	sdelay $0x1  }
0xc2: {  	v3 =	vadd.s32 v1, v3  }
0xc3: {  	[tilespmem:s29], [sflag:$0x1] =	stream.indirect_vreg.gather [hbm4b:s1+s3], $0x80, v4, vm0, $0xb8;
	[tilespmem:$0x12000] =	vst v63  }
0xc4: {  	_ = 	snop  }
0xc5: {  	[tilespmem:s30], [sflag:$0x1] =	stream.indirect_vreg.gather [hbm4b:s5+s3], $0x80, v4, vm0, $0xb8;
	[tilespmem:$0x12000] =	vst v63  }
0xc6: {  	_ = 	snop  }
0xc7: {  	[tilespmem:s31], [sflag:$0x1] =	stream.indirect_vreg.gather [hbm4b:s1+s3], $0x80, v3, vm0, $0xb8;
	[tilespmem:$0x12000] =	vst v63  }
0xc8: {  	_ = 	snop  }
0xc9: {  	[tilespmem:s0], [sflag:$0x1] =	stream.indirect_vreg.gather [hbm4b:s5+s3], $0x80, v3, vm0, $0xb8;
	[tilespmem:$0x12000] =	vst v63  }
0xca: {  	v3 =	vld [tilespmem:s26+$0x80];
	_ =	sdelay $0x4  }
0xcb: {  	v57 =	vshll.u32 v3, $0x2  }
0xcc: {  	v3 =	vand.u32 $0x7, v3;
	v4 =	vand.u32 $0xFFFFFFE0, v57  }
0xcd: {  	v3 =	vor.u32 v3, v4  }
0xce: {  	v4 =	vperm.xlane v3, v0;
	_ =	sdelay $0x1  }
0xcf: {  	v4 =	vadd.s32 v1, v4;
	_ =	sdelay $0x1  }
0xd0: {  	v3 =	vperm.xlane v3, v2;
	_ =	sdelay $0x1  }
0xd1: {  	v3 =	vadd.s32 v1, v3  }
0xd2: {  	[tilespmem:s4], [sflag:$0x1] =	stream.indirect_vreg.gather [hbm4b:s1+s3], $0x80, v4, vm0, $0xb8;
	[tilespmem:$0x12000] =	vst v63  }
0xd3: {  	_ = 	snop  }
0xd4: {  	[tilespmem:s12], [sflag:$0x1] =	stream.indirect_vreg.gather [hbm4b:s5+s3], $0x80, v4, vm0, $0xb8;
	[tilespmem:$0x12000] =	vst v63  }
0xd5: {  	_ = 	snop  }
0xd6: {  	[tilespmem:s13], [sflag:$0x1] =	stream.indirect_vreg.gather [hbm4b:s1+s3], $0x80, v3, vm0, $0xb8;
	[tilespmem:$0x12000] =	vst v63  }
0xd7: {  	s4 =	rddreg [dreg:$0xb]  }
0xd8: {  	[tilespmem:s14], [sflag:$0x1] =	stream.indirect_vreg.gather [hbm4b:s5+s3], $0x80, v3, vm0, $0xb8;
	[tilespmem:$0x12000] =	vst v63  }
0xd9: {  	v3 =	vld [tilespmem:s4+$0x0];
	_ =	sdelay $0x4  }
0xda: {  	v58 =	vshll.u32 v3, $0x2  }
0xdb: {  	v3 =	vand.u32 $0x7, v3;
	v4 =	vand.u32 $0xFFFFFFE0, v58  }
0xdc: {  	v3 =	vor.u32 v3, v4  }
0xdd: {  	v4 =	vperm.xlane v3, v0;
	_ =	sdelay $0x1  }
0xde: {  	v4 =	vadd.s32 v1, v4;
	_ =	sdelay $0x1  }
0xdf: {  	v3 =	vperm.xlane v3, v2;
	_ =	sdelay $0x1  }
0xe0: {  	v3 =	vadd.s32 v1, v3  }
0xe1: {  	[tilespmem:s15], [sflag:$0x1] =	stream.indirect_vreg.gather [hbm4b:s1+s3], $0x80, v4, vm0, $0xb8;
	[tilespmem:$0x12000] =	vst v63  }
0xe2: {  	_ = 	snop  }
0xe3: {  	[tilespmem:s16], [sflag:$0x1] =	stream.indirect_vreg.gather [hbm4b:s5+s3], $0x80, v4, vm0, $0xb8;
	[tilespmem:$0x12000] =	vst v63  }
0xe4: {  	_ = 	snop  }
0xe5: {  	[tilespmem:s17], [sflag:$0x1] =	stream.indirect_vreg.gather [hbm4b:s1+s3], $0x80, v3, vm0, $0xb8;
	[tilespmem:$0x12000] =	vst v63  }
0xe6: {  	s0 =	rddreg [dreg:$0xc]  }
0xe7: {  	[tilespmem:s18], [sflag:$0x1] =	stream.indirect_vreg.gather [hbm4b:s5+s3], $0x80, v3, vm0, $0xb8;
	[tilespmem:$0x12000] =	vst v63  }
0xe8: {  	v3 =	vld [tilespmem:s0+$0x0];
	_ =	sdelay $0x4  }
0xe9: {  	v59 =	vshll.u32 v3, $0x2  }
0xea: {  	v3 =	vand.u32 $0x7, v3;
	v4 =	vand.u32 $0xFFFFFFE0, v59  }
0xeb: {  	v3 =	vor.u32 v3, v4  }
0xec: {  	v4 =	vperm.xlane v3, v0;
	_ =	sdelay $0x1  }
0xed: {  	v4 =	vadd.s32 v1, v4;
	_ =	sdelay $0x1  }
0xee: {  	v3 =	vperm.xlane v3, v2;
	_ =	sdelay $0x1  }
0xef: {  	v3 =	vadd.s32 v1, v3  }
0xf0: {  	[tilespmem:s19], [sflag:$0x1] =	stream.indirect_vreg.gather [hbm4b:s1+s3], $0x80, v4, vm0, $0xb8;
	[tilespmem:$0x12000] =	vst v63  }
0xf1: {  	_ = 	snop  }
0xf2: {  	[tilespmem:s20], [sflag:$0x1] =	stream.indirect_vreg.gather [hbm4b:s5+s3], $0x80, v4, vm0, $0xb8;
	[tilespmem:$0x12000] =	vst v63  }
0xf3: {  	_ = 	snop  }
0xf4: {  	[tilespmem:s21], [sflag:$0x1] =	stream.indirect_vreg.gather [hbm4b:s1+s3], $0x80, v3, vm0, $0xb8;
	[tilespmem:$0x12000] =	vst v63  }
0xf5: {  	_ = 	snop  }
0xf6: {  	[tilespmem:s22], [sflag:$0x1] =	stream.indirect_vreg.gather [hbm4b:s5+s3], $0x80, v3, vm0, $0xb8;
	[tilespmem:$0x12000] =	vst v63  }
0xf7: {  	_ =	swait.ge [sflag:s28], $0x2000  }
0xf8: {  	[sflag:s28] =	ssyncset.done $0x0  }
0xf9: {  	[sflag:s28] =	ssyncadd.s32 $0xFFFFE000  }
0xfa: {  	_ =	swait.ge [sflag:s28], $0x2000  }
0xfb: {  	[sflag:s28] =	ssyncset.done $0x0  }
0xfc: {  	[sflag:s28] =	ssyncadd.s32 $0xFFFFE000  }
0xfd: {  	_ =	swait.ge [sflag:s28], $0x2000  }
0xfe: {  	[sflag:s28] =	ssyncset.done $0x0  }
0xff: {  	[sflag:s28] =	ssyncadd.s32 $0xFFFFE000  }
0x100: {  	_ =	swait.ge [sflag:s28], $0x2000  }
0x101: {  	[sflag:s28] =	ssyncset.done $0x0  }
0x102: {  	s4 =	rddreg [dreg:$0xd];
	[sflag:s28] =	ssyncadd.s32 $0xFFFFE000  }
0x103: {  	[hbm4b:s4+s3] =	stream.linear.scatter [tilespmem:s29], [sflag:$0x3], $0x8000, $0x38;
	[tilespmem:$0x12000] =	vst v63  }
0x104: {  	_ =	swait.ge [sflag:s25], $0x8000  }
0x105: {  	[sflag:s25] =	ssyncset.done $0x0  }
0x106: {  	s0 =	rddreg [dreg:$0x14];
	[sflag:s25] =	ssyncadd.s32 $0xFFFF8000  }
0x107: {  	v3 =	vld [tilespmem:s0+$0x0];
	_ =	sdelay $0x4  }
0x108: {  	v60 =	vshll.u32 v3, $0x2  }
0x109: {  	v3 =	vand.u32 $0x7, v3;
	v4 =	vand.u32 $0xFFFFFFE0, v60  }
0x10a: {  	v3 =	vor.u32 v3, v4  }
0x10b: {  	v4 =	vperm.xlane v3, v0;
	_ =	sdelay $0x1  }
0x10c: {  	v4 =	vadd.s32 v1, v4;
	_ =	sdelay $0x1  }
0x10d: {  	v3 =	vperm.xlane v3, v2;
	_ =	sdelay $0x1  }
0x10e: {  	v3 =	vadd.s32 v1, v3  }
0x10f: {  	[tilespmem:s2], [sflag:$0x2] =	stream.indirect_vreg.gather [hbm4b:s1+s3], $0x80, v4, vm0, $0xb8;
	[tilespmem:$0x12000] =	vst v63  }
0x110: {  	_ = 	snop  }
0x111: {  	[tilespmem:s10], [sflag:$0x2] =	stream.indirect_vreg.gather [hbm4b:s5+s3], $0x80, v4, vm0, $0xb8;
	[tilespmem:$0x12000] =	vst v63  }
0x112: {  	s26 =	simm.s32 $0xE000  }
0x113: {  	[tilespmem:s26], [sflag:$0x2] =	stream.indirect_vreg.gather [hbm4b:s1+s3], $0x80, v3, vm0, $0xb8;
	[tilespmem:$0x12000] =	vst v63  }
0x114: {  	s26 =	simm.s32 $0xE800  }
0x115: {  	[tilespmem:s26], [sflag:$0x2] =	stream.indirect_vreg.gather [hbm4b:s5+s3], $0x80, v3, vm0, $0xb8;
	[tilespmem:$0x12000] =	vst v63  }
0x116: {  	v3 =	vld [tilespmem:s0+$0x80];
	_ =	sdelay $0x4  }
0x117: {  	v61 =	vshll.u32 v3, $0x2  }
0x118: {  	v3 =	vand.u32 $0x7, v3;
	v4 =	vand.u32 $0xFFFFFFE0, v61  }
0x119: {  	v3 =	vor.u32 v3, v4  }
0x11a: {  	v4 =	vperm.xlane v3, v0;
	_ =	sdelay $0x1  }
0x11b: {  	v4 =	vadd.s32 v1, v4;
	_ =	sdelay $0x1  }
0x11c: {  	v3 =	vperm.xlane v3, v2;
	_ =	sdelay $0x1  }
0x11d: {  	v3 =	vadd.s32 v1, v3  }
0x11e: {  	[tilespmem:s7], [sflag:$0x2] =	stream.indirect_vreg.gather [hbm4b:s1+s3], $0x80, v4, vm0, $0xb8;
	[tilespmem:$0x12000] =	vst v63  }
0x11f: {  	_ = 	snop  }
0x120: {  	[tilespmem:s8], [sflag:$0x2] =	stream.indirect_vreg.gather [hbm4b:s5+s3], $0x80, v4, vm0, $0xb8;
	[tilespmem:$0x12000] =	vst v63  }
0x121: {  	_ = 	snop  }
0x122: {  	[tilespmem:s11], [sflag:$0x2] =	stream.indirect_vreg.gather [hbm4b:s1+s3], $0x80, v3, vm0, $0xb8;
	[tilespmem:$0x12000] =	vst v63  }
0x123: {  	s4 =	simm.s32 $0xF800;
	s26 =	rddreg [dreg:$0xe]  }
0x124: {  	[tilespmem:s4], [sflag:$0x2] =	stream.indirect_vreg.gather [hbm4b:s5+s3], $0x80, v3, vm0, $0xb8;
	[tilespmem:$0x12000] =	vst v63  }
0x125: {  	v3 =	vld [tilespmem:s26+$0x0];
	_ =	sdelay $0x4  }
0x126: {  	v62 =	vshll.u32 v3, $0x2  }
0x127: {  	v3 =	vand.u32 $0x7, v3;
	v4 =	vand.u32 $0xFFFFFFE0, v62  }
0x128: {  	v3 =	vor.u32 v3, v4  }
0x129: {  	v4 =	vperm.xlane v3, v0;
	_ =	sdelay $0x1  }
0x12a: {  	v4 =	vadd.s32 v1, v4;
	_ =	sdelay $0x1  }
0x12b: {  	v3 =	vperm.xlane v3, v2;
	_ =	sdelay $0x1  }
0x12c: {  	s26 =	simm.s32 $0xC000;
	v3 =	vadd.s32 v1, v3  }
0x12d: {  	[tilespmem:s26], [sflag:$0x2] =	stream.indirect_vreg.gather [hbm4b:s1+s3], $0x80, v4, vm0, $0xb8;
	[tilespmem:$0x12000] =	vst v63  }
0x12e: {  	s4 =	simm.s32 $0xC800  }
0x12f: {  	[tilespmem:s4], [sflag:$0x2] =	stream.indirect_vreg.gather [hbm4b:s5+s3], $0x80, v4, vm0, $0xb8;
	[tilespmem:$0x12000] =	vst v63  }
0x130: {  	s26 =	simm.s32 $0x10000  }
0x131: {  	[tilespmem:s26], [sflag:$0x2] =	stream.indirect_vreg.gather [hbm4b:s1+s3], $0x80, v3, vm0, $0xb8;
	[tilespmem:$0x12000] =	vst v63  }
0x132: {  	s4 =	simm.s32 $0x10800;
	s26 =	rddreg [dreg:$0xf]  }
0x133: {  	[tilespmem:s4], [sflag:$0x2] =	stream.indirect_vreg.gather [hbm4b:s5+s3], $0x80, v3, vm0, $0xb8;
	[tilespmem:$0x12000] =	vst v63  }
0x134: {  	v3 =	vld [tilespmem:s26+$0x0];
	_ =	sdelay $0x4  }
0x135: {  	v63 =	vshll.u32 v3, $0x2  }
0x136: {  	v3 =	vand.u32 $0x7, v3;
	v4 =	vand.u32 $0xFFFFFFE0, v63  }
0x137: {  	v3 =	vor.u32 v3, v4  }
0x138: {  	v4 =	vperm.xlane v3, v0;
	_ =	sdelay $0x1  }
0x139: {  	v4 =	vadd.s32 v1, v4;
	_ =	sdelay $0x1  }
0x13a: {  	v3 =	vperm.xlane v3, v2;
	_ =	sdelay $0x1  }
0x13b: {  	v3 =	vadd.s32 v1, v3  }
0x13c: {  	[tilespmem:s6], [sflag:$0x2] =	stream.indirect_vreg.gather [hbm4b:s1+s3], $0x80, v4, vm0, $0xb8;
	[tilespmem:$0x12000] =	vst v63  }
0x13d: {  	s6 =	simm.s32 $0xD800  }
0x13e: {  	[tilespmem:s6], [sflag:$0x2] =	stream.indirect_vreg.gather [hbm4b:s5+s3], $0x80, v4, vm0, $0xb8;
	[tilespmem:$0x12000] =	vst v63  }
0x13f: {  	s26 =	simm.s32 $0x11000  }
0x140: {  	[tilespmem:s26], [sflag:$0x2] =	stream.indirect_vreg.gather [hbm4b:s1+s3], $0x80, v3, vm0, $0xb8;
	[tilespmem:$0x12000] =	vst v63  }
0x141: {  	s4 =	simm.s32 $0x11800  }
0x142: {  	[tilespmem:s4], [sflag:$0x2] =	stream.indirect_vreg.gather [hbm4b:s5+s3], $0x80, v3, vm0, $0xb8;
	[tilespmem:$0x12000] =	vst v63  }
0x143: {  	_ =	swait.ge [sflag:s23], $0x2000  }
0x144: {  	[sflag:s23] =	ssyncset.done $0x0  }
0x145: {  	[sflag:s23] =	ssyncadd.s32 $0xFFFFE000  }
0x146: {  	_ =	swait.ge [sflag:s23], $0x2000  }
0x147: {  	[sflag:s23] =	ssyncset.done $0x0  }
0x148: {  	[sflag:s23] =	ssyncadd.s32 $0xFFFFE000  }
0x149: {  	_ =	swait.ge [sflag:s23], $0x2000  }
0x14a: {  	[sflag:s23] =	ssyncset.done $0x0  }
0x14b: {  	[sflag:s23] =	ssyncadd.s32 $0xFFFFE000  }
0x14c: {  	_ =	swait.ge [sflag:s23], $0x2000  }
0x14d: {  	[sflag:s23] =	ssyncset.done $0x0  }
0x14e: {  	s6 =	rddreg [dreg:$0x10];
	[sflag:s23] =	ssyncadd.s32 $0xFFFFE000  }
0x14f: {  	[hbm4b:s6+s3] =	stream.linear.scatter [tilespmem:s2], [sflag:$0x4], $0x8000, $0x38;
	[tilespmem:$0x12000] =	vst v63  }
0x150: {  	p0 =	sne.s32 s9, $0x1;
	_ =	swait.ge [sflag:s24], $0x8000  }
.Ltmp0:
0x151: {  	[sflag:s24] =	ssyncset.done $0x0;
	(pc) =	sbr.rel @p0 .LBB2_1-.Ltmp0, $4  }
0x152: {  	[sflag:s24] =	ssyncadd.s32 $0xFFFF8000  }
0x153: {  	_ =	swait.ge [sflag:s25], $0x8000  }
0x154: {  	[sflag:s25] =	ssyncset.done $0x0  }
0x155: {  	s9 =	sadd.s32 $0xFFFFFFFF, s9;
	[sflag:s25] =	ssyncadd.s32 $0xFFFF8000  }
0x156: {  	_ =	sfence.sel $0x180000  }
0x157: {  	[bflag:$0x0] =	sbarrier.arrive $0xFFFF  }
0x158: {  	_ =	strace $0x90000047  }
0x159: {  	s0 =	stileid.u32;
	[bflag:$0x2] =	sbarrier.arrive $0xFFFF  }
0x15a: {  	p0 =	sne.s32 s0, $0x0;
	s0 =	rddreg [dreg:$0x3]  }
0x15b: {  	s0 =	sadd.s32 @!p0 $0x100000, s0  }
0x15c: {  	[sflag:s0] =	ssyncadd.tile.s32 @!p0 $0x1;
	_ =	shalt  }
.Lfunc_end2:
_tile_overlayer_lowered:
.L_overlay_start_2:
0x15d: {  	(tag) =	ssettag $0x2  }
0x15e: {  	s0 =	rddreg [dreg:$0x0];
	s2 =	stileid.u32  }
0x15f: {  	s1 =	rddreg [dreg:$0x1];
	p0 =	sne.s32 s2, $0x0  }
0x160: {  	s3 =	rddreg [dreg:$0x2];
	[bflag:$0x3] =	sbarrier.arrive $0xFFFF;
	s2 =	simm.s32 @!p0 $0x1C05  }
0x161: {  	[timem:s3], [sflag:s2] =	dma.local @!p0 [hbm:s0], s1  }
0x162: {  	s0 =	simm.s32 @!p0 $0x5  }
0x163: {  	_ =	swait.ge @!p0 [sflag:s0], s1  }
0x164: {  	s1 =	ssub.s32 @!p0 $0x0, s1;
	[sflag:s0] =	ssyncset.done @!p0 $0x0  }
0x165: {  	[sflag:s0] =	ssyncadd.s32 @!p0 s1  }
0x166: {  	[bflag:$0x3] =	sbarrier.arrive $0xFFFF  }
0x167: {  	_ =	shalt  }

// kernel: kernel.9.cloned.1.call-start
scs
__scs_entry_jumppad:
0x0: {  	(pc) =	sbr.rel $0x88, $3  }
0x1: {  	(tag) =	ssettag $0x0;
	lr =	simm.s32 $0x1  }
0x2: {  	[smem:$0x3F9F] =	sst lr;
	_ =	strace $0xD0000000  }
0x3: {  	_ = 	snop  }
0x4: {  	_ = 	snop  }
0x5: {  	_ = 	snop  }
0x6: {  	_ = 	snop  }
0x7: {  	_ = 	snop  }
__scs_overlays_trampoline_lowered:
0x8: {  	[smem:$0x3FAE] =	sst s0  }
0x9: {  	[smem:$0x3FAF] =	sst s1  }
0xa: {  	[smem:$0x3FB0] =	sst s2  }
0xb: {  	[smem:$0x3FB1] =	sst s3  }
0xc: {  	[smem:$0x3FB2] =	sst s4  }
0xd: {  	[smem:$0x3FB3] =	sst s5  }
0xe: {  	[smem:$0x3FB4] =	sst s6  }
0xf: {  	[smem:$0x3FB5] =	sst s7  }
0x10: {  	[smem:$0x3FB6] =	sst s8  }
0x11: {  	[smem:$0x3FB7] =	sst s9;
	s0 =	simm.s32 @!p0 $0x0  }
0x12: {  	s1 =	sld [smem:$0x3F9D];
	s0 =	simm.s32 @p0 $0x1  }
0x13: {  	[smem:$0x3FB8] =	sst s0;
	s0 =	simm.s32 @!p1 $0x0  }
0x14: {  	s2 =	sld [smem:$0x3F9C];
	s0 =	simm.s32 @p1 $0x1  }
0x15: {  	[smem:$0x3FB9] =	sst s0;
	s0 =	simm.s32 @!p2 $0x0  }
0x16: {  	s3 =	sld [smem:$0x3FDB];
	s0 =	simm.s32 @p2 $0x1  }
0x17: {  	s4 =	simm.s32 $0x1BF5;
	[smem:$0x3FBB] =	sst s0  }
0x18: {  	s0 =	sld [smem:$0x3F9E];
	_ =	swait.ge [sflag:s4], $0x0  }
0x19: {  	s7 =	sld [smem:$0x3F9F]  }
0x1a: {  	s8 =	sadd.s32 $0xFFFFE003, lr  }
0x1b: {  	s9 =	sadd.s32 $0xFFFFFEF7, lr;
	s5 =	simm.s32 $0xFFFFFFFF;
	p2 =	slt.u32 s8, $0xFFFFF086  }
0x1c: {  	p1 =	slt.u32 s9, $0xF7A;
	s5 =	simm.s32 @!p2 $0x0  }
0x1d: {  	s5 =	simm.s32 @p1 $0x1;
	p0 =	seq.s32 s7, s2  }
0x1e: {  	s7 =	smul.u32 @!p0 $0xF7A, s2;
	p2 =	seq.s32 @!p0 s5, $0x0  }
0x1f: {  	s9 =	smul.u32 $0xF7A, s1;
	s8 =	simm.s32 @!p0 $0x1BF5;
	p2 =	por !p2, p0  }
0x20: {  	[sflag:s8] =	ssyncset.s32 @!p0 $0xFFFFF086;
	s6 =	sadd.s32 @!p0 s3, s7;
	s7 =	simm.s32 @!p0 $0x108  }
0x21: {  	s3 =	sadd.s32 s3, s9;
	s6 =	sadd.s32 @!p0 $0x88, s6;
	s7 =	simm.s32 @p2 $0x1082  }
0x22: {  	[simem:s7], [sflag:s8] =	dma.local @!p0 [hbm:s6], $0xF7A  }
0x23: {  	s9 =	sor.u32 $0xD0000000, s2;
	s6 =	simm.s32 $0x108;
	_ =	swait.ge @!p0 [sflag:s8], $0x0  }
0x24: {  	s3 =	sadd.s32 $0x88, s3;
	s6 =	simm.s32 @!p1 $0x1082;
	[sflag:s4] =	ssyncset.s32 $0xFFFFF086  }
0x25: {  	[simem:s6], [sflag:s4] =	dma.local [hbm:s3], $0xF7A  }
0x26: {  	[smem:$0x3F9F] =	sst s1;
	(tag) =	ssettag s2;
	_ =	strace s9  }
0x27: {  	s1 =	sld [smem:$0x3FAF]  }
0x28: {  	s2 =	sld [smem:$0x3FB0]  }
0x29: {  	s4 =	sld [smem:$0x3FB2]  }
0x2a: {  	p0 =	seq.s32 s5, $0x0;
	s5 =	sld [smem:$0x3FB3]  }
0x2b: {  	s6 =	sld [smem:$0x3FB4]  }
0x2c: {  	s7 =	sld [smem:$0x3FB5]  }
0x2d: {  	s3 =	simm.s32 $0x108;
	s8 =	sld [smem:$0x3FB6]  }
0x2e: {  	s3 =	simm.s32 @!p0 $0x1082;
	s9 =	sld [smem:$0x3FB7]  }
0x2f: {  	lr =	sadd.s32 s0, s3;
	s0 =	sld [smem:$0x3FAE]  }
0x30: {  	s3 =	sld [smem:$0x3FB1]  }
0x31: {  	[smem:$0x3FBA] =	sst s10  }
0x32: {  	s10 =	sld [smem:$0x3FB8];
	_ =	sdelay $0x3  }
0x33: {  	p0 =	seq.s32 s10, $0x1;
	s10 =	sld [smem:$0x3FBA];
	_ =	sdelay $0x3  }
0x34: {  	[smem:$0x3FBA] =	sst s10  }
0x35: {  	s10 =	sld [smem:$0x3FB9];
	_ =	sdelay $0x3  }
0x36: {  	p1 =	seq.s32 s10, $0x1;
	s10 =	sld [smem:$0x3FBA];
	_ =	sdelay $0x3  }
0x37: {  	[smem:$0x3FBA] =	sst s10  }
0x38: {  	s10 =	sld [smem:$0x3FBB]  }
0x39: {  	_ = 	snop;
	(pc) =	sbr.ind lr, $3  }
0x3a: {  	_ = 	snop  }
0x3b: {  	_ = 	snop  }
0x3c: {  	p2 =	seq.s32 s10, $0x1;
	s10 =	sld [smem:$0x3FBA]  }
0x3d: {  	_ =	shalt  }
0x3e: {  	_ =	shalt  }
0x3f: {  	_ =	shalt  }
0x40: {  	_ =	shalt  }
0x41: {  	_ =	shalt  }
0x42: {  	_ =	shalt  }
0x43: {  	_ =	shalt  }
0x44: {  	_ =	shalt  }
0x45: {  	_ =	shalt  }
0x46: {  	_ =	shalt  }
0x47: {  	_ =	shalt  }
0x48: {  	_ =	shalt  }
0x49: {  	_ =	shalt  }
0x4a: {  	_ =	shalt  }
0x4b: {  	_ =	shalt  }
0x4c: {  	_ =	shalt  }
0x4d: {  	_ =	shalt  }
0x4e: {  	_ =	shalt  }
0x4f: {  	_ =	shalt  }
0x50: {  	_ =	shalt  }
0x51: {  	_ =	shalt  }
0x52: {  	_ =	shalt  }
0x53: {  	_ =	shalt  }
0x54: {  	_ =	shalt  }
0x55: {  	_ =	shalt  }
0x56: {  	_ =	shalt  }
0x57: {  	_ =	shalt  }
0x58: {  	_ =	shalt  }
0x59: {  	_ =	shalt  }
0x5a: {  	_ =	shalt  }
0x5b: {  	_ =	shalt  }
0x5c: {  	_ =	shalt  }
0x5d: {  	_ =	shalt  }
0x5e: {  	_ =	shalt  }
0x5f: {  	_ =	shalt  }
0x60: {  	_ =	shalt  }
0x61: {  	_ =	shalt  }
0x62: {  	_ =	shalt  }
0x63: {  	_ =	shalt  }
0x64: {  	_ =	shalt  }
0x65: {  	_ =	shalt  }
0x66: {  	_ =	shalt  }
0x67: {  	_ =	shalt  }
0x68: {  	_ =	shalt  }
0x69: {  	_ =	shalt  }
0x6a: {  	_ =	shalt  }
0x6b: {  	_ =	shalt  }
0x6c: {  	_ =	shalt  }
0x6d: {  	_ =	shalt  }
0x6e: {  	_ =	shalt  }
0x6f: {  	_ =	shalt  }
0x70: {  	_ =	shalt  }
0x71: {  	_ =	shalt  }
0x72: {  	_ =	shalt  }
0x73: {  	_ =	shalt  }
0x74: {  	_ =	shalt  }
0x75: {  	_ =	shalt  }
0x76: {  	_ =	shalt  }
0x77: {  	_ =	shalt  }
0x78: {  	_ =	shalt  }
0x79: {  	_ =	shalt  }
0x7a: {  	_ =	shalt  }
0x7b: {  	_ =	shalt  }
0x7c: {  	_ =	shalt  }
0x7d: {  	_ =	shalt  }
0x7e: {  	_ =	shalt  }
0x7f: {  	_ =	shalt  }
0x80: {  	_ =	shalt  }
0x81: {  	_ =	shalt  }
0x82: {  	_ =	shalt  }
0x83: {  	_ =	shalt  }
0x84: {  	_ =	shalt  }
0x85: {  	_ =	shalt  }
0x86: {  	_ =	shalt  }
0x87: {  	_ =	shalt  }
.Lfunc_end0:
.L_simem_size_0:
called_computation.1_lowered:
.L_overlay_start_0:
0x88: {  	s2 =	sld [smem:$0x3FD9]  }
0x89: {  	s3 =	sld [smem:$0x3FFE];
	_ =	sdelay $0x1  }
0x8a: {  	s1 =	srdreg.scid  }
0x8b: {  	s0 =	sand.u32 $0x1, s1  }
0x8c: {  	s17 =	sshll.u32 s0, $0xA;
	s2 =	sadd.s32 s3, s2  }
0x8d: {  	s2 =	sadd.s32 s2, s17  }
0x8e: {  	[smem:$0x3FC6] =	sst s2  }
0x8f: {  	_ = 	snop  }
0x90: {  	s2 =	sld [smem:$0x3FC8]  }
0x91: {  	s18 =	sld [smem:$0x3FD0];
	(tm) =	ssettm $0x1  }
0x92: {  	s4 =	sld [smem:$0x3FFB];
	_ =	sdelay $0x3  }
0x93: {  	_ =	strace s4  }
0x94: {  	s4 =	sld [smem:$0x3FFC];
	_ =	sdelay $0x3  }
0x95: {  	_ =	strace s4  }
0x96: {  	s4 =	sld [smem:$0x3FFD];
	_ =	sdelay $0x3  }
0x97: {  	_ =	strace s4  }
0x98: {  	_ =	strace $0x8FFFFFFF  }
0x99: {  	s19 =	sld [smem:$0x3FDB];
	_ =	sdelay $0x1  }
0x9a: {  	s5 =	simm.s32 $_scs_section_size  }
0x9b: {  	s6 =	simm.s32 $_size__tile_overlayer_lowered;
	s7 =	simm.s32 $_tile_overlayer_lowered  }
0x9c: {  	s22 =	simm.s32 $0x1BFF;
	s21 =	sshll.u32 s7, $0x1;
	s4 =	sadd.s32 s5, s19  }
0x9d: {  	s8 =	simm.s32 $0x0;
	s20 =	sshll.u32 s6, $0x1;
	s6 =	sadd.s32 s21, s4  }
0x9e: {  	[timem:s8], [sflag:s22] =	dma.local [hbm:s6], s20  }
0x9f: {  	_ =	swait.ge [sflag:s22], s20  }
0xa0: {  	s5 =	ssub.s32 $0x0, s20;
	[sflag:s22] =	ssyncset.done $0x0  }
0xa1: {  	[sflag:s22] =	ssyncadd.s32 s5;
	_ =	sdelay $0x1  }
0xa2: {  	s23 =	simm.s32 $0x1B8B  }
0xa3: {  	_ =	swait.ge [sflag:s23], $0x1  }
0xa4: {  	[sflag:s23] =	ssyncset.done $0x0  }
0xa5: {  	s25 =	simm.s32 $0x1B8E;
	s24 =	sld [smem:$0x3FFE];
	[sflag:s23] =	ssyncadd.s32 $0xFFFFFFFF  }
0xa6: {  	s26 =	simm.s32 $execute0_lowered;
	[smem:$0x3FD2] =	sst s25  }
0xa7: {  	s6 =	sshll.u32 s26, $0x1;
	_ =	strace $0x80000049;
	[dreg:$0x1] =	wrdreg $0xFFFFFFFF  }
0xa8: {  	s28 =	simm.s32 $_size_execute0_lowered;
	s4 =	sadd.s32 s4, s6;
	[dreg:$0x0] =	wrdreg $0x0  }
0xa9: {  	s6 =	sshll.u32 s28, $0x1;
	[dreg:$0x2] =	wrdreg s4  }
0xaa: {  	[dreg:$0x3] =	wrdreg s6  }
0xab: {  	[dreg:$0x4] =	wrdreg $0xC0  }
0xac: {  	_ =	task [dreg:s8], $0x5FFFF  }
0xad: {  	[dreg:$0x1] =	wrdreg $0xFFFFFFFF  }
0xae: {  	[dreg:$0x0] =	wrdreg $0x60  }
0xaf: {  	[dreg:$0x2] =	wrdreg s2  }
0xb0: {  	[dreg:$0x3] =	wrdreg s24  }
0xb1: {  	[dreg:$0x4] =	wrdreg s18  }
0xb2: {  	[dreg:$0x5] =	wrdreg $0x9  }
0xb3: {  	_ =	task.clear_ibuf [dreg:s8], $0x6FFFF;
	_ =	strace $0x90000049  }
0xb4: {  	s29 =	simm.s32 $0x9;
	_ =	strace $0x8000004B  }
0xb5: {  	_ =	swait.ge [sflag:s29], $0x1  }
0xb6: {  	[sflag:s29] =	ssyncadd.s32 $0xFFFFFFFF  }
0xb7: {  	_ =	strace $0x9000004B  }
0xb8: {  	_ =	sfence  }
0xb9: {  	s30 =	sld [smem:$0x0];
	_ =	sdelay $0x2  }
0xba: {  	s31 =	sshll.u32 s1, $0xD;
	s1 =	sshrl.u32 s1, $0x2  }
0xbb: {  	s3 =	sand.u32 $0x4000, s31;
	s1 =	sadd.s32 s1, s30  }
0xbc: {  	s0 =	sor.u32 s3, s0;
	s1 =	sshll.u32 s1, $0x11  }
0xbd: {  	s0 =	sor.u32 s1, s0  }
0xbe: {  	s0 =	sadd.s32 $0x8F2B, s0  }
0xbf: {  	[sflag:s0] =	ssyncadd.remote.s32 $0x1  }
0xc0: {  	_ =	sfence.sel $0xFFFF  }
0xc1: {  	[dreg:$0x0] =	wrdreg $0xFFFFFFFF;
	(pc) =	sbr.abs _section_cstart, $3  }
0xc2: {  	[dreg:$0x1] =	wrdreg $0xFFFFFFFF  }
0xc3: {  	_ =	task.clear_ibuf [dreg:s8], $0x2FFFF;
	_ =	strace $0x9FFFFFFF  }
0xc4: {  	(tm) =	ssettm $0x7FFFFFFF  }
0xc5: {  	_ =	shalt  }
tec
execute0_lowered:
.L_overlay_start_1:
0x0: {  	(tag) =	ssettag $0x1  }
0x1: {  	s1 =	rddreg [dreg:$0x0]  }
0x2: {  	s0 =	rddreg [dreg:$0x1]  }
0x3: {  	s2 =	rddreg [dreg:$0x2]  }
0x4: {  	s3 =	srdreg.scid;
	s5 =	stileid.u32;
	s28 =	simm.s32 $0x1  }
0x5: {  	s29 =	simm.s32 $0x2000;
	s4 =	sand.u32 $0x1, s3;
	s3 =	simm.s32 $0x0  }
0x6: {  	s5 =	sshll.u32 s5, $0x7;
	s0 =	sadd.s32 $0x1000, s0;
	s6 =	sshll.u32 s4, $0x6  }
0x7: {  	[smem:$0x7FF] =	sst s3;
	s4 =	ssub.s32 $0x2, s4;
	s5 =	sor.u32 s6, s5  }
0x8: {  	_ =	strace $0x8000004A;
	s8 =	sshrl.u32 s4, $0x1;
	s7 =	sshll.u32 s5, $0x2  }
0x9: {  	[dreg:$0x4] =	wrdreg s0;
	s26 =	sor.u32 $0x10, s6;
	s9 =	sor.u32 s6, s7  }
0xa: {  	s0 =	ssub.s32 s4, s8;
	s24 =	sshll.u32 s5, $0x8;
	s23 =	sor.u32 $0x100, s9  }
0xb: {  	s8 =	sand.u32 $0x1E00, s7;
	s25 =	sor.u32 $0x180, s9;
	[dreg:$0x5] =	wrdreg s23  }
0xc: {  	s2 =	sadd.s32 s24, s2;
	s14 =	sor.u32 s6, s8;
	[dreg:$0x6] =	wrdreg s25  }
0xd: {  	s10 =	sor.u32 s26, s7;
	s13 =	sadd.s32 $0x80000, s2;
	[dreg:$0x11] =	wrdreg s14  }
0xe: {  	s30 =	simm.s32 $0x2800;
	s15 =	sor.u32 $0x100, s10;
	[dreg:$0x7] =	wrdreg s13  }
0xf: {  	s17 =	sor.u32 $0x20, s6;
	s16 =	sor.u32 $0x180, s10;
	[dreg:$0x8] =	wrdreg s15  }
0x10: {  	s12 =	sor.u32 s17, s7;
	s11 =	sadd.s32 $0x81000, s2;
	[dreg:$0x9] =	wrdreg s16  }
0x11: {  	s31 =	simm.s32 $0x6000;
	s18 =	sor.u32 $0x100, s12;
	[dreg:$0xa] =	wrdreg s11  }
0x12: {  	s20 =	sor.u32 $0x30, s6;
	s19 =	sor.u32 $0x180, s12;
	[dreg:$0xb] =	wrdreg s18  }
0x13: {  	s5 =	sadd.s32 $0x100, s1;
	s22 =	sor.u32 s26, s8;
	[dreg:$0xc] =	wrdreg s19  }
0x14: {  	s21 =	sadd.s32 $0x82000, s2;
	s24 =	sor.u32 s17, s8;
	[dreg:$0x12] =	wrdreg s22  }
0x15: {  	s26 =	sor.u32 s20, s8;
	s2 =	sadd.s32 $0x83000, s2;
	[dreg:$0xd] =	wrdreg s21  }
0x16: {  	s9 =	smax.u32 s0, $0x1;
	s12 =	simm.s32 $0x3800;
	[dreg:$0x13] =	wrdreg s24  }
0x17: {  	s17 =	simm.s32 $0x8000;
	s10 =	simm.s32 $0xA800;
	[dreg:$0x14] =	wrdreg s26  }
0x18: {  	s8 =	simm.s32 $0xB800;
	s13 =	sor.u32 s20, s7;
	[dreg:$0x10] =	wrdreg s2  }
0x19: {  	s24 =	simm.s32 $0x3;
	s14 =	simm.s32 $0x7800;
	s15 =	simm.s32 $0x4000  }
0x1a: {  	s16 =	simm.s32 $0x4800;
	s18 =	simm.s32 $0x8800;
	s19 =	simm.s32 $0x5000  }
0x1b: {  	s20 =	simm.s32 $0x5800;
	s21 =	simm.s32 $0x9000;
	s22 =	simm.s32 $0x9800  }
0x1c: {  	v2 =	vlaneseq.u32;
	s7 =	simm.s32 $0xB000;
	s11 =	simm.s32 $0xF000;
	s23 =	sor.u32 $0x100, s13  }
0x1d: {  	vm0 =	vmmov $0xffff;
	v1 =	vshrl.u32 v2, $0x3;
	s25 =	sor.u32 $0x180, s13;
	s13 =	simm.s32 $0x7000;
	[dreg:$0xe] =	wrdreg s23  }
0x1e: {  	v0 =	vand.u32 $0x7, v2;
	v2 =	vor.u32 $0x8, v2;
	v1 =	vmul.u32 $0x8, v1;
	[dreg:$0xf] =	wrdreg s25;
	s23 =	simm.s32 $0x2;
	s25 =	simm.s32 $0x4  }
.LBB2_1:
0x1f: {  	s26 =	rddreg [dreg:$0x4];
	s0 =	simm.s32 $0x5  }
0x20: {  	[tilespmem:s3], [sflag:$0x5] =	stream.linear.gather [hbm4b:s26+s3], $0x2000, $0x38;
	[tilespmem:$0x12000] =	vst v63  }
0x21: {  	_ =	swait.ge [sflag:s0], $0x2000  }
0x22: {  	[sflag:s0] =	ssyncset.done $0x0  }
0x23: {  	s2 =	rddreg [dreg:$0x11];
	[sflag:s0] =	ssyncadd.s32 $0xFFFFE000  }
0x24: {  	v3 =	vld [tilespmem:s2+$0x0];
	_ =	sdelay $0x4  }
0x25: {  	v4 =	vshll.u32 v3, $0x2  }
0x26: {  	v3 =	vand.u32 $0x7, v3;
	v4 =	vand.u32 $0xFFFFFFE0, v4  }
0x27: {  	v3 =	vor.u32 v3, v4  }
0x28: {  	v4 =	vperm.xlane v3, v0;
	_ =	sdelay $0x1  }
0x29: {  	v4 =	vadd.s32 v1, v4;
	_ =	sdelay $0x1  }
0x2a: {  	v3 =	vperm.xlane v3, v2;
	_ =	sdelay $0x1  }
0x2b: {  	v3 =	vadd.s32 v1, v3  }
0x2c: {  	[tilespmem:s29], [sflag:$0x1] =	stream.indirect_vreg.gather [hbm4b:s1+s3], $0x80, v4, vm0, $0xb8;
	[tilespmem:$0x12000] =	vst v63  }
0x2d: {  	_ = 	snop  }
0x2e: {  	[tilespmem:s30], [sflag:$0x1] =	stream.indirect_vreg.gather [hbm4b:s5+s3], $0x80, v4, vm0, $0xb8;
	[tilespmem:$0x12000] =	vst v63  }
0x2f: {  	_ = 	snop  }
0x30: {  	[tilespmem:s31], [sflag:$0x1] =	stream.indirect_vreg.gather [hbm4b:s1+s3], $0x80, v3, vm0, $0xb8;
	[tilespmem:$0x12000] =	vst v63  }
0x31: {  	s0 =	simm.s32 $0x6800  }
0x32: {  	[tilespmem:s0], [sflag:$0x1] =	stream.indirect_vreg.gather [hbm4b:s5+s3], $0x80, v3, vm0, $0xb8;
	[tilespmem:$0x12000] =	vst v63  }
0x33: {  	v3 =	vld [tilespmem:s2+$0x80];
	_ =	sdelay $0x4  }
0x34: {  	v49 =	vshll.u32 v3, $0x2  }
0x35: {  	v3 =	vand.u32 $0x7, v3;
	v4 =	vand.u32 $0xFFFFFFE0, v49  }
0x36: {  	v3 =	vor.u32 v3, v4  }
0x37: {  	v4 =	vperm.xlane v3, v0;
	_ =	sdelay $0x1  }
0x38: {  	v4 =	vadd.s32 v1, v4;
	_ =	sdelay $0x1  }
0x39: {  	v3 =	vperm.xlane v3, v2;
	_ =	sdelay $0x1  }
0x3a: {  	s4 =	simm.s32 $0x3000;
	v3 =	vadd.s32 v1, v3  }
0x3b: {  	[tilespmem:s4], [sflag:$0x1] =	stream.indirect_vreg.gather [hbm4b:s1+s3], $0x80, v4, vm0, $0xb8;
	[tilespmem:$0x12000] =	vst v63  }
0x3c: {  	_ = 	snop  }
0x3d: {  	[tilespmem:s12], [sflag:$0x1] =	stream.indirect_vreg.gather [hbm4b:s5+s3], $0x80, v4, vm0, $0xb8;
	[tilespmem:$0x12000] =	vst v63  }
0x3e: {  	_ = 	snop  }
0x3f: {  	[tilespmem:s13], [sflag:$0x1] =	stream.indirect_vreg.gather [hbm4b:s1+s3], $0x80, v3, vm0, $0xb8;
	[tilespmem:$0x12000] =	vst v63  }
0x40: {  	s6 =	rddreg [dreg:$0x5]  }
0x41: {  	[tilespmem:s14], [sflag:$0x1] =	stream.indirect_vreg.gather [hbm4b:s5+s3], $0x80, v3, vm0, $0xb8;
	[tilespmem:$0x12000] =	vst v63  }
0x42: {  	v3 =	vld [tilespmem:s6+$0x0];
	_ =	sdelay $0x4  }
0x43: {  	v50 =	vshll.u32 v3, $0x2  }
0x44: {  	v3 =	vand.u32 $0x7, v3;
	v4 =	vand.u32 $0xFFFFFFE0, v50  }
0x45: {  	v3 =	vor.u32 v3, v4  }
0x46: {  	v4 =	vperm.xlane v3, v0;
	_ =	sdelay $0x1  }
0x47: {  	v4 =	vadd.s32 v1, v4;
	_ =	sdelay $0x1  }
0x48: {  	v3 =	vperm.xlane v3, v2;
	_ =	sdelay $0x1  }
0x49: {  	v3 =	vadd.s32 v1, v3  }
0x4a: {  	[tilespmem:s15], [sflag:$0x1] =	stream.indirect_vreg.gather [hbm4b:s1+s3], $0x80, v4, vm0, $0xb8;
	[tilespmem:$0x12000] =	vst v63  }
0x4b: {  	_ = 	snop  }
0x4c: {  	[tilespmem:s16], [sflag:$0x1] =	stream.indirect_vreg.gather [hbm4b:s5+s3], $0x80, v4, vm0, $0xb8;
	[tilespmem:$0x12000] =	vst v63  }
0x4d: {  	_ = 	snop  }
0x4e: {  	[tilespmem:s17], [sflag:$0x1] =	stream.indirect_vreg.gather [hbm4b:s1+s3], $0x80, v3, vm0, $0xb8;
	[tilespmem:$0x12000] =	vst v63  }
0x4f: {  	s2 =	rddreg [dreg:$0x6]  }
0x50: {  	[tilespmem:s18], [sflag:$0x1] =	stream.indirect_vreg.gather [hbm4b:s5+s3], $0x80, v3, vm0, $0xb8;
	[tilespmem:$0x12000] =	vst v63  }
0x51: {  	v3 =	vld [tilespmem:s2+$0x0];
	_ =	sdelay $0x4  }
0x52: {  	v51 =	vshll.u32 v3, $0x2  }
0x53: {  	v3 =	vand.u32 $0x7, v3;
	v4 =	vand.u32 $0xFFFFFFE0, v51  }
0x54: {  	v3 =	vor.u32 v3, v4  }
0x55: {  	v4 =	vperm.xlane v3, v0;
	_ =	sdelay $0x1  }
0x56: {  	v4 =	vadd.s32 v1, v4;
	_ =	sdelay $0x1  }
0x57: {  	v3 =	vperm.xlane v3, v2;
	_ =	sdelay $0x1  }
0x58: {  	v3 =	vadd.s32 v1, v3  }
0x59: {  	[tilespmem:s19], [sflag:$0x1] =	stream.indirect_vreg.gather [hbm4b:s1+s3], $0x80, v4, vm0, $0xb8;
	[tilespmem:$0x12000] =	vst v63  }
0x5a: {  	_ = 	snop  }
0x5b: {  	[tilespmem:s20], [sflag:$0x1] =	stream.indirect_vreg.gather [hbm4b:s5+s3], $0x80, v4, vm0, $0xb8;
	[tilespmem:$0x12000] =	vst v63  }
0x5c: {  	_ = 	snop  }
0x5d: {  	[tilespmem:s21], [sflag:$0x1] =	stream.indirect_vreg.gather [hbm4b:s1+s3], $0x80, v3, vm0, $0xb8;
	[tilespmem:$0x12000] =	vst v63  }
0x5e: {  	_ = 	snop  }
0x5f: {  	[tilespmem:s22], [sflag:$0x1] =	stream.indirect_vreg.gather [hbm4b:s5+s3], $0x80, v3, vm0, $0xb8;
	[tilespmem:$0x12000] =	vst v63  }
0x60: {  	_ =	swait.ge [sflag:s28], $0x2000  }
0x61: {  	[sflag:s28] =	ssyncset.done $0x0  }
0x62: {  	[sflag:s28] =	ssyncadd.s32 $0xFFFFE000  }
0x63: {  	_ =	swait.ge [sflag:s28], $0x2000  }
0x64: {  	[sflag:s28] =	ssyncset.done $0x0  }
0x65: {  	[sflag:s28] =	ssyncadd.s32 $0xFFFFE000  }
0x66: {  	_ =	swait.ge [sflag:s28], $0x2000  }
0x67: {  	[sflag:s28] =	ssyncset.done $0x0  }
0x68: {  	[sflag:s28] =	ssyncadd.s32 $0xFFFFE000  }
0x69: {  	_ =	swait.ge [sflag:s28], $0x2000  }
0x6a: {  	s6 =	rddreg [dreg:$0x7];
	[sflag:s28] =	ssyncset.done $0x0  }
0x6b: {  	s26 =	rddreg [dreg:$0x12];
	[sflag:s28] =	ssyncadd.s32 $0xFFFFE000  }
0x6c: {  	[hbm4b:s6+s3] =	stream.linear.scatter [tilespmem:s29], [sflag:$0x3], $0x8000, $0x38;
	[tilespmem:$0x12000] =	vst v63  }
0x6d: {  	v3 =	vld [tilespmem:s26+$0x0];
	_ =	sdelay $0x4  }
0x6e: {  	v52 =	vshll.u32 v3, $0x2  }
0x6f: {  	v3 =	vand.u32 $0x7, v3;
	v4 =	vand.u32 $0xFFFFFFE0, v52  }
0x70: {  	v3 =	vor.u32 v3, v4  }
0x71: {  	v4 =	vperm.xlane v3, v0;
	_ =	sdelay $0x1  }
0x72: {  	v4 =	vadd.s32 v1, v4;
	_ =	sdelay $0x1  }
0x73: {  	v3 =	vperm.xlane v3, v2;
	_ =	sdelay $0x1  }
0x74: {  	s2 =	simm.s32 $0xA000;
	v3 =	vadd.s32 v1, v3  }
0x75: {  	[tilespmem:s2], [sflag:$0x2] =	stream.indirect_vreg.gather [hbm4b:s1+s3], $0x80, v4, vm0, $0xb8;
	[tilespmem:$0x12000] =	vst v63  }
0x76: {  	_ = 	snop  }
0x77: {  	[tilespmem:s10], [sflag:$0x2] =	stream.indirect_vreg.gather [hbm4b:s5+s3], $0x80, v4, vm0, $0xb8;
	[tilespmem:$0x12000] =	vst v63  }
0x78: {  	s6 =	simm.s32 $0xE000  }
0x79: {  	[tilespmem:s6], [sflag:$0x2] =	stream.indirect_vreg.gather [hbm4b:s1+s3], $0x80, v3, vm0, $0xb8;
	[tilespmem:$0x12000] =	vst v63  }
0x7a: {  	s6 =	simm.s32 $0xE800  }
0x7b: {  	[tilespmem:s6], [sflag:$0x2] =	stream.indirect_vreg.gather [hbm4b:s5+s3], $0x80, v3, vm0, $0xb8;
	[tilespmem:$0x12000] =	vst v63  }
0x7c: {  	v3 =	vld [tilespmem:s26+$0x80];
	_ =	sdelay $0x4  }
0x7d: {  	v53 =	vshll.u32 v3, $0x2  }
0x7e: {  	v3 =	vand.u32 $0x7, v3;
	v4 =	vand.u32 $0xFFFFFFE0, v53  }
0x7f: {  	v3 =	vor.u32 v3, v4  }
0x80: {  	v4 =	vperm.xlane v3, v0;
	_ =	sdelay $0x1  }
0x81: {  	v4 =	vadd.s32 v1, v4;
	_ =	sdelay $0x1  }
0x82: {  	v3 =	vperm.xlane v3, v2;
	_ =	sdelay $0x1  }
0x83: {  	v3 =	vadd.s32 v1, v3  }
0x84: {  	[tilespmem:s7], [sflag:$0x2] =	stream.indirect_vreg.gather [hbm4b:s1+s3], $0x80, v4, vm0, $0xb8;
	[tilespmem:$0x12000] =	vst v63  }
0x85: {  	_ = 	snop  }
0x86: {  	[tilespmem:s8], [sflag:$0x2] =	stream.indirect_vreg.gather [hbm4b:s5+s3], $0x80, v4, vm0, $0xb8;
	[tilespmem:$0x12000] =	vst v63  }
0x87: {  	_ = 	snop  }
0x88: {  	[tilespmem:s11], [sflag:$0x2] =	stream.indirect_vreg.gather [hbm4b:s1+s3], $0x80, v3, vm0, $0xb8;
	[tilespmem:$0x12000] =	vst v63  }
0x89: {  	s6 =	simm.s32 $0xF800;
	s26 =	rddreg [dreg:$0x8]  }
0x8a: {  	[tilespmem:s6], [sflag:$0x2] =	stream.indirect_vreg.gather [hbm4b:s5+s3], $0x80, v3, vm0, $0xb8;
	[tilespmem:$0x12000] =	vst v63  }
0x8b: {  	v3 =	vld [tilespmem:s26+$0x0];
	_ =	sdelay $0x4  }
0x8c: {  	v54 =	vshll.u32 v3, $0x2  }
0x8d: {  	v3 =	vand.u32 $0x7, v3;
	v4 =	vand.u32 $0xFFFFFFE0, v54  }
0x8e: {  	v3 =	vor.u32 v3, v4  }
0x8f: {  	v4 =	vperm.xlane v3, v0;
	_ =	sdelay $0x1  }
0x90: {  	v4 =	vadd.s32 v1, v4;
	_ =	sdelay $0x1  }
0x91: {  	v3 =	vperm.xlane v3, v2;
	_ =	sdelay $0x1  }
0x92: {  	s26 =	simm.s32 $0xC000;
	v3 =	vadd.s32 v1, v3  }
0x93: {  	[tilespmem:s26], [sflag:$0x2] =	stream.indirect_vreg.gather [hbm4b:s1+s3], $0x80, v4, vm0, $0xb8;
	[tilespmem:$0x12000] =	vst v63  }
0x94: {  	s6 =	simm.s32 $0xC800  }
0x95: {  	[tilespmem:s6], [sflag:$0x2] =	stream.indirect_vreg.gather [hbm4b:s5+s3], $0x80, v4, vm0, $0xb8;
	[tilespmem:$0x12000] =	vst v63  }
0x96: {  	s6 =	simm.s32 $0x10000  }
0x97: {  	[tilespmem:s6], [sflag:$0x2] =	stream.indirect_vreg.gather [hbm4b:s1+s3], $0x80, v3, vm0, $0xb8;
	[tilespmem:$0x12000] =	vst v63  }
0x98: {  	s26 =	rddreg [dreg:$0x9];
	s6 =	simm.s32 $0x10800  }
0x99: {  	[tilespmem:s6], [sflag:$0x2] =	stream.indirect_vreg.gather [hbm4b:s5+s3], $0x80, v3, vm0, $0xb8;
	[tilespmem:$0x12000] =	vst v63  }
0x9a: {  	v3 =	vld [tilespmem:s26+$0x0];
	_ =	sdelay $0x4  }
0x9b: {  	v55 =	vshll.u32 v3, $0x2  }
0x9c: {  	v3 =	vand.u32 $0x7, v3;
	v4 =	vand.u32 $0xFFFFFFE0, v55  }
0x9d: {  	v3 =	vor.u32 v3, v4  }
0x9e: {  	v4 =	vperm.xlane v3, v0;
	_ =	sdelay $0x1  }
0x9f: {  	v4 =	vadd.s32 v1, v4;
	_ =	sdelay $0x1  }
0xa0: {  	v3 =	vperm.xlane v3, v2;
	_ =	sdelay $0x1  }
0xa1: {  	s6 =	simm.s32 $0xD000;
	v3 =	vadd.s32 v1, v3  }
0xa2: {  	[tilespmem:s6], [sflag:$0x2] =	stream.indirect_vreg.gather [hbm4b:s1+s3], $0x80, v4, vm0, $0xb8;
	[tilespmem:$0x12000] =	vst v63  }
0xa3: {  	s26 =	simm.s32 $0xD800  }
0xa4: {  	[tilespmem:s26], [sflag:$0x2] =	stream.indirect_vreg.gather [hbm4b:s5+s3], $0x80, v4, vm0, $0xb8;
	[tilespmem:$0x12000] =	vst v63  }
0xa5: {  	s26 =	simm.s32 $0x11000  }
0xa6: {  	[tilespmem:s26], [sflag:$0x2] =	stream.indirect_vreg.gather [hbm4b:s1+s3], $0x80, v3, vm0, $0xb8;
	[tilespmem:$0x12000] =	vst v63  }
0xa7: {  	s26 =	simm.s32 $0x11800  }
0xa8: {  	[tilespmem:s26], [sflag:$0x2] =	stream.indirect_vreg.gather [hbm4b:s5+s3], $0x80, v3, vm0, $0xb8;
	[tilespmem:$0x12000] =	vst v63  }
0xa9: {  	_ =	swait.ge [sflag:s23], $0x2000  }
0xaa: {  	[sflag:s23] =	ssyncset.done $0x0  }
0xab: {  	[sflag:s23] =	ssyncadd.s32 $0xFFFFE000  }
0xac: {  	_ =	swait.ge [sflag:s23], $0x2000  }
0xad: {  	[sflag:s23] =	ssyncset.done $0x0  }
0xae: {  	[sflag:s23] =	ssyncadd.s32 $0xFFFFE000  }
0xaf: {  	_ =	swait.ge [sflag:s23], $0x2000  }
0xb0: {  	[sflag:s23] =	ssyncset.done $0x0  }
0xb1: {  	[sflag:s23] =	ssyncadd.s32 $0xFFFFE000  }
0xb2: {  	_ =	swait.ge [sflag:s23], $0x2000  }
0xb3: {  	[sflag:s23] =	ssyncset.done $0x0  }
0xb4: {  	s26 =	rddreg [dreg:$0xa];
	[sflag:s23] =	ssyncadd.s32 $0xFFFFE000  }
0xb5: {  	[hbm4b:s26+s3] =	stream.linear.scatter [tilespmem:s2], [sflag:$0x4], $0x8000, $0x38;
	[tilespmem:$0x12000] =	vst v63  }
0xb6: {  	_ =	swait.ge [sflag:s24], $0x8000  }
0xb7: {  	[sflag:s24] =	ssyncset.done $0x0  }
0xb8: {  	s26 =	rddreg [dreg:$0x13];
	[sflag:s24] =	ssyncadd.s32 $0xFFFF8000  }
0xb9: {  	v3 =	vld [tilespmem:s26+$0x0];
	_ =	sdelay $0x4  }
0xba: {  	v56 =	vshll.u32 v3, $0x2  }
0xbb: {  	v3 =	vand.u32 $0x7, v3;
	v4 =	vand.u32 $0xFFFFFFE0, v56  }
0xbc: {  	v3 =	vor.u32 v3, v4  }
0xbd: {  	v4 =	vperm.xlane v3, v0;
	_ =	sdelay $0x1  }
0xbe: {  	v4 =	vadd.s32 v1, v4;
	_ =	sdelay $0x1  }
0xbf: {  	v3 =	vperm.xlane v3, v2;
	_ =	sdelay $0x1  }
0xc0: {  	v3 =	vadd.s32 v1, v3  }
0xc1: {  	[tilespmem:s29], [sflag:$0x1] =	stream.indirect_vreg.gather [hbm4b:s1+s3], $0x80, v4, vm0, $0xb8;
	[tilespmem:$0x12000] =	vst v63  }
0xc2: {  	_ = 	snop  }
0xc3: {  	[tilespmem:s30], [sflag:$0x1] =	stream.indirect_vreg.gather [hbm4b:s5+s3], $0x80, v4, vm0, $0xb8;
	[tilespmem:$0x12000] =	vst v63  }
0xc4: {  	_ = 	snop  }
0xc5: {  	[tilespmem:s31], [sflag:$0x1] =	stream.indirect_vreg.gather [hbm4b:s1+s3], $0x80, v3, vm0, $0xb8;
	[tilespmem:$0x12000] =	vst v63  }
0xc6: {  	_ = 	snop  }
0xc7: {  	[tilespmem:s0], [sflag:$0x1] =	stream.indirect_vreg.gather [hbm4b:s5+s3], $0x80, v3, vm0, $0xb8;
	[tilespmem:$0x12000] =	vst v63  }
0xc8: {  	v3 =	vld [tilespmem:s26+$0x80];
	_ =	sdelay $0x4  }
0xc9: {  	v57 =	vshll.u32 v3, $0x2  }
0xca: {  	v3 =	vand.u32 $0x7, v3;
	v4 =	vand.u32 $0xFFFFFFE0, v57  }
0xcb: {  	v3 =	vor.u32 v3, v4  }
0xcc: {  	v4 =	vperm.xlane v3, v0;
	_ =	sdelay $0x1  }
0xcd: {  	v4 =	vadd.s32 v1, v4;
	_ =	sdelay $0x1  }
0xce: {  	v3 =	vperm.xlane v3, v2;
	_ =	sdelay $0x1  }
0xcf: {  	v3 =	vadd.s32 v1, v3  }
0xd0: {  	[tilespmem:s4], [sflag:$0x1] =	stream.indirect_vreg.gather [hbm4b:s1+s3], $0x80, v4, vm0, $0xb8;
	[tilespmem:$0x12000] =	vst v63  }
0xd1: {  	_ = 	snop  }
0xd2: {  	[tilespmem:s12], [sflag:$0x1] =	stream.indirect_vreg.gather [hbm4b:s5+s3], $0x80, v4, vm0, $0xb8;
	[tilespmem:$0x12000] =	vst v63  }
0xd3: {  	_ = 	snop  }
0xd4: {  	[tilespmem:s13], [sflag:$0x1] =	stream.indirect_vreg.gather [hbm4b:s1+s3], $0x80, v3, vm0, $0xb8;
	[tilespmem:$0x12000] =	vst v63  }
0xd5: {  	s4 =	rddreg [dreg:$0xb]  }
0xd6: {  	[tilespmem:s14], [sflag:$0x1] =	stream.indirect_vreg.gather [hbm4b:s5+s3], $0x80, v3, vm0, $0xb8;
	[tilespmem:$0x12000] =	vst v63  }
0xd7: {  	v3 =	vld [tilespmem:s4+$0x0];
	_ =	sdelay $0x4  }
0xd8: {  	v58 =	vshll.u32 v3, $0x2  }
0xd9: {  	v3 =	vand.u32 $0x7, v3;
	v4 =	vand.u32 $0xFFFFFFE0, v58  }
0xda: {  	v3 =	vor.u32 v3, v4  }
0xdb: {  	v4 =	vperm.xlane v3, v0;
	_ =	sdelay $0x1  }
0xdc: {  	v4 =	vadd.s32 v1, v4;
	_ =	sdelay $0x1  }
0xdd: {  	v3 =	vperm.xlane v3, v2;
	_ =	sdelay $0x1  }
0xde: {  	v3 =	vadd.s32 v1, v3  }
0xdf: {  	[tilespmem:s15], [sflag:$0x1] =	stream.indirect_vreg.gather [hbm4b:s1+s3], $0x80, v4, vm0, $0xb8;
	[tilespmem:$0x12000] =	vst v63  }
0xe0: {  	_ = 	snop  }
0xe1: {  	[tilespmem:s16], [sflag:$0x1] =	stream.indirect_vreg.gather [hbm4b:s5+s3], $0x80, v4, vm0, $0xb8;
	[tilespmem:$0x12000] =	vst v63  }
0xe2: {  	_ = 	snop  }
0xe3: {  	[tilespmem:s17], [sflag:$0x1] =	stream.indirect_vreg.gather [hbm4b:s1+s3], $0x80, v3, vm0, $0xb8;
	[tilespmem:$0x12000] =	vst v63  }
0xe4: {  	s0 =	rddreg [dreg:$0xc]  }
0xe5: {  	[tilespmem:s18], [sflag:$0x1] =	stream.indirect_vreg.gather [hbm4b:s5+s3], $0x80, v3, vm0, $0xb8;
	[tilespmem:$0x12000] =	vst v63  }
0xe6: {  	v3 =	vld [tilespmem:s0+$0x0];
	_ =	sdelay $0x4  }
0xe7: {  	v59 =	vshll.u32 v3, $0x2  }
0xe8: {  	v3 =	vand.u32 $0x7, v3;
	v4 =	vand.u32 $0xFFFFFFE0, v59  }
0xe9: {  	v3 =	vor.u32 v3, v4  }
0xea: {  	v4 =	vperm.xlane v3, v0;
	_ =	sdelay $0x1  }
0xeb: {  	v4 =	vadd.s32 v1, v4;
	_ =	sdelay $0x1  }
0xec: {  	v3 =	vperm.xlane v3, v2;
	_ =	sdelay $0x1  }
0xed: {  	v3 =	vadd.s32 v1, v3  }
0xee: {  	[tilespmem:s19], [sflag:$0x1] =	stream.indirect_vreg.gather [hbm4b:s1+s3], $0x80, v4, vm0, $0xb8;
	[tilespmem:$0x12000] =	vst v63  }
0xef: {  	_ = 	snop  }
0xf0: {  	[tilespmem:s20], [sflag:$0x1] =	stream.indirect_vreg.gather [hbm4b:s5+s3], $0x80, v4, vm0, $0xb8;
	[tilespmem:$0x12000] =	vst v63  }
0xf1: {  	_ = 	snop  }
0xf2: {  	[tilespmem:s21], [sflag:$0x1] =	stream.indirect_vreg.gather [hbm4b:s1+s3], $0x80, v3, vm0, $0xb8;
	[tilespmem:$0x12000] =	vst v63  }
0xf3: {  	_ = 	snop  }
0xf4: {  	[tilespmem:s22], [sflag:$0x1] =	stream.indirect_vreg.gather [hbm4b:s5+s3], $0x80, v3, vm0, $0xb8;
	[tilespmem:$0x12000] =	vst v63  }
0xf5: {  	_ =	swait.ge [sflag:s28], $0x2000  }
0xf6: {  	[sflag:s28] =	ssyncset.done $0x0  }
0xf7: {  	[sflag:s28] =	ssyncadd.s32 $0xFFFFE000  }
0xf8: {  	_ =	swait.ge [sflag:s28], $0x2000  }
0xf9: {  	[sflag:s28] =	ssyncset.done $0x0  }
0xfa: {  	[sflag:s28] =	ssyncadd.s32 $0xFFFFE000  }
0xfb: {  	_ =	swait.ge [sflag:s28], $0x2000  }
0xfc: {  	[sflag:s28] =	ssyncset.done $0x0  }
0xfd: {  	[sflag:s28] =	ssyncadd.s32 $0xFFFFE000  }
0xfe: {  	_ =	swait.ge [sflag:s28], $0x2000  }
0xff: {  	[sflag:s28] =	ssyncset.done $0x0  }
0x100: {  	s4 =	rddreg [dreg:$0xd];
	[sflag:s28] =	ssyncadd.s32 $0xFFFFE000  }
0x101: {  	[hbm4b:s4+s3] =	stream.linear.scatter [tilespmem:s29], [sflag:$0x3], $0x8000, $0x38;
	[tilespmem:$0x12000] =	vst v63  }
0x102: {  	_ =	swait.ge [sflag:s25], $0x8000  }
0x103: {  	[sflag:s25] =	ssyncset.done $0x0  }
0x104: {  	s0 =	rddreg [dreg:$0x14];
	[sflag:s25] =	ssyncadd.s32 $0xFFFF8000  }
0x105: {  	v3 =	vld [tilespmem:s0+$0x0];
	_ =	sdelay $0x4  }
0x106: {  	v60 =	vshll.u32 v3, $0x2  }
0x107: {  	v3 =	vand.u32 $0x7, v3;
	v4 =	vand.u32 $0xFFFFFFE0, v60  }
0x108: {  	v3 =	vor.u32 v3, v4  }
0x109: {  	v4 =	vperm.xlane v3, v0;
	_ =	sdelay $0x1  }
0x10a: {  	v4 =	vadd.s32 v1, v4;
	_ =	sdelay $0x1  }
0x10b: {  	v3 =	vperm.xlane v3, v2;
	_ =	sdelay $0x1  }
0x10c: {  	v3 =	vadd.s32 v1, v3  }
0x10d: {  	[tilespmem:s2], [sflag:$0x2] =	stream.indirect_vreg.gather [hbm4b:s1+s3], $0x80, v4, vm0, $0xb8;
	[tilespmem:$0x12000] =	vst v63  }
0x10e: {  	_ = 	snop  }
0x10f: {  	[tilespmem:s10], [sflag:$0x2] =	stream.indirect_vreg.gather [hbm4b:s5+s3], $0x80, v4, vm0, $0xb8;
	[tilespmem:$0x12000] =	vst v63  }
0x110: {  	s26 =	simm.s32 $0xE000  }
0x111: {  	[tilespmem:s26], [sflag:$0x2] =	stream.indirect_vreg.gather [hbm4b:s1+s3], $0x80, v3, vm0, $0xb8;
	[tilespmem:$0x12000] =	vst v63  }
0x112: {  	s26 =	simm.s32 $0xE800  }
0x113: {  	[tilespmem:s26], [sflag:$0x2] =	stream.indirect_vreg.gather [hbm4b:s5+s3], $0x80, v3, vm0, $0xb8;
	[tilespmem:$0x12000] =	vst v63  }
0x114: {  	v3 =	vld [tilespmem:s0+$0x80];
	_ =	sdelay $0x4  }
0x115: {  	v61 =	vshll.u32 v3, $0x2  }
0x116: {  	v3 =	vand.u32 $0x7, v3;
	v4 =	vand.u32 $0xFFFFFFE0, v61  }
0x117: {  	v3 =	vor.u32 v3, v4  }
0x118: {  	v4 =	vperm.xlane v3, v0;
	_ =	sdelay $0x1  }
0x119: {  	v4 =	vadd.s32 v1, v4;
	_ =	sdelay $0x1  }
0x11a: {  	v3 =	vperm.xlane v3, v2;
	_ =	sdelay $0x1  }
0x11b: {  	v3 =	vadd.s32 v1, v3  }
0x11c: {  	[tilespmem:s7], [sflag:$0x2] =	stream.indirect_vreg.gather [hbm4b:s1+s3], $0x80, v4, vm0, $0xb8;
	[tilespmem:$0x12000] =	vst v63  }
0x11d: {  	_ = 	snop  }
0x11e: {  	[tilespmem:s8], [sflag:$0x2] =	stream.indirect_vreg.gather [hbm4b:s5+s3], $0x80, v4, vm0, $0xb8;
	[tilespmem:$0x12000] =	vst v63  }
0x11f: {  	_ = 	snop  }
0x120: {  	[tilespmem:s11], [sflag:$0x2] =	stream.indirect_vreg.gather [hbm4b:s1+s3], $0x80, v3, vm0, $0xb8;
	[tilespmem:$0x12000] =	vst v63  }
0x121: {  	s4 =	simm.s32 $0xF800;
	s26 =	rddreg [dreg:$0xe]  }
0x122: {  	[tilespmem:s4], [sflag:$0x2] =	stream.indirect_vreg.gather [hbm4b:s5+s3], $0x80, v3, vm0, $0xb8;
	[tilespmem:$0x12000] =	vst v63  }
0x123: {  	v3 =	vld [tilespmem:s26+$0x0];
	_ =	sdelay $0x4  }
0x124: {  	v62 =	vshll.u32 v3, $0x2  }
0x125: {  	v3 =	vand.u32 $0x7, v3;
	v4 =	vand.u32 $0xFFFFFFE0, v62  }
0x126: {  	v3 =	vor.u32 v3, v4  }
0x127: {  	v4 =	vperm.xlane v3, v0;
	_ =	sdelay $0x1  }
0x128: {  	v4 =	vadd.s32 v1, v4;
	_ =	sdelay $0x1  }
0x129: {  	v3 =	vperm.xlane v3, v2;
	_ =	sdelay $0x1  }
0x12a: {  	s26 =	simm.s32 $0xC000;
	v3 =	vadd.s32 v1, v3  }
0x12b: {  	[tilespmem:s26], [sflag:$0x2] =	stream.indirect_vreg.gather [hbm4b:s1+s3], $0x80, v4, vm0, $0xb8;
	[tilespmem:$0x12000] =	vst v63  }
0x12c: {  	s4 =	simm.s32 $0xC800  }
0x12d: {  	[tilespmem:s4], [sflag:$0x2] =	stream.indirect_vreg.gather [hbm4b:s5+s3], $0x80, v4, vm0, $0xb8;
	[tilespmem:$0x12000] =	vst v63  }
0x12e: {  	s26 =	simm.s32 $0x10000  }
0x12f: {  	[tilespmem:s26], [sflag:$0x2] =	stream.indirect_vreg.gather [hbm4b:s1+s3], $0x80, v3, vm0, $0xb8;
	[tilespmem:$0x12000] =	vst v63  }
0x130: {  	s4 =	simm.s32 $0x10800;
	s26 =	rddreg [dreg:$0xf]  }
0x131: {  	[tilespmem:s4], [sflag:$0x2] =	stream.indirect_vreg.gather [hbm4b:s5+s3], $0x80, v3, vm0, $0xb8;
	[tilespmem:$0x12000] =	vst v63  }
0x132: {  	v3 =	vld [tilespmem:s26+$0x0];
	_ =	sdelay $0x4  }
0x133: {  	v63 =	vshll.u32 v3, $0x2  }
0x134: {  	v3 =	vand.u32 $0x7, v3;
	v4 =	vand.u32 $0xFFFFFFE0, v63  }
0x135: {  	v3 =	vor.u32 v3, v4  }
0x136: {  	v4 =	vperm.xlane v3, v0;
	_ =	sdelay $0x1  }
0x137: {  	v4 =	vadd.s32 v1, v4;
	_ =	sdelay $0x1  }
0x138: {  	v3 =	vperm.xlane v3, v2;
	_ =	sdelay $0x1  }
0x139: {  	v3 =	vadd.s32 v1, v3  }
0x13a: {  	[tilespmem:s6], [sflag:$0x2] =	stream.indirect_vreg.gather [hbm4b:s1+s3], $0x80, v4, vm0, $0xb8;
	[tilespmem:$0x12000] =	vst v63  }
0x13b: {  	s6 =	simm.s32 $0xD800  }
0x13c: {  	[tilespmem:s6], [sflag:$0x2] =	stream.indirect_vreg.gather [hbm4b:s5+s3], $0x80, v4, vm0, $0xb8;
	[tilespmem:$0x12000] =	vst v63  }
0x13d: {  	s26 =	simm.s32 $0x11000  }
0x13e: {  	[tilespmem:s26], [sflag:$0x2] =	stream.indirect_vreg.gather [hbm4b:s1+s3], $0x80, v3, vm0, $0xb8;
	[tilespmem:$0x12000] =	vst v63  }
0x13f: {  	s4 =	simm.s32 $0x11800  }
0x140: {  	[tilespmem:s4], [sflag:$0x2] =	stream.indirect_vreg.gather [hbm4b:s5+s3], $0x80, v3, vm0, $0xb8;
	[tilespmem:$0x12000] =	vst v63  }
0x141: {  	_ =	swait.ge [sflag:s23], $0x2000  }
0x142: {  	[sflag:s23] =	ssyncset.done $0x0  }
0x143: {  	[sflag:s23] =	ssyncadd.s32 $0xFFFFE000  }
0x144: {  	_ =	swait.ge [sflag:s23], $0x2000  }
0x145: {  	[sflag:s23] =	ssyncset.done $0x0  }
0x146: {  	[sflag:s23] =	ssyncadd.s32 $0xFFFFE000  }
0x147: {  	_ =	swait.ge [sflag:s23], $0x2000  }
0x148: {  	[sflag:s23] =	ssyncset.done $0x0  }
0x149: {  	[sflag:s23] =	ssyncadd.s32 $0xFFFFE000  }
0x14a: {  	_ =	swait.ge [sflag:s23], $0x2000  }
0x14b: {  	[sflag:s23] =	ssyncset.done $0x0  }
0x14c: {  	s6 =	rddreg [dreg:$0x10];
	[sflag:s23] =	ssyncadd.s32 $0xFFFFE000  }
0x14d: {  	[hbm4b:s6+s3] =	stream.linear.scatter [tilespmem:s2], [sflag:$0x4], $0x8000, $0x38;
	[tilespmem:$0x12000] =	vst v63  }
0x14e: {  	p0 =	sne.s32 s9, $0x1;
	_ =	swait.ge [sflag:s24], $0x8000  }
.Ltmp0:
0x14f: {  	[sflag:s24] =	ssyncset.done $0x0;
	(pc) =	sbr.rel @p0 .LBB2_1-.Ltmp0, $4  }
0x150: {  	[sflag:s24] =	ssyncadd.s32 $0xFFFF8000  }
0x151: {  	_ =	swait.ge [sflag:s25], $0x8000  }
0x152: {  	[sflag:s25] =	ssyncset.done $0x0  }
0x153: {  	s9 =	sadd.s32 $0xFFFFFFFF, s9;
	[sflag:s25] =	ssyncadd.s32 $0xFFFF8000  }
0x154: {  	_ =	sfence.sel $0x180000  }
0x155: {  	[bflag:$0x0] =	sbarrier.arrive $0xFFFF  }
0x156: {  	_ =	strace $0x9000004A  }
0x157: {  	s0 =	stileid.u32;
	[bflag:$0x2] =	sbarrier.arrive $0xFFFF  }
0x158: {  	p0 =	sne.s32 s0, $0x0;
	s0 =	rddreg [dreg:$0x3]  }
0x159: {  	s0 =	sadd.s32 @!p0 $0x100000, s0  }
0x15a: {  	[sflag:s0] =	ssyncadd.tile.s32 @!p0 $0x1;
	_ =	shalt  }
.Lfunc_end2:
_tile_overlayer_lowered:
.L_overlay_start_2:
0x15b: {  	(tag) =	ssettag $0x2  }
0x15c: {  	s0 =	rddreg [dreg:$0x0];
	s2 =	stileid.u32  }
0x15d: {  	s1 =	rddreg [dreg:$0x1];
	p0 =	sne.s32 s2, $0x0  }
0x15e: {  	s3 =	rddreg [dreg:$0x2];
	[bflag:$0x3] =	sbarrier.arrive $0xFFFF;
	s2 =	simm.s32 @!p0 $0x1C05  }
0x15f: {  	[timem:s3], [sflag:s2] =	dma.local @!p0 [hbm:s0], s1  }
0x160: {  	s0 =	simm.s32 @!p0 $0x5  }
0x161: {  	_ =	swait.ge @!p0 [sflag:s0], s1  }
0x162: {  	s1 =	ssub.s32 @!p0 $0x0, s1;
	[sflag:s0] =	ssyncset.done @!p0 $0x0  }
0x163: {  	[sflag:s0] =	ssyncadd.s32 @!p0 s1  }
0x164: {  	[bflag:$0x3] =	sbarrier.arrive $0xFFFF  }
0x165: {  	_ =	shalt  }

</sc_bundles>
